<compile_context>
chip_gen: v7x
topology: tpu7x:2x2x1
jax: 0.10.2.dev20260603
libtpu: 0.0.44.dev20260713+nightly
codegen_flags: <defaults>
</compile_context>

<pallas_src>
import functools

import jax
import jax.numpy as jnp
from jax import lax
from jax.experimental import pallas as pl
from jax.experimental.pallas import tpu as pltpu
from jax.experimental.pallas import tpu_sc as plsc

N = 10000
E = 320000
D = 128
FS = 64
OUT = 10
G = 64

NC = 2
NS = 16
NW = NC * NS
K = 256

NBUF = 1
EPT = ((E + NW * K * NBUF - 1) // (NW * K * NBUF)) * K * NBUF
E_PAD = EPT * NW
CHUNKS = EPT // K
GROUPS = CHUNKS // 2
NPAD = ((N + 1 + NS * 8 - 1) // (NS * 8)) * NS * 8
RPT = NPAD // NS
DEGW = 8

_mesh = functools.partial(
    plsc.VectorSubcoreMesh, core_axis_name="c", subcore_axis_name="s")

_sc_params = pltpu.CompilerParams(use_tc_tiling_on_sc=False)


def _deg_body(dst_hbm, zeros_hbm, ones_hbm, out_hbm,
              ones_v, idx_v, acc, sem_i, sem_s):
    c = lax.axis_index("c")
    s = lax.axis_index("s")
    wid = c * NS + s
    row0 = s * RPT
    icp = pltpu.async_copy(dst_hbm.at[pl.ds(wid * EPT, EPT)], idx_v, sem_i)
    pltpu.sync_copy(zeros_hbm.at[pl.ds(row0, RPT)], acc.at[pl.ds(row0, RPT)])
    pltpu.sync_copy(ones_hbm, ones_v)
    icp.wait()
    plsc.subcore_barrier()

    def body(j, carry):
        pltpu.async_copy(
            ones_v, acc.at[idx_v.at[pl.ds(j * K, K)]], sem_s, add=True).wait()
        return carry

    lax.fori_loop(0, CHUNKS, body, 0)
    plsc.subcore_barrier()
    pltpu.sync_copy(acc.at[pl.ds(row0, RPT)], out_hbm.at[c, pl.ds(row0, RPT)])


_deg_call = pl.kernel(
    _deg_body,
    out_type=jax.ShapeDtypeStruct((NC, NPAD, DEGW), jnp.float32),
    mesh=_mesh(),
    compiler_params=_sc_params,
    scratch_types=[
        pltpu.VMEM((K, DEGW), jnp.float32),
        pltpu.VMEM((EPT,), jnp.int32),
        pltpu.VMEM_SHARED((NPAD, DEGW), jnp.float32),
        pltpu.SemaphoreType.DMA,
        pltpu.SemaphoreType.DMA,
    ],
)


def _agg_body(g_hbm, eidx_hbm, zeros_hbm, out_hbm,
              eidx, rows, g_s, acc,
              sem_i, sem_g0, sem_g1, sem_s0, sem_s1):
    c = lax.axis_index("c")
    s = lax.axis_index("s")
    wid = c * NS + s
    base = wid * CHUNKS * 2 * K
    row0 = s * RPT
    sem_g = (sem_g0, sem_g1)
    sem_s = (sem_s0, sem_s1)
    pltpu.sync_copy(zeros_hbm.at[pl.ds(row0, RPT)], acc.at[pl.ds(row0, RPT)])
    pltpu.sync_copy(g_hbm.at[pl.ds(row0, RPT)], g_s.at[pl.ds(row0, RPT)])
    plsc.subcore_barrier()

    def fetch_idx(j, b):
        pltpu.sync_copy(
            eidx_hbm.at[pl.ds(base + j * 2 * K, 2 * K)], eidx.at[b])

    def gather(j, b):
        return pltpu.async_copy(
            g_s.at[eidx.at[b].at[pl.ds(0, K)]], rows.at[b], sem_g[b])

    def scatter(b):
        return pltpu.async_copy(
            rows.at[b], acc.at[eidx.at[b].at[pl.ds(K, K)]], sem_s[b],
            add=True)

    fetch_idx(0, 0)
    g0 = gather(0, 0)
    fetch_idx(1, 1)
    g1 = gather(1, 1)
    g0.wait()
    scatter(0)
    g1.wait()
    scatter(1)

    def body(g, carry):
        j0 = 2 * g
        for b in range(2):
            pltpu.make_async_copy(
                rows.at[b], acc.at[eidx.at[b].at[pl.ds(K, K)]],
                sem_s[b]).wait()
            fetch_idx(j0 + b, b)
            gather(j0 + b, b)
        for b in range(2):
            pltpu.make_async_copy(
                g_s.at[eidx.at[b].at[pl.ds(0, K)]], rows.at[b],
                sem_g[b]).wait()
            scatter(b)
        return carry

    lax.fori_loop(1, GROUPS, body, 0)
    for b in range(2):
        pltpu.make_async_copy(
            rows.at[b], acc.at[eidx.at[b].at[pl.ds(K, K)]],
            sem_s[b]).wait()
    plsc.subcore_barrier()
    pltpu.sync_copy(acc.at[pl.ds(row0, RPT)], out_hbm.at[c, pl.ds(row0, RPT)])


_agg_call = pl.kernel(
    _agg_body,
    out_type=jax.ShapeDtypeStruct((NC, NPAD, FS), jnp.float32),
    mesh=_mesh(),
    compiler_params=_sc_params,
    scratch_types=[
        pltpu.VMEM((2, 2 * K), jnp.int32),
        pltpu.VMEM((2, K, FS), jnp.float32),
        pltpu.VMEM_SHARED((NPAD, FS), jnp.float32),
        pltpu.VMEM_SHARED((NPAD, FS), jnp.float32),
        pltpu.SemaphoreType.DMA,
        pltpu.SemaphoreType.DMA,
        pltpu.SemaphoreType.DMA,
        pltpu.SemaphoreType.DMA,
        pltpu.SemaphoreType.DMA,
    ],
)


def _dinv_from(degp_ref):
    deg = degp_ref[0, :, 0] + degp_ref[1, :, 0]
    return jnp.where(deg > 0.0, lax.rsqrt(jnp.maximum(deg, 1e-30)), 0.0)


def _tc_matmul1(x_ref, w_ref, h_ref):
    h_ref[...] = jnp.dot(
        x_ref[...], w_ref[...], preferred_element_type=jnp.float32)


def _tc_scale1(h_ref, degp_ref, g_ref):
    dinv = _dinv_from(degp_ref)
    g_ref[...] = h_ref[...] * dinv[:, None]


def _tc_layer(aggp_ref, degp_ref, b_ref, w_ref, x_ref, g_ref):
    dinv = _dinv_from(degp_ref)
    agg = aggp_ref[0] + aggp_ref[1]
    xk = jnp.maximum(agg * dinv[:, None] + b_ref[...][None, :], 0.0)
    x_ref[...] = xk
    g_ref[...] = jnp.dot(
        xk, w_ref[...], preferred_element_type=jnp.float32) * dinv[:, None]


def _tc_final(aggp_ref, degp_ref, b_ref, x1_ref, x2_ref, batch_ref,
              wf_ref, bf_ref, out_ref):
    dinv = _dinv_from(degp_ref)
    x3 = jnp.maximum(
        (aggp_ref[0] + aggp_ref[1]) * dinv[:, None] + b_ref[...][None, :], 0.0)
    xc = jnp.concatenate([x1_ref[...], x2_ref[...], x3], axis=1)[:N]
    seg = lax.broadcasted_iota(jnp.int32, (G, N), 0)
    p = (batch_ref[...][None, :] == seg).astype(jnp.float32)
    sums = jnp.dot(p, xc, preferred_element_type=jnp.float32)
    cnt = jnp.sum(p, axis=1)
    pooled = sums / jnp.maximum(cnt, 1.0)[:, None]
    logits = jnp.dot(
        pooled, wf_ref[...], preferred_element_type=jnp.float32
    ) + bf_ref[...][None, :]
    m = jnp.max(logits, axis=1, keepdims=True)
    ex = jnp.exp(logits - m)
    out_ref[...] = ex / jnp.sum(ex, axis=1, keepdims=True)


def kernel(x, edge_index, batch, W1, b1, W2, b2, W3, b3, Wf, bf):
    f32 = jnp.float32
    src = edge_index[0]
    dst = edge_index[1]
    pad_idx = jnp.full((E_PAD - E,), N, jnp.int32)
    src_p = jnp.concatenate([src, pad_idx])
    dst_p = jnp.concatenate([dst, pad_idx])
    eidx_p = jnp.stack(
        [src_p.reshape(NW, CHUNKS, K), dst_p.reshape(NW, CHUNKS, K)],
        axis=2).reshape(-1)
    x_pad = jnp.zeros((NPAD, D), f32).at[:N].set(x)
    zeros_deg = jnp.zeros((NPAD, DEGW), f32)
    ones_deg = jnp.ones((K, DEGW), f32)
    zeros_fs = jnp.zeros((NPAD, FS), f32)

    h1 = pl.pallas_call(
        _tc_matmul1,
        out_shape=jax.ShapeDtypeStruct((NPAD, FS), f32),
    )(x_pad, W1)

    degp = _deg_call(dst_p, zeros_deg, ones_deg)

    g1 = pl.pallas_call(
        _tc_scale1,
        out_shape=jax.ShapeDtypeStruct((NPAD, FS), f32),
    )(h1, degp)

    aggp1 = _agg_call(g1, eidx_p, zeros_fs)

    x1, g2 = pl.pallas_call(
        _tc_layer,
        out_shape=(jax.ShapeDtypeStruct((NPAD, FS), f32),
                   jax.ShapeDtypeStruct((NPAD, FS), f32)),
    )(aggp1, degp, b1, W2)

    aggp2 = _agg_call(g2, eidx_p, zeros_fs)

    x2, g3 = pl.pallas_call(
        _tc_layer,
        out_shape=(jax.ShapeDtypeStruct((NPAD, FS), f32),
                   jax.ShapeDtypeStruct((NPAD, FS), f32)),
    )(aggp2, degp, b2, W3)

    aggp3 = _agg_call(g3, eidx_p, zeros_fs)

    return pl.pallas_call(
        _tc_final,
        out_shape=jax.ShapeDtypeStruct((G, OUT), f32),
    )(aggp3, degp, b3, x1, x2, batch, Wf, bf)

# --- scband reference (transcript-rebuilt; emitter-appended) ---
"""Pipeline reference for scband-superpixel-gcn-15762529976320 (READ-ONLY COPY).

The authoritative reference and input builder live on the scoring server;
editing this copy changes nothing except your own understanding.
"""

import jax, jax.numpy as jnp
import numpy as np

N = 10000
E = 320000
D = 128
FS = 64
OUT = 10
G = 64


def setup_inputs(seed: int = 0) -> dict:
    key = jax.random.key(seed)
    ks = jax.random.split(key, 12)
    x = jax.random.normal(ks[0], (N, D), dtype=jnp.float32)
    edge_index = jax.random.randint(ks[1], (2, E), 0, N, dtype=jnp.int32)
    batch = jnp.sort(jax.random.randint(ks[2], (N,), 0, G, dtype=jnp.int32))
    def glorot(k, fan_in, fan_out):
        lim = jnp.sqrt(6.0 / (fan_in + fan_out))
        return jax.random.uniform(k, (fan_in, fan_out), dtype=jnp.float32, minval=-lim, maxval=lim)
    W1 = glorot(ks[3], D, FS)
    b1 = jnp.zeros((FS,), jnp.float32)
    W2 = glorot(ks[4], FS, FS)
    b2 = jnp.zeros((FS,), jnp.float32)
    W3 = glorot(ks[5], FS, FS)
    b3 = jnp.zeros((FS,), jnp.float32)
    Wf = glorot(ks[6], 3 * FS, OUT)
    bf = jnp.zeros((OUT,), jnp.float32)
    return {"x": x, "edge_index": edge_index, "batch": batch,
            "W1": W1, "b1": b1, "W2": W2, "b2": b2, "W3": W3, "b3": b3,
            "Wf": Wf, "bf": bf}


def _gcn_conv(x, W, b, src, dst):
    # GCNConv with add_self_loops=False, normalize=True
    deg = jax.ops.segment_sum(jnp.ones(src.shape[0], jnp.float32), dst, num_segments=N)
    dinv = jnp.where(deg > 0, 1.0 / jnp.sqrt(deg), 0.0)
    norm = dinv[src] * dinv[dst]
    h = x @ W
    out = jax.ops.segment_sum(h[src] * norm[:, None], dst, num_segments=N)
    return out + b


def reference(x, edge_index, batch, W1, b1, W2, b2, W3, b3, Wf, bf):
    src = edge_index[0]
    dst = edge_index[1]
    x1 = jax.nn.relu(_gcn_conv(x, W1, b1, src, dst))
    x2 = jax.nn.relu(_gcn_conv(x1, W2, b2, src, dst))
    x3 = jax.nn.relu(_gcn_conv(x2, W3, b3, src, dst))
    xc = jnp.concatenate([x1, x2, x3], axis=1)
    sums = jax.ops.segment_sum(xc, batch, num_segments=G)
    cnt = jax.ops.segment_sum(jnp.ones(N, jnp.float32), batch, num_segments=G)
    pooled = sums / jnp.maximum(cnt, 1.0)[:, None]
    logits = pooled @ Wf + bf
    return jax.nn.softmax(logits, axis=1)

if __name__ == "__main__":
    import jax
    _d = setup_inputs()
    print(jax.jit(kernel)(*tuple(_d.values())))

</pallas_src>

<mosaic_0001>
#map = affine_map<(d0, d1) -> (0)>
#map1 = affine_map<(d0, d1) -> (0, 0)>
#map2 = affine_map<(d0, d1) -> (0, 0, 0)>
module attributes {stable_mosaic.version = 14 : i64} {
  func.func @_deg_body(%arg0: i32, %arg1: i32, %arg2: memref<327680xi32, #tpu.memory_space<hbm>>, %arg3: memref<10112x8xf32, #tpu.memory_space<hbm>>, %arg4: memref<256x8xf32, #tpu.memory_space<hbm>>, %arg5: memref<2x10112x8xf32, #tpu.memory_space<hbm>>, %arg6: memref<256x8xf32, #tpu.memory_space<vmem>>, %arg7: memref<10240xi32, #tpu.memory_space<vmem>>, %arg8: memref<10112x8xf32, #tpu.memory_space<vmem_shared>>, %arg9: memref<!tpu.dma_semaphore, #tpu.memory_space<semaphore_mem>>, %arg10: memref<!tpu.dma_semaphore, #tpu.memory_space<semaphore_mem>>) attributes {dimension_semantics = [#tpu.dimension_semantics<core_parallel>, #tpu.dimension_semantics<subcore_parallel>], iteration_bounds = array<i64: 2, 16>, scalar_prefetch = 0 : i64, scratch_operands = 5 : i64, tpu.core_type = #tpu.core_type<sc_vector_subcore>, window_params = [{transform_indices = #map}, {transform_indices = #map1}, {transform_indices = #map1}, {transform_indices = #map2}]} {
    %mul3A = arith.constant 16 : i32
    %mul3A_0 = arith.muli %arg0, %mul3A : i32
    %add3A = arith.addi %mul3A_0, %arg1 : i32
    %mul3A_1 = arith.constant 632 : i32
    %mul3A_2 = arith.muli %arg1, %mul3A_1 : i32
    %mul3A_3 = arith.constant 10240 : i32
    %mul3A_4 = arith.muli %add3A, %mul3A_3 : i32
    %dma_start3A = tpu.memref_slice %arg2[%mul3A_4] : memref<327680xi32, #tpu.memory_space<hbm>> -> memref<10240xi32, #tpu.memory_space<hbm>>
    %dma_start3A_5 = tpu.memref_slice %arg2[%mul3A_4] : memref<327680xi32, #tpu.memory_space<hbm>> -> memref<10240xi32, #tpu.memory_space<hbm>>
    tpu.enqueue_dma source(%dma_start3A_5 : memref<10240xi32, #tpu.memory_space<hbm>>) target(%arg7 : memref<10240xi32, #tpu.memory_space<vmem>>) target_semaphore(%arg9 : memref<!tpu.dma_semaphore, #tpu.memory_space<semaphore_mem>>)
    "tpu.region"() ({
      %run_scoped3A = tpu.sem_alloc : memref<!tpu.dma_semaphore, #tpu.memory_space<semaphore_mem>>
      %dma_start3A_13 = arith.constant 0 : i32
      %dma_start3A_14 = tpu.memref_slice %arg8[%mul3A_2, %dma_start3A_13] : memref<10112x8xf32, #tpu.memory_space<vmem_shared>> -> memref<632x8xf32, #tpu.memory_space<vmem_shared>>
      %dma_start3A_15 = arith.constant 0 : i32
      %dma_start3A_16 = tpu.memref_slice %arg3[%mul3A_2, %dma_start3A_15] : memref<10112x8xf32, #tpu.memory_space<hbm>> -> memref<632x8xf32, #tpu.memory_space<hbm>>
      tpu.enqueue_dma source(%dma_start3A_16 : memref<632x8xf32, #tpu.memory_space<hbm>>) target(%dma_start3A_14 : memref<632x8xf32, #tpu.memory_space<vmem_shared>>) target_semaphore(%run_scoped3A : memref<!tpu.dma_semaphore, #tpu.memory_space<semaphore_mem>>)
      %dma_wait3A_17 = arith.constant 0 : i32
      %dma_wait3A_18 = tpu.memref_slice %arg8[%mul3A_2, %dma_wait3A_17] : memref<10112x8xf32, #tpu.memory_space<vmem_shared>> -> memref<632x8xf32, #tpu.memory_space<vmem_shared>>
      %dma_wait3A_19 = arith.constant 0 : i32
      %dma_wait3A_20 = tpu.memref_slice %arg3[%mul3A_2, %dma_wait3A_19] : memref<10112x8xf32, #tpu.memory_space<hbm>> -> memref<632x8xf32, #tpu.memory_space<hbm>>
      tpu.wait_dma2 semaphore(%run_scoped3A : memref<!tpu.dma_semaphore, #tpu.memory_space<semaphore_mem>>) src(%dma_wait3A_20 : memref<632x8xf32, #tpu.memory_space<hbm>>) dst(%dma_wait3A_18 : memref<632x8xf32, #tpu.memory_space<vmem_shared>>)
      tpu.yield
    }) : () -> ()
    "tpu.region"() ({
      %run_scoped3A = tpu.sem_alloc : memref<!tpu.dma_semaphore, #tpu.memory_space<semaphore_mem>>
      tpu.enqueue_dma source(%arg4 : memref<256x8xf32, #tpu.memory_space<hbm>>) target(%arg6 : memref<256x8xf32, #tpu.memory_space<vmem>>) target_semaphore(%run_scoped3A : memref<!tpu.dma_semaphore, #tpu.memory_space<semaphore_mem>>)
      tpu.wait_dma2 semaphore(%run_scoped3A : memref<!tpu.dma_semaphore, #tpu.memory_space<semaphore_mem>>) src(%arg4 : memref<256x8xf32, #tpu.memory_space<hbm>>) dst(%arg6 : memref<256x8xf32, #tpu.memory_space<vmem>>)
      tpu.yield
    }) : () -> ()
    %dma_wait3A = tpu.memref_slice %arg2[%mul3A_4] : memref<327680xi32, #tpu.memory_space<hbm>> -> memref<10240xi32, #tpu.memory_space<hbm>>
    %dma_wait3A_6 = tpu.memref_slice %arg2[%mul3A_4] : memref<327680xi32, #tpu.memory_space<hbm>> -> memref<10240xi32, #tpu.memory_space<hbm>>
    tpu.wait_dma2 semaphore(%arg9 : memref<!tpu.dma_semaphore, #tpu.memory_space<semaphore_mem>>) src(%dma_wait3A_6 : memref<10240xi32, #tpu.memory_space<hbm>>) dst(%arg7 : memref<10240xi32, #tpu.memory_space<vmem>>)
    %barrier3A = arith.constant 0 : index
    tpu.barrier barrier_id(%barrier3A)
    %scan3A = arith.constant 0 : i32
    %scan3A_7 = arith.constant 0 : i32
    %scan3A_8 = arith.constant 40 : i32
    %scan3A_9 = arith.addi %scan3A_7, %scan3A_8 : i32
    %scan3A_10 = arith.constant 1 : i32
    scf.for %scan3A_13 = %scan3A_7 to %scan3A_9 step %scan3A_10  : i32 {
      %mul3A_14 = arith.constant 256 : i32
      %mul3A_15 = arith.muli %scan3A_13, %mul3A_14 : i32
      %dma_start3A_16 = tpu.memref_slice %arg7[%mul3A_15] : memref<10240xi32, #tpu.memory_space<vmem>> -> memref<256xi32, #tpu.memory_space<vmem>>
      %dma_start3A_17 = arith.constant 0 : i32
      %dma_start3A_18 = arith.constant 0 : i32
      %dma_start3A_19 = tpu.memref_slice %arg8[%dma_start3A_17, %dma_start3A_18] : memref<10112x8xf32, #tpu.memory_space<vmem_shared>> -> memref<10112x8xf32, #tpu.memory_space<vmem_shared>>
      tpu.enqueue_indirect_dma source(%arg6 : memref<256x8xf32, #tpu.memory_space<vmem>>) target(%dma_start3A_19 : memref<10112x8xf32, #tpu.memory_space<vmem_shared>>) offsets(%dma_start3A_16 : memref<256xi32, #tpu.memory_space<vmem>>) semaphore(%arg10 : memref<!tpu.dma_semaphore, #tpu.memory_space<semaphore_mem>>) {add = true}
      %dma_wait3A_20 = tpu.memref_slice %arg7[%mul3A_15] : memref<10240xi32, #tpu.memory_space<vmem>> -> memref<256xi32, #tpu.memory_space<vmem>>
      %dma_wait3A_21 = arith.constant 0 : i32
      %dma_wait3A_22 = arith.constant 0 : i32
      %dma_wait3A_23 = tpu.memref_slice %arg8[%dma_wait3A_21, %dma_wait3A_22] : memref<10112x8xf32, #tpu.memory_space<vmem_shared>> -> memref<10112x8xf32, #tpu.memory_space<vmem_shared>>
      tpu.wait_indirect_dma semaphore(%arg10 : memref<!tpu.dma_semaphore, #tpu.memory_space<semaphore_mem>>) src(%arg6 : memref<256x8xf32, #tpu.memory_space<vmem>>) dst(%dma_wait3A_23 : memref<10112x8xf32, #tpu.memory_space<vmem_shared>>)
    }
    %scan3A_11 = arith.constant 40 : i32
    %barrier3A_12 = arith.constant 0 : index
    tpu.barrier barrier_id(%barrier3A_12)
    "tpu.region"() ({
      %run_scoped3A = tpu.sem_alloc : memref<!tpu.dma_semaphore, #tpu.memory_space<semaphore_mem>>
      %dma_start3A_13 = arith.constant 0 : i32
      %dma_start3A_14 = tpu.memref_slice %arg5[%arg0, %mul3A_2, %dma_start3A_13] : memref<2x10112x8xf32, #tpu.memory_space<hbm>> -> memref<1x632x8xf32, #tpu.memory_space<hbm>>
      %dma_start3A_15 = tpu.memref_squeeze %dma_start3A_14 : memref<1x632x8xf32, #tpu.memory_space<hbm>> -> memref<632x8xf32, #tpu.memory_space<hbm>>
      %dma_start3A_16 = arith.constant 0 : i32
      %dma_start3A_17 = tpu.memref_slice %arg8[%mul3A_2, %dma_start3A_16] : memref<10112x8xf32, #tpu.memory_space<vmem_shared>> -> memref<632x8xf32, #tpu.memory_space<vmem_shared>>
      tpu.enqueue_dma source(%dma_start3A_17 : memref<632x8xf32, #tpu.memory_space<vmem_shared>>) target(%dma_start3A_15 : memref<632x8xf32, #tpu.memory_space<hbm>>) target_semaphore(%run_scoped3A : memref<!tpu.dma_semaphore, #tpu.memory_space<semaphore_mem>>)
      %dma_wait3A_18 = arith.constant 0 : i32
      %dma_wait3A_19 = tpu.memref_slice %arg5[%arg0, %mul3A_2, %dma_wait3A_18] : memref<2x10112x8xf32, #tpu.memory_space<hbm>> -> memref<1x632x8xf32, #tpu.memory_space<hbm>>
      %dma_wait3A_20 = tpu.memref_squeeze %dma_wait3A_19 : memref<1x632x8xf32, #tpu.memory_space<hbm>> -> memref<632x8xf32, #tpu.memory_space<hbm>>
      %dma_wait3A_21 = arith.constant 0 : i32
      %dma_wait3A_22 = tpu.memref_slice %arg8[%mul3A_2, %dma_wait3A_21] : memref<10112x8xf32, #tpu.memory_space<vmem_shared>> -> memref<632x8xf32, #tpu.memory_space<vmem_shared>>
      tpu.wait_dma2 semaphore(%run_scoped3A : memref<!tpu.dma_semaphore, #tpu.memory_space<semaphore_mem>>) src(%dma_wait3A_22 : memref<632x8xf32, #tpu.memory_space<vmem_shared>>) dst(%dma_wait3A_20 : memref<632x8xf32, #tpu.memory_space<hbm>>)
      tpu.yield
    }) : () -> ()
    return
  }
}

#map = affine_map<(d0, d1) -> (0, 0)>
#map1 = affine_map<(d0, d1) -> (0)>
#map2 = affine_map<(d0, d1) -> (0, 0, 0)>
module attributes {stable_mosaic.version = 14 : i64} {
  func.func @_agg_body(%arg0: i32, %arg1: i32, %arg2: memref<10112x64xf32, #tpu.memory_space<hbm>>, %arg3: memref<655360xi32, #tpu.memory_space<hbm>>, %arg4: memref<10112x64xf32, #tpu.memory_space<hbm>>, %arg5: memref<2x10112x64xf32, #tpu.memory_space<hbm>>, %arg6: memref<2x512xi32, #tpu.memory_space<vmem>>, %arg7: memref<2x256x64xf32, #tpu.memory_space<vmem>>, %arg8: memref<10112x64xf32, #tpu.memory_space<vmem_shared>>, %arg9: memref<10112x64xf32, #tpu.memory_space<vmem_shared>>, %arg10: memref<!tpu.dma_semaphore, #tpu.memory_space<semaphore_mem>>, %arg11: memref<!tpu.dma_semaphore, #tpu.memory_space<semaphore_mem>>, %arg12: memref<!tpu.dma_semaphore, #tpu.memory_space<semaphore_mem>>, %arg13: memref<!tpu.dma_semaphore, #tpu.memory_space<semaphore_mem>>, %arg14: memref<!tpu.dma_semaphore, #tpu.memory_space<semaphore_mem>>) attributes {dimension_semantics = [#tpu.dimension_semantics<core_parallel>, #tpu.dimension_semantics<subcore_parallel>], iteration_bounds = array<i64: 2, 16>, scalar_prefetch = 0 : i64, scratch_operands = 9 : i64, tpu.core_type = #tpu.core_type<sc_vector_subcore>, window_params = [{transform_indices = #map}, {transform_indices = #map1}, {transform_indices = #map}, {transform_indices = #map2}]} {
    %mul3A = arith.constant 16 : i32
    %mul3A_0 = arith.muli %arg0, %mul3A : i32
    %add3A = arith.addi %mul3A_0, %arg1 : i32
    %mul3A_1 = arith.constant 40 : i32
    %mul3A_2 = arith.muli %add3A, %mul3A_1 : i32
    %mul3A_3 = arith.constant 2 : i32
    %mul3A_4 = arith.muli %mul3A_2, %mul3A_3 : i32
    %mul3A_5 = arith.constant 256 : i32
    %mul3A_6 = arith.muli %mul3A_4, %mul3A_5 : i32
    %mul3A_7 = arith.constant 632 : i32
    %mul3A_8 = arith.muli %arg1, %mul3A_7 : i32
    "tpu.region"() ({
      %run_scoped3A_130 = tpu.sem_alloc : memref<!tpu.dma_semaphore, #tpu.memory_space<semaphore_mem>>
      %dma_start3A_131 = arith.constant 0 : i32
      %dma_start3A_132 = tpu.memref_slice %arg9[%mul3A_8, %dma_start3A_131] : memref<10112x64xf32, #tpu.memory_space<vmem_shared>> -> memref<632x64xf32, #tpu.memory_space<vmem_shared>>
      %dma_start3A_133 = arith.constant 0 : i32
      %dma_start3A_134 = tpu.memref_slice %arg4[%mul3A_8, %dma_start3A_133] : memref<10112x64xf32, #tpu.memory_space<hbm>> -> memref<632x64xf32, #tpu.memory_space<hbm>>
      tpu.enqueue_dma source(%dma_start3A_134 : memref<632x64xf32, #tpu.memory_space<hbm>>) target(%dma_start3A_132 : memref<632x64xf32, #tpu.memory_space<vmem_shared>>) target_semaphore(%run_scoped3A_130 : memref<!tpu.dma_semaphore, #tpu.memory_space<semaphore_mem>>)
      %dma_wait3A_135 = arith.constant 0 : i32
      %dma_wait3A_136 = tpu.memref_slice %arg9[%mul3A_8, %dma_wait3A_135] : memref<10112x64xf32, #tpu.memory_space<vmem_shared>> -> memref<632x64xf32, #tpu.memory_space<vmem_shared>>
      %dma_wait3A_137 = arith.constant 0 : i32
      %dma_wait3A_138 = tpu.memref_slice %arg4[%mul3A_8, %dma_wait3A_137] : memref<10112x64xf32, #tpu.memory_space<hbm>> -> memref<632x64xf32, #tpu.memory_space<hbm>>
      tpu.wait_dma2 semaphore(%run_scoped3A_130 : memref<!tpu.dma_semaphore, #tpu.memory_space<semaphore_mem>>) src(%dma_wait3A_138 : memref<632x64xf32, #tpu.memory_space<hbm>>) dst(%dma_wait3A_136 : memref<632x64xf32, #tpu.memory_space<vmem_shared>>)
      tpu.yield
    }) : () -> ()
    "tpu.region"() ({
      %run_scoped3A_130 = tpu.sem_alloc : memref<!tpu.dma_semaphore, #tpu.memory_space<semaphore_mem>>
      %dma_start3A_131 = arith.constant 0 : i32
      %dma_start3A_132 = tpu.memref_slice %arg8[%mul3A_8, %dma_start3A_131] : memref<10112x64xf32, #tpu.memory_space<vmem_shared>> -> memref<632x64xf32, #tpu.memory_space<vmem_shared>>
      %dma_start3A_133 = arith.constant 0 : i32
      %dma_start3A_134 = tpu.memref_slice %arg2[%mul3A_8, %dma_start3A_133] : memref<10112x64xf32, #tpu.memory_space<hbm>> -> memref<632x64xf32, #tpu.memory_space<hbm>>
      tpu.enqueue_dma source(%dma_start3A_134 : memref<632x64xf32, #tpu.memory_space<hbm>>) target(%dma_start3A_132 : memref<632x64xf32, #tpu.memory_space<vmem_shared>>) target_semaphore(%run_scoped3A_130 : memref<!tpu.dma_semaphore, #tpu.memory_space<semaphore_mem>>)
      %dma_wait3A_135 = arith.constant 0 : i32
      %dma_wait3A_136 = tpu.memref_slice %arg8[%mul3A_8, %dma_wait3A_135] : memref<10112x64xf32, #tpu.memory_space<vmem_shared>> -> memref<632x64xf32, #tpu.memory_space<vmem_shared>>
      %dma_wait3A_137 = arith.constant 0 : i32
      %dma_wait3A_138 = tpu.memref_slice %arg2[%mul3A_8, %dma_wait3A_137] : memref<10112x64xf32, #tpu.memory_space<hbm>> -> memref<632x64xf32, #tpu.memory_space<hbm>>
      tpu.wait_dma2 semaphore(%run_scoped3A_130 : memref<!tpu.dma_semaphore, #tpu.memory_space<semaphore_mem>>) src(%dma_wait3A_138 : memref<632x64xf32, #tpu.memory_space<hbm>>) dst(%dma_wait3A_136 : memref<632x64xf32, #tpu.memory_space<vmem_shared>>)
      tpu.yield
    }) : () -> ()
    %barrier3A = arith.constant 0 : index
    tpu.barrier barrier_id(%barrier3A)
    %add3A_9 = arith.constant 0 : i32
    %add3A_10 = arith.addi %mul3A_6, %add3A_9 : i32
    %run_scoped3A = arith.constant 0 : i32
    "tpu.region"() ({
      %run_scoped3A_130 = tpu.sem_alloc : memref<!tpu.dma_semaphore, #tpu.memory_space<semaphore_mem>>
      %dma_start3A_131 = arith.constant 0 : i32
      %dma_start3A_132 = tpu.memref_slice %arg6[%run_scoped3A, %dma_start3A_131] : memref<2x512xi32, #tpu.memory_space<vmem>> -> memref<1x512xi32, #tpu.memory_space<vmem>>
      %dma_start3A_133 = tpu.memref_squeeze %dma_start3A_132 : memref<1x512xi32, #tpu.memory_space<vmem>> -> memref<512xi32, #tpu.memory_space<vmem>>
      %dma_start3A_134 = tpu.memref_slice %arg3[%add3A_10] : memref<655360xi32, #tpu.memory_space<hbm>> -> memref<512xi32, #tpu.memory_space<hbm>>
      %dma_start3A_135 = arith.constant 0 : i32
      %dma_start3A_136 = tpu.memref_slice %arg6[%run_scoped3A, %dma_start3A_135] : memref<2x512xi32, #tpu.memory_space<vmem>> -> memref<1x512xi32, #tpu.memory_space<vmem>>
      %dma_start3A_137 = tpu.memref_squeeze %dma_start3A_136 : memref<1x512xi32, #tpu.memory_space<vmem>> -> memref<512xi32, #tpu.memory_space<vmem>>
      %dma_start3A_138 = tpu.memref_slice %arg3[%add3A_10] : memref<655360xi32, #tpu.memory_space<hbm>> -> memref<512xi32, #tpu.memory_space<hbm>>
      tpu.enqueue_dma source(%dma_start3A_138 : memref<512xi32, #tpu.memory_space<hbm>>) target(%dma_start3A_137 : memref<512xi32, #tpu.memory_space<vmem>>) target_semaphore(%run_scoped3A_130 : memref<!tpu.dma_semaphore, #tpu.memory_space<semaphore_mem>>)
      %dma_wait3A_139 = arith.constant 0 : i32
      %dma_wait3A_140 = tpu.memref_slice %arg6[%run_scoped3A, %dma_wait3A_139] : memref<2x512xi32, #tpu.memory_space<vmem>> -> memref<1x512xi32, #tpu.memory_space<vmem>>
      %dma_wait3A_141 = tpu.memref_squeeze %dma_wait3A_140 : memref<1x512xi32, #tpu.memory_space<vmem>> -> memref<512xi32, #tpu.memory_space<vmem>>
      %dma_wait3A_142 = tpu.memref_slice %arg3[%add3A_10] : memref<655360xi32, #tpu.memory_space<hbm>> -> memref<512xi32, #tpu.memory_space<hbm>>
      %dma_wait3A_143 = arith.constant 0 : i32
      %dma_wait3A_144 = tpu.memref_slice %arg6[%run_scoped3A, %dma_wait3A_143] : memref<2x512xi32, #tpu.memory_space<vmem>> -> memref<1x512xi32, #tpu.memory_space<vmem>>
      %dma_wait3A_145 = tpu.memref_squeeze %dma_wait3A_144 : memref<1x512xi32, #tpu.memory_space<vmem>> -> memref<512xi32, #tpu.memory_space<vmem>>
      %dma_wait3A_146 = tpu.memref_slice %arg3[%add3A_10] : memref<655360xi32, #tpu.memory_space<hbm>> -> memref<512xi32, #tpu.memory_space<hbm>>
      tpu.wait_dma2 semaphore(%run_scoped3A_130 : memref<!tpu.dma_semaphore, #tpu.memory_space<semaphore_mem>>) src(%dma_wait3A_146 : memref<512xi32, #tpu.memory_space<hbm>>) dst(%dma_wait3A_145 : memref<512xi32, #tpu.memory_space<vmem>>)
      tpu.yield
    }) : () -> ()
    %dma_start3A = arith.constant 0 : i32
    %dma_start3A_11 = arith.constant 0 : i32
    %dma_start3A_12 = arith.constant 0 : i32
    %dma_start3A_13 = arith.constant 0 : i32
    %dma_start3A_14 = tpu.memref_slice %arg7[%dma_start3A_11, %dma_start3A_12, %dma_start3A_13] : memref<2x256x64xf32, #tpu.memory_space<vmem>> -> memref<1x256x64xf32, #tpu.memory_space<vmem>>
    %dma_start3A_15 = tpu.memref_squeeze %dma_start3A_14 : memref<1x256x64xf32, #tpu.memory_space<vmem>> -> memref<256x64xf32, #tpu.memory_space<vmem>>
    %dma_start3A_16 = arith.constant 0 : i32
    %dma_start3A_17 = tpu.memref_slice %arg6[%dma_start3A, %dma_start3A_16] : memref<2x512xi32, #tpu.memory_space<vmem>> -> memref<1x512xi32, #tpu.memory_space<vmem>>
    %dma_start3A_18 = tpu.memref_squeeze %dma_start3A_17 : memref<1x512xi32, #tpu.memory_space<vmem>> -> memref<512xi32, #tpu.memory_space<vmem>>
    %dma_start3A_19 = arith.constant 0 : i32
    %dma_start3A_20 = tpu.memref_slice %dma_start3A_18[%dma_start3A_19] : memref<512xi32, #tpu.memory_space<vmem>> -> memref<256xi32, #tpu.memory_space<vmem>>
    %dma_start3A_21 = arith.constant 0 : i32
    %dma_start3A_22 = arith.constant 0 : i32
    %dma_start3A_23 = tpu.memref_slice %arg8[%dma_start3A_21, %dma_start3A_22] : memref<10112x64xf32, #tpu.memory_space<vmem_shared>> -> memref<10112x64xf32, #tpu.memory_space<vmem_shared>>
    tpu.enqueue_indirect_dma source(%dma_start3A_23 : memref<10112x64xf32, #tpu.memory_space<vmem_shared>>) target(%dma_start3A_15 : memref<256x64xf32, #tpu.memory_space<vmem>>) offsets(%dma_start3A_20 : memref<256xi32, #tpu.memory_space<vmem>>) semaphore(%arg11 : memref<!tpu.dma_semaphore, #tpu.memory_space<semaphore_mem>>)
    %add3A_24 = arith.constant 512 : i32
    %add3A_25 = arith.addi %mul3A_6, %add3A_24 : i32
    %run_scoped3A_26 = arith.constant 1 : i32
    "tpu.region"() ({
      %run_scoped3A_130 = tpu.sem_alloc : memref<!tpu.dma_semaphore, #tpu.memory_space<semaphore_mem>>
      %dma_start3A_131 = arith.constant 0 : i32
      %dma_start3A_132 = tpu.memref_slice %arg6[%run_scoped3A_26, %dma_start3A_131] : memref<2x512xi32, #tpu.memory_space<vmem>> -> memref<1x512xi32, #tpu.memory_space<vmem>>
      %dma_start3A_133 = tpu.memref_squeeze %dma_start3A_132 : memref<1x512xi32, #tpu.memory_space<vmem>> -> memref<512xi32, #tpu.memory_space<vmem>>
      %dma_start3A_134 = tpu.memref_slice %arg3[%add3A_25] : memref<655360xi32, #tpu.memory_space<hbm>> -> memref<512xi32, #tpu.memory_space<hbm>>
      %dma_start3A_135 = arith.constant 0 : i32
      %dma_start3A_136 = tpu.memref_slice %arg6[%run_scoped3A_26, %dma_start3A_135] : memref<2x512xi32, #tpu.memory_space<vmem>> -> memref<1x512xi32, #tpu.memory_space<vmem>>
      %dma_start3A_137 = tpu.memref_squeeze %dma_start3A_136 : memref<1x512xi32, #tpu.memory_space<vmem>> -> memref<512xi32, #tpu.memory_space<vmem>>
      %dma_start3A_138 = tpu.memref_slice %arg3[%add3A_25] : memref<655360xi32, #tpu.memory_space<hbm>> -> memref<512xi32, #tpu.memory_space<hbm>>
      tpu.enqueue_dma source(%dma_start3A_138 : memref<512xi32, #tpu.memory_space<hbm>>) target(%dma_start3A_137 : memref<512xi32, #tpu.memory_space<vmem>>) target_semaphore(%run_scoped3A_130 : memref<!tpu.dma_semaphore, #tpu.memory_space<semaphore_mem>>)
      %dma_wait3A_139 = arith.constant 0 : i32
      %dma_wait3A_140 = tpu.memref_slice %arg6[%run_scoped3A_26, %dma_wait3A_139] : memref<2x512xi32, #tpu.memory_space<vmem>> -> memref<1x512xi32, #tpu.memory_space<vmem>>
      %dma_wait3A_141 = tpu.memref_squeeze %dma_wait3A_140 : memref<1x512xi32, #tpu.memory_space<vmem>> -> memref<512xi32, #tpu.memory_space<vmem>>
      %dma_wait3A_142 = tpu.memref_slice %arg3[%add3A_25] : memref<655360xi32, #tpu.memory_space<hbm>> -> memref<512xi32, #tpu.memory_space<hbm>>
      %dma_wait3A_143 = arith.constant 0 : i32
      %dma_wait3A_144 = tpu.memref_slice %arg6[%run_scoped3A_26, %dma_wait3A_143] : memref<2x512xi32, #tpu.memory_space<vmem>> -> memref<1x512xi32, #tpu.memory_space<vmem>>
      %dma_wait3A_145 = tpu.memref_squeeze %dma_wait3A_144 : memref<1x512xi32, #tpu.memory_space<vmem>> -> memref<512xi32, #tpu.memory_space<vmem>>
      %dma_wait3A_146 = tpu.memref_slice %arg3[%add3A_25] : memref<655360xi32, #tpu.memory_space<hbm>> -> memref<512xi32, #tpu.memory_space<hbm>>
      tpu.wait_dma2 semaphore(%run_scoped3A_130 : memref<!tpu.dma_semaphore, #tpu.memory_space<semaphore_mem>>) src(%dma_wait3A_146 : memref<512xi32, #tpu.memory_space<hbm>>) dst(%dma_wait3A_145 : memref<512xi32, #tpu.memory_space<vmem>>)
      tpu.yield
    }) : () -> ()
    %dma_start3A_27 = arith.constant 1 : i32
    %dma_start3A_28 = arith.constant 1 : i32
    %dma_start3A_29 = arith.constant 0 : i32
    %dma_start3A_30 = arith.constant 0 : i32
    %dma_start3A_31 = tpu.memref_slice %arg7[%dma_start3A_28, %dma_start3A_29, %dma_start3A_30] : memref<2x256x64xf32, #tpu.memory_space<vmem>> -> memref<1x256x64xf32, #tpu.memory_space<vmem>>
    %dma_start3A_32 = tpu.memref_squeeze %dma_start3A_31 : memref<1x256x64xf32, #tpu.memory_space<vmem>> -> memref<256x64xf32, #tpu.memory_space<vmem>>
    %dma_start3A_33 = arith.constant 0 : i32
    %dma_start3A_34 = tpu.memref_slice %arg6[%dma_start3A_27, %dma_start3A_33] : memref<2x512xi32, #tpu.memory_space<vmem>> -> memref<1x512xi32, #tpu.memory_space<vmem>>
    %dma_start3A_35 = tpu.memref_squeeze %dma_start3A_34 : memref<1x512xi32, #tpu.memory_space<vmem>> -> memref<512xi32, #tpu.memory_space<vmem>>
    %dma_start3A_36 = arith.constant 0 : i32
    %dma_start3A_37 = tpu.memref_slice %dma_start3A_35[%dma_start3A_36] : memref<512xi32, #tpu.memory_space<vmem>> -> memref<256xi32, #tpu.memory_space<vmem>>
    %dma_start3A_38 = arith.constant 0 : i32
    %dma_start3A_39 = arith.constant 0 : i32
    %dma_start3A_40 = tpu.memref_slice %arg8[%dma_start3A_38, %dma_start3A_39] : memref<10112x64xf32, #tpu.memory_space<vmem_shared>> -> memref<10112x64xf32, #tpu.memory_space<vmem_shared>>
    tpu.enqueue_indirect_dma source(%dma_start3A_40 : memref<10112x64xf32, #tpu.memory_space<vmem_shared>>) target(%dma_start3A_32 : memref<256x64xf32, #tpu.memory_space<vmem>>) offsets(%dma_start3A_37 : memref<256xi32, #tpu.memory_space<vmem>>) semaphore(%arg12 : memref<!tpu.dma_semaphore, #tpu.memory_space<semaphore_mem>>)
    %dma_wait3A = arith.constant 0 : i32
    %dma_wait3A_41 = arith.constant 0 : i32
    %dma_wait3A_42 = arith.constant 0 : i32
    %dma_wait3A_43 = arith.constant 0 : i32
    %dma_wait3A_44 = tpu.memref_slice %arg7[%dma_wait3A_41, %dma_wait3A_42, %dma_wait3A_43] : memref<2x256x64xf32, #tpu.memory_space<vmem>> -> memref<1x256x64xf32, #tpu.memory_space<vmem>>
    %dma_wait3A_45 = tpu.memref_squeeze %dma_wait3A_44 : memref<1x256x64xf32, #tpu.memory_space<vmem>> -> memref<256x64xf32, #tpu.memory_space<vmem>>
    %dma_wait3A_46 = arith.constant 0 : i32
    %dma_wait3A_47 = tpu.memref_slice %arg6[%dma_wait3A, %dma_wait3A_46] : memref<2x512xi32, #tpu.memory_space<vmem>> -> memref<1x512xi32, #tpu.memory_space<vmem>>
    %dma_wait3A_48 = tpu.memref_squeeze %dma_wait3A_47 : memref<1x512xi32, #tpu.memory_space<vmem>> -> memref<512xi32, #tpu.memory_space<vmem>>
    %dma_wait3A_49 = arith.constant 0 : i32
    %dma_wait3A_50 = tpu.memref_slice %dma_wait3A_48[%dma_wait3A_49] : memref<512xi32, #tpu.memory_space<vmem>> -> memref<256xi32, #tpu.memory_space<vmem>>
    %dma_wait3A_51 = arith.constant 0 : i32
    %dma_wait3A_52 = arith.constant 0 : i32
    %dma_wait3A_53 = tpu.memref_slice %arg8[%dma_wait3A_51, %dma_wait3A_52] : memref<10112x64xf32, #tpu.memory_space<vmem_shared>> -> memref<10112x64xf32, #tpu.memory_space<vmem_shared>>
    tpu.wait_indirect_dma semaphore(%arg11 : memref<!tpu.dma_semaphore, #tpu.memory_space<semaphore_mem>>) src(%dma_wait3A_53 : memref<10112x64xf32, #tpu.memory_space<vmem_shared>>) dst(%dma_wait3A_45 : memref<256x64xf32, #tpu.memory_space<vmem>>)
    %dma_start3A_54 = arith.constant 0 : i32
    %dma_start3A_55 = arith.constant 0 : i32
    %dma_start3A_56 = arith.constant 0 : i32
    %dma_start3A_57 = arith.constant 0 : i32
    %dma_start3A_58 = tpu.memref_slice %arg7[%dma_start3A_54, %dma_start3A_56, %dma_start3A_57] : memref<2x256x64xf32, #tpu.memory_space<vmem>> -> memref<1x256x64xf32, #tpu.memory_space<vmem>>
    %dma_start3A_59 = tpu.memref_squeeze %dma_start3A_58 : memref<1x256x64xf32, #tpu.memory_space<vmem>> -> memref<256x64xf32, #tpu.memory_space<vmem>>
    %dma_start3A_60 = arith.constant 0 : i32
    %dma_start3A_61 = tpu.memref_slice %arg6[%dma_start3A_55, %dma_start3A_60] : memref<2x512xi32, #tpu.memory_space<vmem>> -> memref<1x512xi32, #tpu.memory_space<vmem>>
    %dma_start3A_62 = tpu.memref_squeeze %dma_start3A_61 : memref<1x512xi32, #tpu.memory_space<vmem>> -> memref<512xi32, #tpu.memory_space<vmem>>
    %dma_start3A_63 = arith.constant 256 : i32
    %dma_start3A_64 = tpu.memref_slice %dma_start3A_62[%dma_start3A_63] : memref<512xi32, #tpu.memory_space<vmem>> -> memref<256xi32, #tpu.memory_space<vmem>>
    %dma_start3A_65 = arith.constant 0 : i32
    %dma_start3A_66 = arith.constant 0 : i32
    %dma_start3A_67 = tpu.memref_slice %arg9[%dma_start3A_65, %dma_start3A_66] : memref<10112x64xf32, #tpu.memory_space<vmem_shared>> -> memref<10112x64xf32, #tpu.memory_space<vmem_shared>>
    tpu.enqueue_indirect_dma source(%dma_start3A_59 : memref<256x64xf32, #tpu.memory_space<vmem>>) target(%dma_start3A_67 : memref<10112x64xf32, #tpu.memory_space<vmem_shared>>) offsets(%dma_start3A_64 : memref<256xi32, #tpu.memory_space<vmem>>) semaphore(%arg13 : memref<!tpu.dma_semaphore, #tpu.memory_space<semaphore_mem>>) {add = true}
    %dma_wait3A_68 = arith.constant 1 : i32
    %dma_wait3A_69 = arith.constant 1 : i32
    %dma_wait3A_70 = arith.constant 0 : i32
    %dma_wait3A_71 = arith.constant 0 : i32
    %dma_wait3A_72 = tpu.memref_slice %arg7[%dma_wait3A_69, %dma_wait3A_70, %dma_wait3A_71] : memref<2x256x64xf32, #tpu.memory_space<vmem>> -> memref<1x256x64xf32, #tpu.memory_space<vmem>>
    %dma_wait3A_73 = tpu.memref_squeeze %dma_wait3A_72 : memref<1x256x64xf32, #tpu.memory_space<vmem>> -> memref<256x64xf32, #tpu.memory_space<vmem>>
    %dma_wait3A_74 = arith.constant 0 : i32
    %dma_wait3A_75 = tpu.memref_slice %arg6[%dma_wait3A_68, %dma_wait3A_74] : memref<2x512xi32, #tpu.memory_space<vmem>> -> memref<1x512xi32, #tpu.memory_space<vmem>>
    %dma_wait3A_76 = tpu.memref_squeeze %dma_wait3A_75 : memref<1x512xi32, #tpu.memory_space<vmem>> -> memref<512xi32, #tpu.memory_space<vmem>>
    %dma_wait3A_77 = arith.constant 0 : i32
    %dma_wait3A_78 = tpu.memref_slice %dma_wait3A_76[%dma_wait3A_77] : memref<512xi32, #tpu.memory_space<vmem>> -> memref<256xi32, #tpu.memory_space<vmem>>
    %dma_wait3A_79 = arith.constant 0 : i32
    %dma_wait3A_80 = arith.constant 0 : i32
    %dma_wait3A_81 = tpu.memref_slice %arg8[%dma_wait3A_79, %dma_wait3A_80] : memref<10112x64xf32, #tpu.memory_space<vmem_shared>> -> memref<10112x64xf32, #tpu.memory_space<vmem_shared>>
    tpu.wait_indirect_dma semaphore(%arg12 : memref<!tpu.dma_semaphore, #tpu.memory_space<semaphore_mem>>) src(%dma_wait3A_81 : memref<10112x64xf32, #tpu.memory_space<vmem_shared>>) dst(%dma_wait3A_73 : memref<256x64xf32, #tpu.memory_space<vmem>>)
    %dma_start3A_82 = arith.constant 1 : i32
    %dma_start3A_83 = arith.constant 1 : i32
    %dma_start3A_84 = arith.constant 0 : i32
    %dma_start3A_85 = arith.constant 0 : i32
    %dma_start3A_86 = tpu.memref_slice %arg7[%dma_start3A_82, %dma_start3A_84, %dma_start3A_85] : memref<2x256x64xf32, #tpu.memory_space<vmem>> -> memref<1x256x64xf32, #tpu.memory_space<vmem>>
    %dma_start3A_87 = tpu.memref_squeeze %dma_start3A_86 : memref<1x256x64xf32, #tpu.memory_space<vmem>> -> memref<256x64xf32, #tpu.memory_space<vmem>>
    %dma_start3A_88 = arith.constant 0 : i32
    %dma_start3A_89 = tpu.memref_slice %arg6[%dma_start3A_83, %dma_start3A_88] : memref<2x512xi32, #tpu.memory_space<vmem>> -> memref<1x512xi32, #tpu.memory_space<vmem>>
    %dma_start3A_90 = tpu.memref_squeeze %dma_start3A_89 : memref<1x512xi32, #tpu.memory_space<vmem>> -> memref<512xi32, #tpu.memory_space<vmem>>
    %dma_start3A_91 = arith.constant 256 : i32
    %dma_start3A_92 = tpu.memref_slice %dma_start3A_90[%dma_start3A_91] : memref<512xi32, #tpu.memory_space<vmem>> -> memref<256xi32, #tpu.memory_space<vmem>>
    %dma_start3A_93 = arith.constant 0 : i32
    %dma_start3A_94 = arith.constant 0 : i32
    %dma_start3A_95 = tpu.memref_slice %arg9[%dma_start3A_93, %dma_start3A_94] : memref<10112x64xf32, #tpu.memory_space<vmem_shared>> -> memref<10112x64xf32, #tpu.memory_space<vmem_shared>>
    tpu.enqueue_indirect_dma source(%dma_start3A_87 : memref<256x64xf32, #tpu.memory_space<vmem>>) target(%dma_start3A_95 : memref<10112x64xf32, #tpu.memory_space<vmem_shared>>) offsets(%dma_start3A_92 : memref<256xi32, #tpu.memory_space<vmem>>) semaphore(%arg14 : memref<!tpu.dma_semaphore, #tpu.memory_space<semaphore_mem>>) {add = true}
    %scan3A = arith.constant 0 : i32
    %scan3A_96 = arith.constant 1 : i32
    %scan3A_97 = arith.constant 19 : i32
    %scan3A_98 = arith.addi %scan3A_96, %scan3A_97 : i32
    %scan3A_99 = arith.constant 1 : i32
    scf.for %scan3A_130 = %scan3A_96 to %scan3A_98 step %scan3A_99  : i32 {
      %mul3A_131 = arith.constant 2 : i32
      %mul3A_132 = arith.muli %mul3A_131, %scan3A_130 : i32
      %dma_wait3A_133 = arith.constant 0 : i32
      %dma_wait3A_134 = arith.constant 0 : i32
      %dma_wait3A_135 = arith.constant 0 : i32
      %dma_wait3A_136 = arith.constant 0 : i32
      %dma_wait3A_137 = tpu.memref_slice %arg7[%dma_wait3A_133, %dma_wait3A_135, %dma_wait3A_136] : memref<2x256x64xf32, #tpu.memory_space<vmem>> -> memref<1x256x64xf32, #tpu.memory_space<vmem>>
      %dma_wait3A_138 = tpu.memref_squeeze %dma_wait3A_137 : memref<1x256x64xf32, #tpu.memory_space<vmem>> -> memref<256x64xf32, #tpu.memory_space<vmem>>
      %dma_wait3A_139 = arith.constant 0 : i32
      %dma_wait3A_140 = tpu.memref_slice %arg6[%dma_wait3A_134, %dma_wait3A_139] : memref<2x512xi32, #tpu.memory_space<vmem>> -> memref<1x512xi32, #tpu.memory_space<vmem>>
      %dma_wait3A_141 = tpu.memref_squeeze %dma_wait3A_140 : memref<1x512xi32, #tpu.memory_space<vmem>> -> memref<512xi32, #tpu.memory_space<vmem>>
      %dma_wait3A_142 = arith.constant 256 : i32
      %dma_wait3A_143 = tpu.memref_slice %dma_wait3A_141[%dma_wait3A_142] : memref<512xi32, #tpu.memory_space<vmem>> -> memref<256xi32, #tpu.memory_space<vmem>>
      %dma_wait3A_144 = arith.constant 0 : i32
      %dma_wait3A_145 = arith.constant 0 : i32
      %dma_wait3A_146 = tpu.memref_slice %arg9[%dma_wait3A_144, %dma_wait3A_145] : memref<10112x64xf32, #tpu.memory_space<vmem_shared>> -> memref<10112x64xf32, #tpu.memory_space<vmem_shared>>
      tpu.wait_indirect_dma semaphore(%arg13 : memref<!tpu.dma_semaphore, #tpu.memory_space<semaphore_mem>>) src(%dma_wait3A_138 : memref<256x64xf32, #tpu.memory_space<vmem>>) dst(%dma_wait3A_146 : memref<10112x64xf32, #tpu.memory_space<vmem_shared>>)
      %add3A_147 = arith.constant 0 : i32
      %add3A_148 = arith.addi %mul3A_132, %add3A_147 : i32
      %mul3A_149 = arith.constant 2 : i32
      %mul3A_150 = arith.muli %add3A_148, %mul3A_149 : i32
      %mul3A_151 = arith.constant 256 : i32
      %mul3A_152 = arith.muli %mul3A_150, %mul3A_151 : i32
      %add3A_153 = arith.addi %mul3A_6, %mul3A_152 : i32
      %run_scoped3A_154 = arith.constant 0 : i32
      "tpu.region"() ({
        %run_scoped3A_265 = tpu.sem_alloc : memref<!tpu.dma_semaphore, #tpu.memory_space<semaphore_mem>>
        %dma_start3A_266 = arith.constant 0 : i32
        %dma_start3A_267 = tpu.memref_slice %arg6[%run_scoped3A_154, %dma_start3A_266] : memref<2x512xi32, #tpu.memory_space<vmem>> -> memref<1x512xi32, #tpu.memory_space<vmem>>
        %dma_start3A_268 = tpu.memref_squeeze %dma_start3A_267 : memref<1x512xi32, #tpu.memory_space<vmem>> -> memref<512xi32, #tpu.memory_space<vmem>>
        %dma_start3A_269 = tpu.memref_slice %arg3[%add3A_153] : memref<655360xi32, #tpu.memory_space<hbm>> -> memref<512xi32, #tpu.memory_space<hbm>>
        %dma_start3A_270 = arith.constant 0 : i32
        %dma_start3A_271 = tpu.memref_slice %arg6[%run_scoped3A_154, %dma_start3A_270] : memref<2x512xi32, #tpu.memory_space<vmem>> -> memref<1x512xi32, #tpu.memory_space<vmem>>
        %dma_start3A_272 = tpu.memref_squeeze %dma_start3A_271 : memref<1x512xi32, #tpu.memory_space<vmem>> -> memref<512xi32, #tpu.memory_space<vmem>>
        %dma_start3A_273 = tpu.memref_slice %arg3[%add3A_153] : memref<655360xi32, #tpu.memory_space<hbm>> -> memref<512xi32, #tpu.memory_space<hbm>>
        tpu.enqueue_dma source(%dma_start3A_273 : memref<512xi32, #tpu.memory_space<hbm>>) target(%dma_start3A_272 : memref<512xi32, #tpu.memory_space<vmem>>) target_semaphore(%run_scoped3A_265 : memref<!tpu.dma_semaphore, #tpu.memory_space<semaphore_mem>>)
        %dma_wait3A_274 = arith.constant 0 : i32
        %dma_wait3A_275 = tpu.memref_slice %arg6[%run_scoped3A_154, %dma_wait3A_274] : memref<2x512xi32, #tpu.memory_space<vmem>> -> memref<1x512xi32, #tpu.memory_space<vmem>>
        %dma_wait3A_276 = tpu.memref_squeeze %dma_wait3A_275 : memref<1x512xi32, #tpu.memory_space<vmem>> -> memref<512xi32, #tpu.memory_space<vmem>>
        %dma_wait3A_277 = tpu.memref_slice %arg3[%add3A_153] : memref<655360xi32, #tpu.memory_space<hbm>> -> memref<512xi32, #tpu.memory_space<hbm>>
        %dma_wait3A_278 = arith.constant 0 : i32
        %dma_wait3A_279 = tpu.memref_slice %arg6[%run_scoped3A_154, %dma_wait3A_278] : memref<2x512xi32, #tpu.memory_space<vmem>> -> memref<1x512xi32, #tpu.memory_space<vmem>>
        %dma_wait3A_280 = tpu.memref_squeeze %dma_wait3A_279 : memref<1x512xi32, #tpu.memory_space<vmem>> -> memref<512xi32, #tpu.memory_space<vmem>>
        %dma_wait3A_281 = tpu.memref_slice %arg3[%add3A_153] : memref<655360xi32, #tpu.memory_space<hbm>> -> memref<512xi32, #tpu.memory_space<hbm>>
        tpu.wait_dma2 semaphore(%run_scoped3A_265 : memref<!tpu.dma_semaphore, #tpu.memory_space<semaphore_mem>>) src(%dma_wait3A_281 : memref<512xi32, #tpu.memory_space<hbm>>) dst(%dma_wait3A_280 : memref<512xi32, #tpu.memory_space<vmem>>)
        tpu.yield
      }) : () -> ()
      %add3A_155 = arith.constant 0 : i32
      %add3A_156 = arith.addi %mul3A_132, %add3A_155 : i32
      %dma_start3A_157 = arith.constant 0 : i32
      %dma_start3A_158 = arith.constant 0 : i32
      %dma_start3A_159 = arith.constant 0 : i32
      %dma_start3A_160 = arith.constant 0 : i32
      %dma_start3A_161 = tpu.memref_slice %arg7[%dma_start3A_158, %dma_start3A_159, %dma_start3A_160] : memref<2x256x64xf32, #tpu.memory_space<vmem>> -> memref<1x256x64xf32, #tpu.memory_space<vmem>>
      %dma_start3A_162 = tpu.memref_squeeze %dma_start3A_161 : memref<1x256x64xf32, #tpu.memory_space<vmem>> -> memref<256x64xf32, #tpu.memory_space<vmem>>
      %dma_start3A_163 = arith.constant 0 : i32
      %dma_start3A_164 = tpu.memref_slice %arg6[%dma_start3A_157, %dma_start3A_163] : memref<2x512xi32, #tpu.memory_space<vmem>> -> memref<1x512xi32, #tpu.memory_space<vmem>>
      %dma_start3A_165 = tpu.memref_squeeze %dma_start3A_164 : memref<1x512xi32, #tpu.memory_space<vmem>> -> memref<512xi32, #tpu.memory_space<vmem>>
      %dma_start3A_166 = arith.constant 0 : i32
      %dma_start3A_167 = tpu.memref_slice %dma_start3A_165[%dma_start3A_166] : memref<512xi32, #tpu.memory_space<vmem>> -> memref<256xi32, #tpu.memory_space<vmem>>
      %dma_start3A_168 = arith.constant 0 : i32
      %dma_start3A_169 = arith.constant 0 : i32
      %dma_start3A_170 = tpu.memref_slice %arg8[%dma_start3A_168, %dma_start3A_169] : memref<10112x64xf32, #tpu.memory_space<vmem_shared>> -> memref<10112x64xf32, #tpu.memory_space<vmem_shared>>
      tpu.enqueue_indirect_dma source(%dma_start3A_170 : memref<10112x64xf32, #tpu.memory_space<vmem_shared>>) target(%dma_start3A_162 : memref<256x64xf32, #tpu.memory_space<vmem>>) offsets(%dma_start3A_167 : memref<256xi32, #tpu.memory_space<vmem>>) semaphore(%arg11 : memref<!tpu.dma_semaphore, #tpu.memory_space<semaphore_mem>>)
      %dma_wait3A_171 = arith.constant 1 : i32
      %dma_wait3A_172 = arith.constant 1 : i32
      %dma_wait3A_173 = arith.constant 0 : i32
      %dma_wait3A_174 = arith.constant 0 : i32
      %dma_wait3A_175 = tpu.memref_slice %arg7[%dma_wait3A_171, %dma_wait3A_173, %dma_wait3A_174] : memref<2x256x64xf32, #tpu.memory_space<vmem>> -> memref<1x256x64xf32, #tpu.memory_space<vmem>>
      %dma_wait3A_176 = tpu.memref_squeeze %dma_wait3A_175 : memref<1x256x64xf32, #tpu.memory_space<vmem>> -> memref<256x64xf32, #tpu.memory_space<vmem>>
      %dma_wait3A_177 = arith.constant 0 : i32
      %dma_wait3A_178 = tpu.memref_slice %arg6[%dma_wait3A_172, %dma_wait3A_177] : memref<2x512xi32, #tpu.memory_space<vmem>> -> memref<1x512xi32, #tpu.memory_space<vmem>>
      %dma_wait3A_179 = tpu.memref_squeeze %dma_wait3A_178 : memref<1x512xi32, #tpu.memory_space<vmem>> -> memref<512xi32, #tpu.memory_space<vmem>>
      %dma_wait3A_180 = arith.constant 256 : i32
      %dma_wait3A_181 = tpu.memref_slice %dma_wait3A_179[%dma_wait3A_180] : memref<512xi32, #tpu.memory_space<vmem>> -> memref<256xi32, #tpu.memory_space<vmem>>
      %dma_wait3A_182 = arith.constant 0 : i32
      %dma_wait3A_183 = arith.constant 0 : i32
      %dma_wait3A_184 = tpu.memref_slice %arg9[%dma_wait3A_182, %dma_wait3A_183] : memref<10112x64xf32, #tpu.memory_space<vmem_shared>> -> memref<10112x64xf32, #tpu.memory_space<vmem_shared>>
      tpu.wait_indirect_dma semaphore(%arg14 : memref<!tpu.dma_semaphore, #tpu.memory_space<semaphore_mem>>) src(%dma_wait3A_176 : memref<256x64xf32, #tpu.memory_space<vmem>>) dst(%dma_wait3A_184 : memref<10112x64xf32, #tpu.memory_space<vmem_shared>>)
      %add3A_185 = arith.constant 1 : i32
      %add3A_186 = arith.addi %mul3A_132, %add3A_185 : i32
      %mul3A_187 = arith.constant 2 : i32
      %mul3A_188 = arith.muli %add3A_186, %mul3A_187 : i32
      %mul3A_189 = arith.constant 256 : i32
      %mul3A_190 = arith.muli %mul3A_188, %mul3A_189 : i32
      %add3A_191 = arith.addi %mul3A_6, %mul3A_190 : i32
      %run_scoped3A_192 = arith.constant 1 : i32
      "tpu.region"() ({
        %run_scoped3A_265 = tpu.sem_alloc : memref<!tpu.dma_semaphore, #tpu.memory_space<semaphore_mem>>
        %dma_start3A_266 = arith.constant 0 : i32
        %dma_start3A_267 = tpu.memref_slice %arg6[%run_scoped3A_192, %dma_start3A_266] : memref<2x512xi32, #tpu.memory_space<vmem>> -> memref<1x512xi32, #tpu.memory_space<vmem>>
        %dma_start3A_268 = tpu.memref_squeeze %dma_start3A_267 : memref<1x512xi32, #tpu.memory_space<vmem>> -> memref<512xi32, #tpu.memory_space<vmem>>
        %dma_start3A_269 = tpu.memref_slice %arg3[%add3A_191] : memref<655360xi32, #tpu.memory_space<hbm>> -> memref<512xi32, #tpu.memory_space<hbm>>
        %dma_start3A_270 = arith.constant 0 : i32
        %dma_start3A_271 = tpu.memref_slice %arg6[%run_scoped3A_192, %dma_start3A_270] : memref<2x512xi32, #tpu.memory_space<vmem>> -> memref<1x512xi32, #tpu.memory_space<vmem>>
        %dma_start3A_272 = tpu.memref_squeeze %dma_start3A_271 : memref<1x512xi32, #tpu.memory_space<vmem>> -> memref<512xi32, #tpu.memory_space<vmem>>
        %dma_start3A_273 = tpu.memref_slice %arg3[%add3A_191] : memref<655360xi32, #tpu.memory_space<hbm>> -> memref<512xi32, #tpu.memory_space<hbm>>
        tpu.enqueue_dma source(%dma_start3A_273 : memref<512xi32, #tpu.memory_space<hbm>>) target(%dma_start3A_272 : memref<512xi32, #tpu.memory_space<vmem>>) target_semaphore(%run_scoped3A_265 : memref<!tpu.dma_semaphore, #tpu.memory_space<semaphore_mem>>)
        %dma_wait3A_274 = arith.constant 0 : i32
        %dma_wait3A_275 = tpu.memref_slice %arg6[%run_scoped3A_192, %dma_wait3A_274] : memref<2x512xi32, #tpu.memory_space<vmem>> -> memref<1x512xi32, #tpu.memory_space<vmem>>
        %dma_wait3A_276 = tpu.memref_squeeze %dma_wait3A_275 : memref<1x512xi32, #tpu.memory_space<vmem>> -> memref<512xi32, #tpu.memory_space<vmem>>
        %dma_wait3A_277 = tpu.memref_slice %arg3[%add3A_191] : memref<655360xi32, #tpu.memory_space<hbm>> -> memref<512xi32, #tpu.memory_space<hbm>>
        %dma_wait3A_278 = arith.constant 0 : i32
        %dma_wait3A_279 = tpu.memref_slice %arg6[%run_scoped3A_192, %dma_wait3A_278] : memref<2x512xi32, #tpu.memory_space<vmem>> -> memref<1x512xi32, #tpu.memory_space<vmem>>
        %dma_wait3A_280 = tpu.memref_squeeze %dma_wait3A_279 : memref<1x512xi32, #tpu.memory_space<vmem>> -> memref<512xi32, #tpu.memory_space<vmem>>
        %dma_wait3A_281 = tpu.memref_slice %arg3[%add3A_191] : memref<655360xi32, #tpu.memory_space<hbm>> -> memref<512xi32, #tpu.memory_space<hbm>>
        tpu.wait_dma2 semaphore(%run_scoped3A_265 : memref<!tpu.dma_semaphore, #tpu.memory_space<semaphore_mem>>) src(%dma_wait3A_281 : memref<512xi32, #tpu.memory_space<hbm>>) dst(%dma_wait3A_280 : memref<512xi32, #tpu.memory_space<vmem>>)
        tpu.yield
      }) : () -> ()
      %add3A_193 = arith.constant 1 : i32
      %add3A_194 = arith.addi %mul3A_132, %add3A_193 : i32
      %dma_start3A_195 = arith.constant 1 : i32
      %dma_start3A_196 = arith.constant 1 : i32
      %dma_start3A_197 = arith.constant 0 : i32
      %dma_start3A_198 = arith.constant 0 : i32
      %dma_start3A_199 = tpu.memref_slice %arg7[%dma_start3A_196, %dma_start3A_197, %dma_start3A_198] : memref<2x256x64xf32, #tpu.memory_space<vmem>> -> memref<1x256x64xf32, #tpu.memory_space<vmem>>
      %dma_start3A_200 = tpu.memref_squeeze %dma_start3A_199 : memref<1x256x64xf32, #tpu.memory_space<vmem>> -> memref<256x64xf32, #tpu.memory_space<vmem>>
      %dma_start3A_201 = arith.constant 0 : i32
      %dma_start3A_202 = tpu.memref_slice %arg6[%dma_start3A_195, %dma_start3A_201] : memref<2x512xi32, #tpu.memory_space<vmem>> -> memref<1x512xi32, #tpu.memory_space<vmem>>
      %dma_start3A_203 = tpu.memref_squeeze %dma_start3A_202 : memref<1x512xi32, #tpu.memory_space<vmem>> -> memref<512xi32, #tpu.memory_space<vmem>>
      %dma_start3A_204 = arith.constant 0 : i32
      %dma_start3A_205 = tpu.memref_slice %dma_start3A_203[%dma_start3A_204] : memref<512xi32, #tpu.memory_space<vmem>> -> memref<256xi32, #tpu.memory_space<vmem>>
      %dma_start3A_206 = arith.constant 0 : i32
      %dma_start3A_207 = arith.constant 0 : i32
      %dma_start3A_208 = tpu.memref_slice %arg8[%dma_start3A_206, %dma_start3A_207] : memref<10112x64xf32, #tpu.memory_space<vmem_shared>> -> memref<10112x64xf32, #tpu.memory_space<vmem_shared>>
      tpu.enqueue_indirect_dma source(%dma_start3A_208 : memref<10112x64xf32, #tpu.memory_space<vmem_shared>>) target(%dma_start3A_200 : memref<256x64xf32, #tpu.memory_space<vmem>>) offsets(%dma_start3A_205 : memref<256xi32, #tpu.memory_space<vmem>>) semaphore(%arg12 : memref<!tpu.dma_semaphore, #tpu.memory_space<semaphore_mem>>)
      %dma_wait3A_209 = arith.constant 0 : i32
      %dma_wait3A_210 = arith.constant 0 : i32
      %dma_wait3A_211 = arith.constant 0 : i32
      %dma_wait3A_212 = arith.constant 0 : i32
      %dma_wait3A_213 = tpu.memref_slice %arg7[%dma_wait3A_210, %dma_wait3A_211, %dma_wait3A_212] : memref<2x256x64xf32, #tpu.memory_space<vmem>> -> memref<1x256x64xf32, #tpu.memory_space<vmem>>
      %dma_wait3A_214 = tpu.memref_squeeze %dma_wait3A_213 : memref<1x256x64xf32, #tpu.memory_space<vmem>> -> memref<256x64xf32, #tpu.memory_space<vmem>>
      %dma_wait3A_215 = arith.constant 0 : i32
      %dma_wait3A_216 = tpu.memref_slice %arg6[%dma_wait3A_209, %dma_wait3A_215] : memref<2x512xi32, #tpu.memory_space<vmem>> -> memref<1x512xi32, #tpu.memory_space<vmem>>
      %dma_wait3A_217 = tpu.memref_squeeze %dma_wait3A_216 : memref<1x512xi32, #tpu.memory_space<vmem>> -> memref<512xi32, #tpu.memory_space<vmem>>
      %dma_wait3A_218 = arith.constant 0 : i32
      %dma_wait3A_219 = tpu.memref_slice %dma_wait3A_217[%dma_wait3A_218] : memref<512xi32, #tpu.memory_space<vmem>> -> memref<256xi32, #tpu.memory_space<vmem>>
      %dma_wait3A_220 = arith.constant 0 : i32
      %dma_wait3A_221 = arith.constant 0 : i32
      %dma_wait3A_222 = tpu.memref_slice %arg8[%dma_wait3A_220, %dma_wait3A_221] : memref<10112x64xf32, #tpu.memory_space<vmem_shared>> -> memref<10112x64xf32, #tpu.memory_space<vmem_shared>>
      tpu.wait_indirect_dma semaphore(%arg11 : memref<!tpu.dma_semaphore, #tpu.memory_space<semaphore_mem>>) src(%dma_wait3A_222 : memref<10112x64xf32, #tpu.memory_space<vmem_shared>>) dst(%dma_wait3A_214 : memref<256x64xf32, #tpu.memory_space<vmem>>)
      %dma_start3A_223 = arith.constant 0 : i32
      %dma_start3A_224 = arith.constant 0 : i32
      %dma_start3A_225 = arith.constant 0 : i32
      %dma_start3A_226 = arith.constant 0 : i32
      %dma_start3A_227 = tpu.memref_slice %arg7[%dma_start3A_223, %dma_start3A_225, %dma_start3A_226] : memref<2x256x64xf32, #tpu.memory_space<vmem>> -> memref<1x256x64xf32, #tpu.memory_space<vmem>>
      %dma_start3A_228 = tpu.memref_squeeze %dma_start3A_227 : memref<1x256x64xf32, #tpu.memory_space<vmem>> -> memref<256x64xf32, #tpu.memory_space<vmem>>
      %dma_start3A_229 = arith.constant 0 : i32
      %dma_start3A_230 = tpu.memref_slice %arg6[%dma_start3A_224, %dma_start3A_229] : memref<2x512xi32, #tpu.memory_space<vmem>> -> memref<1x512xi32, #tpu.memory_space<vmem>>
      %dma_start3A_231 = tpu.memref_squeeze %dma_start3A_230 : memref<1x512xi32, #tpu.memory_space<vmem>> -> memref<512xi32, #tpu.memory_space<vmem>>
      %dma_start3A_232 = arith.constant 256 : i32
      %dma_start3A_233 = tpu.memref_slice %dma_start3A_231[%dma_start3A_232] : memref<512xi32, #tpu.memory_space<vmem>> -> memref<256xi32, #tpu.memory_space<vmem>>
      %dma_start3A_234 = arith.constant 0 : i32
      %dma_start3A_235 = arith.constant 0 : i32
      %dma_start3A_236 = tpu.memref_slice %arg9[%dma_start3A_234, %dma_start3A_235] : memref<10112x64xf32, #tpu.memory_space<vmem_shared>> -> memref<10112x64xf32, #tpu.memory_space<vmem_shared>>
      tpu.enqueue_indirect_dma source(%dma_start3A_228 : memref<256x64xf32, #tpu.memory_space<vmem>>) target(%dma_start3A_236 : memref<10112x64xf32, #tpu.memory_space<vmem_shared>>) offsets(%dma_start3A_233 : memref<256xi32, #tpu.memory_space<vmem>>) semaphore(%arg13 : memref<!tpu.dma_semaphore, #tpu.memory_space<semaphore_mem>>) {add = true}
      %dma_wait3A_237 = arith.constant 1 : i32
      %dma_wait3A_238 = arith.constant 1 : i32
      %dma_wait3A_239 = arith.constant 0 : i32
      %dma_wait3A_240 = arith.constant 0 : i32
      %dma_wait3A_241 = tpu.memref_slice %arg7[%dma_wait3A_238, %dma_wait3A_239, %dma_wait3A_240] : memref<2x256x64xf32, #tpu.memory_space<vmem>> -> memref<1x256x64xf32, #tpu.memory_space<vmem>>
      %dma_wait3A_242 = tpu.memref_squeeze %dma_wait3A_241 : memref<1x256x64xf32, #tpu.memory_space<vmem>> -> memref<256x64xf32, #tpu.memory_space<vmem>>
      %dma_wait3A_243 = arith.constant 0 : i32
      %dma_wait3A_244 = tpu.memref_slice %arg6[%dma_wait3A_237, %dma_wait3A_243] : memref<2x512xi32, #tpu.memory_space<vmem>> -> memref<1x512xi32, #tpu.memory_space<vmem>>
      %dma_wait3A_245 = tpu.memref_squeeze %dma_wait3A_244 : memref<1x512xi32, #tpu.memory_space<vmem>> -> memref<512xi32, #tpu.memory_space<vmem>>
      %dma_wait3A_246 = arith.constant 0 : i32
      %dma_wait3A_247 = tpu.memref_slice %dma_wait3A_245[%dma_wait3A_246] : memref<512xi32, #tpu.memory_space<vmem>> -> memref<256xi32, #tpu.memory_space<vmem>>
      %dma_wait3A_248 = arith.constant 0 : i32
      %dma_wait3A_249 = arith.constant 0 : i32
      %dma_wait3A_250 = tpu.memref_slice %arg8[%dma_wait3A_248, %dma_wait3A_249] : memref<10112x64xf32, #tpu.memory_space<vmem_shared>> -> memref<10112x64xf32, #tpu.memory_space<vmem_shared>>
      tpu.wait_indirect_dma semaphore(%arg12 : memref<!tpu.dma_semaphore, #tpu.memory_space<semaphore_mem>>) src(%dma_wait3A_250 : memref<10112x64xf32, #tpu.memory_space<vmem_shared>>) dst(%dma_wait3A_242 : memref<256x64xf32, #tpu.memory_space<vmem>>)
      %dma_start3A_251 = arith.constant 1 : i32
      %dma_start3A_252 = arith.constant 1 : i32
      %dma_start3A_253 = arith.constant 0 : i32
      %dma_start3A_254 = arith.constant 0 : i32
      %dma_start3A_255 = tpu.memref_slice %arg7[%dma_start3A_251, %dma_start3A_253, %dma_start3A_254] : memref<2x256x64xf32, #tpu.memory_space<vmem>> -> memref<1x256x64xf32, #tpu.memory_space<vmem>>
      %dma_start3A_256 = tpu.memref_squeeze %dma_start3A_255 : memref<1x256x64xf32, #tpu.memory_space<vmem>> -> memref<256x64xf32, #tpu.memory_space<vmem>>
      %dma_start3A_257 = arith.constant 0 : i32
      %dma_start3A_258 = tpu.memref_slice %arg6[%dma_start3A_252, %dma_start3A_257] : memref<2x512xi32, #tpu.memory_space<vmem>> -> memref<1x512xi32, #tpu.memory_space<vmem>>
      %dma_start3A_259 = tpu.memref_squeeze %dma_start3A_258 : memref<1x512xi32, #tpu.memory_space<vmem>> -> memref<512xi32, #tpu.memory_space<vmem>>
      %dma_start3A_260 = arith.constant 256 : i32
      %dma_start3A_261 = tpu.memref_slice %dma_start3A_259[%dma_start3A_260] : memref<512xi32, #tpu.memory_space<vmem>> -> memref<256xi32, #tpu.memory_space<vmem>>
      %dma_start3A_262 = arith.constant 0 : i32
      %dma_start3A_263 = arith.constant 0 : i32
      %dma_start3A_264 = tpu.memref_slice %arg9[%dma_start3A_262, %dma_start3A_263] : memref<10112x64xf32, #tpu.memory_space<vmem_shared>> -> memref<10112x64xf32, #tpu.memory_space<vmem_shared>>
      tpu.enqueue_indirect_dma source(%dma_start3A_256 : memref<256x64xf32, #tpu.memory_space<vmem>>) target(%dma_start3A_264 : memref<10112x64xf32, #tpu.memory_space<vmem_shared>>) offsets(%dma_start3A_261 : memref<256xi32, #tpu.memory_space<vmem>>) semaphore(%arg14 : memref<!tpu.dma_semaphore, #tpu.memory_space<semaphore_mem>>) {add = true}
    }
    %scan3A_100 = arith.constant 19 : i32
    %dma_wait3A_101 = arith.constant 0 : i32
    %dma_wait3A_102 = arith.constant 0 : i32
    %dma_wait3A_103 = arith.constant 0 : i32
    %dma_wait3A_104 = arith.constant 0 : i32
    %dma_wait3A_105 = tpu.memref_slice %arg7[%dma_wait3A_101, %dma_wait3A_103, %dma_wait3A_104] : memref<2x256x64xf32, #tpu.memory_space<vmem>> -> memref<1x256x64xf32, #tpu.memory_space<vmem>>
    %dma_wait3A_106 = tpu.memref_squeeze %dma_wait3A_105 : memref<1x256x64xf32, #tpu.memory_space<vmem>> -> memref<256x64xf32, #tpu.memory_space<vmem>>
    %dma_wait3A_107 = arith.constant 0 : i32
    %dma_wait3A_108 = tpu.memref_slice %arg6[%dma_wait3A_102, %dma_wait3A_107] : memref<2x512xi32, #tpu.memory_space<vmem>> -> memref<1x512xi32, #tpu.memory_space<vmem>>
    %dma_wait3A_109 = tpu.memref_squeeze %dma_wait3A_108 : memref<1x512xi32, #tpu.memory_space<vmem>> -> memref<512xi32, #tpu.memory_space<vmem>>
    %dma_wait3A_110 = arith.constant 256 : i32
    %dma_wait3A_111 = tpu.memref_slice %dma_wait3A_109[%dma_wait3A_110] : memref<512xi32, #tpu.memory_space<vmem>> -> memref<256xi32, #tpu.memory_space<vmem>>
    %dma_wait3A_112 = arith.constant 0 : i32
    %dma_wait3A_113 = arith.constant 0 : i32
    %dma_wait3A_114 = tpu.memref_slice %arg9[%dma_wait3A_112, %dma_wait3A_113] : memref<10112x64xf32, #tpu.memory_space<vmem_shared>> -> memref<10112x64xf32, #tpu.memory_space<vmem_shared>>
    tpu.wait_indirect_dma semaphore(%arg13 : memref<!tpu.dma_semaphore, #tpu.memory_space<semaphore_mem>>) src(%dma_wait3A_106 : memref<256x64xf32, #tpu.memory_space<vmem>>) dst(%dma_wait3A_114 : memref<10112x64xf32, #tpu.memory_space<vmem_shared>>)
    %dma_wait3A_115 = arith.constant 1 : i32
    %dma_wait3A_116 = arith.constant 1 : i32
    %dma_wait3A_117 = arith.constant 0 : i32
    %dma_wait3A_118 = arith.constant 0 : i32
    %dma_wait3A_119 = tpu.memref_slice %arg7[%dma_wait3A_115, %dma_wait3A_117, %dma_wait3A_118] : memref<2x256x64xf32, #tpu.memory_space<vmem>> -> memref<1x256x64xf32, #tpu.memory_space<vmem>>
    %dma_wait3A_120 = tpu.memref_squeeze %dma_wait3A_119 : memref<1x256x64xf32, #tpu.memory_space<vmem>> -> memref<256x64xf32, #tpu.memory_space<vmem>>
    %dma_wait3A_121 = arith.constant 0 : i32
    %dma_wait3A_122 = tpu.memref_slice %arg6[%dma_wait3A_116, %dma_wait3A_121] : memref<2x512xi32, #tpu.memory_space<vmem>> -> memref<1x512xi32, #tpu.memory_space<vmem>>
    %dma_wait3A_123 = tpu.memref_squeeze %dma_wait3A_122 : memref<1x512xi32, #tpu.memory_space<vmem>> -> memref<512xi32, #tpu.memory_space<vmem>>
    %dma_wait3A_124 = arith.constant 256 : i32
    %dma_wait3A_125 = tpu.memref_slice %dma_wait3A_123[%dma_wait3A_124] : memref<512xi32, #tpu.memory_space<vmem>> -> memref<256xi32, #tpu.memory_space<vmem>>
    %dma_wait3A_126 = arith.constant 0 : i32
    %dma_wait3A_127 = arith.constant 0 : i32
    %dma_wait3A_128 = tpu.memref_slice %arg9[%dma_wait3A_126, %dma_wait3A_127] : memref<10112x64xf32, #tpu.memory_space<vmem_shared>> -> memref<10112x64xf32, #tpu.memory_space<vmem_shared>>
    tpu.wait_indirect_dma semaphore(%arg14 : memref<!tpu.dma_semaphore, #tpu.memory_space<semaphore_mem>>) src(%dma_wait3A_120 : memref<256x64xf32, #tpu.memory_space<vmem>>) dst(%dma_wait3A_128 : memref<10112x64xf32, #tpu.memory_space<vmem_shared>>)
    %barrier3A_129 = arith.constant 0 : index
    tpu.barrier barrier_id(%barrier3A_129)
    "tpu.region"() ({
      %run_scoped3A_130 = tpu.sem_alloc : memref<!tpu.dma_semaphore, #tpu.memory_space<semaphore_mem>>
      %dma_start3A_131 = arith.constant 0 : i32
      %dma_start3A_132 = tpu.memref_slice %arg5[%arg0, %mul3A_8, %dma_start3A_131] : memref<2x10112x64xf32, #tpu.memory_space<hbm>> -> memref<1x632x64xf32, #tpu.memory_space<hbm>>
      %dma_start3A_133 = tpu.memref_squeeze %dma_start3A_132 : memref<1x632x64xf32, #tpu.memory_space<hbm>> -> memref<632x64xf32, #tpu.memory_space<hbm>>
      %dma_start3A_134 = arith.constant 0 : i32
      %dma_start3A_135 = tpu.memref_slice %arg9[%mul3A_8, %dma_start3A_134] : memref<10112x64xf32, #tpu.memory_space<vmem_shared>> -> memref<632x64xf32, #tpu.memory_space<vmem_shared>>
      tpu.enqueue_dma source(%dma_start3A_135 : memref<632x64xf32, #tpu.memory_space<vmem_shared>>) target(%dma_start3A_133 : memref<632x64xf32, #tpu.memory_space<hbm>>) target_semaphore(%run_scoped3A_130 : memref<!tpu.dma_semaphore, #tpu.memory_space<semaphore_mem>>)
      %dma_wait3A_136 = arith.constant 0 : i32
      %dma_wait3A_137 = tpu.memref_slice %arg5[%arg0, %mul3A_8, %dma_wait3A_136] : memref<2x10112x64xf32, #tpu.memory_space<hbm>> -> memref<1x632x64xf32, #tpu.memory_space<hbm>>
      %dma_wait3A_138 = tpu.memref_squeeze %dma_wait3A_137 : memref<1x632x64xf32, #tpu.memory_space<hbm>> -> memref<632x64xf32, #tpu.memory_space<hbm>>
      %dma_wait3A_139 = arith.constant 0 : i32
      %dma_wait3A_140 = tpu.memref_slice %arg9[%mul3A_8, %dma_wait3A_139] : memref<10112x64xf32, #tpu.memory_space<vmem_shared>> -> memref<632x64xf32, #tpu.memory_space<vmem_shared>>
      tpu.wait_dma2 semaphore(%run_scoped3A_130 : memref<!tpu.dma_semaphore, #tpu.memory_space<semaphore_mem>>) src(%dma_wait3A_140 : memref<632x64xf32, #tpu.memory_space<vmem_shared>>) dst(%dma_wait3A_138 : memref<632x64xf32, #tpu.memory_space<hbm>>)
      tpu.yield
    }) : () -> ()
    return
  }
}

#map = affine_map<(d0, d1) -> (0, 0)>
#map1 = affine_map<(d0, d1) -> (0)>
#map2 = affine_map<(d0, d1) -> (0, 0, 0)>
module attributes {stable_mosaic.version = 14 : i64} {
  func.func @_agg_body(%arg0: i32, %arg1: i32, %arg2: memref<10112x64xf32, #tpu.memory_space<hbm>>, %arg3: memref<655360xi32, #tpu.memory_space<hbm>>, %arg4: memref<10112x64xf32, #tpu.memory_space<hbm>>, %arg5: memref<2x10112x64xf32, #tpu.memory_space<hbm>>, %arg6: memref<2x512xi32, #tpu.memory_space<vmem>>, %arg7: memref<2x256x64xf32, #tpu.memory_space<vmem>>, %arg8: memref<10112x64xf32, #tpu.memory_space<vmem_shared>>, %arg9: memref<10112x64xf32, #tpu.memory_space<vmem_shared>>, %arg10: memref<!tpu.dma_semaphore, #tpu.memory_space<semaphore_mem>>, %arg11: memref<!tpu.dma_semaphore, #tpu.memory_space<semaphore_mem>>, %arg12: memref<!tpu.dma_semaphore, #tpu.memory_space<semaphore_mem>>, %arg13: memref<!tpu.dma_semaphore, #tpu.memory_space<semaphore_mem>>, %arg14: memref<!tpu.dma_semaphore, #tpu.memory_space<semaphore_mem>>) attributes {dimension_semantics = [#tpu.dimension_semantics<core_parallel>, #tpu.dimension_semantics<subcore_parallel>], iteration_bounds = array<i64: 2, 16>, scalar_prefetch = 0 : i64, scratch_operands = 9 : i64, tpu.core_type = #tpu.core_type<sc_vector_subcore>, window_params = [{transform_indices = #map}, {transform_indices = #map1}, {transform_indices = #map}, {transform_indices = #map2}]} {
    %mul3A = arith.constant 16 : i32
    %mul3A_0 = arith.muli %arg0, %mul3A : i32
    %add3A = arith.addi %mul3A_0, %arg1 : i32
    %mul3A_1 = arith.constant 40 : i32
    %mul3A_2 = arith.muli %add3A, %mul3A_1 : i32
    %mul3A_3 = arith.constant 2 : i32
    %mul3A_4 = arith.muli %mul3A_2, %mul3A_3 : i32
    %mul3A_5 = arith.constant 256 : i32
    %mul3A_6 = arith.muli %mul3A_4, %mul3A_5 : i32
    %mul3A_7 = arith.constant 632 : i32
    %mul3A_8 = arith.muli %arg1, %mul3A_7 : i32
    "tpu.region"() ({
      %run_scoped3A_130 = tpu.sem_alloc : memref<!tpu.dma_semaphore, #tpu.memory_space<semaphore_mem>>
      %dma_start3A_131 = arith.constant 0 : i32
      %dma_start3A_132 = tpu.memref_slice %arg9[%mul3A_8, %dma_start3A_131] : memref<10112x64xf32, #tpu.memory_space<vmem_shared>> -> memref<632x64xf32, #tpu.memory_space<vmem_shared>>
      %dma_start3A_133 = arith.constant 0 : i32
      %dma_start3A_134 = tpu.memref_slice %arg4[%mul3A_8, %dma_start3A_133] : memref<10112x64xf32, #tpu.memory_space<hbm>> -> memref<632x64xf32, #tpu.memory_space<hbm>>
      tpu.enqueue_dma source(%dma_start3A_134 : memref<632x64xf32, #tpu.memory_space<hbm>>) target(%dma_start3A_132 : memref<632x64xf32, #tpu.memory_space<vmem_shared>>) target_semaphore(%run_scoped3A_130 : memref<!tpu.dma_semaphore, #tpu.memory_space<semaphore_mem>>)
      %dma_wait3A_135 = arith.constant 0 : i32
      %dma_wait3A_136 = tpu.memref_slice %arg9[%mul3A_8, %dma_wait3A_135] : memref<10112x64xf32, #tpu.memory_space<vmem_shared>> -> memref<632x64xf32, #tpu.memory_space<vmem_shared>>
      %dma_wait3A_137 = arith.constant 0 : i32
      %dma_wait3A_138 = tpu.memref_slice %arg4[%mul3A_8, %dma_wait3A_137] : memref<10112x64xf32, #tpu.memory_space<hbm>> -> memref<632x64xf32, #tpu.memory_space<hbm>>
      tpu.wait_dma2 semaphore(%run_scoped3A_130 : memref<!tpu.dma_semaphore, #tpu.memory_space<semaphore_mem>>) src(%dma_wait3A_138 : memref<632x64xf32, #tpu.memory_space<hbm>>) dst(%dma_wait3A_136 : memref<632x64xf32, #tpu.memory_space<vmem_shared>>)
      tpu.yield
    }) : () -> ()
    "tpu.region"() ({
      %run_scoped3A_130 = tpu.sem_alloc : memref<!tpu.dma_semaphore, #tpu.memory_space<semaphore_mem>>
      %dma_start3A_131 = arith.constant 0 : i32
      %dma_start3A_132 = tpu.memref_slice %arg8[%mul3A_8, %dma_start3A_131] : memref<10112x64xf32, #tpu.memory_space<vmem_shared>> -> memref<632x64xf32, #tpu.memory_space<vmem_shared>>
      %dma_start3A_133 = arith.constant 0 : i32
      %dma_start3A_134 = tpu.memref_slice %arg2[%mul3A_8, %dma_start3A_133] : memref<10112x64xf32, #tpu.memory_space<hbm>> -> memref<632x64xf32, #tpu.memory_space<hbm>>
      tpu.enqueue_dma source(%dma_start3A_134 : memref<632x64xf32, #tpu.memory_space<hbm>>) target(%dma_start3A_132 : memref<632x64xf32, #tpu.memory_space<vmem_shared>>) target_semaphore(%run_scoped3A_130 : memref<!tpu.dma_semaphore, #tpu.memory_space<semaphore_mem>>)
      %dma_wait3A_135 = arith.constant 0 : i32
      %dma_wait3A_136 = tpu.memref_slice %arg8[%mul3A_8, %dma_wait3A_135] : memref<10112x64xf32, #tpu.memory_space<vmem_shared>> -> memref<632x64xf32, #tpu.memory_space<vmem_shared>>
      %dma_wait3A_137 = arith.constant 0 : i32
      %dma_wait3A_138 = tpu.memref_slice %arg2[%mul3A_8, %dma_wait3A_137] : memref<10112x64xf32, #tpu.memory_space<hbm>> -> memref<632x64xf32, #tpu.memory_space<hbm>>
      tpu.wait_dma2 semaphore(%run_scoped3A_130 : memref<!tpu.dma_semaphore, #tpu.memory_space<semaphore_mem>>) src(%dma_wait3A_138 : memref<632x64xf32, #tpu.memory_space<hbm>>) dst(%dma_wait3A_136 : memref<632x64xf32, #tpu.memory_space<vmem_shared>>)
      tpu.yield
    }) : () -> ()
    %barrier3A = arith.constant 0 : index
    tpu.barrier barrier_id(%barrier3A)
    %add3A_9 = arith.constant 0 : i32
    %add3A_10 = arith.addi %mul3A_6, %add3A_9 : i32
    %run_scoped3A = arith.constant 0 : i32
    "tpu.region"() ({
      %run_scoped3A_130 = tpu.sem_alloc : memref<!tpu.dma_semaphore, #tpu.memory_space<semaphore_mem>>
      %dma_start3A_131 = arith.constant 0 : i32
      %dma_start3A_132 = tpu.memref_slice %arg6[%run_scoped3A, %dma_start3A_131] : memref<2x512xi32, #tpu.memory_space<vmem>> -> memref<1x512xi32, #tpu.memory_space<vmem>>
      %dma_start3A_133 = tpu.memref_squeeze %dma_start3A_132 : memref<1x512xi32, #tpu.memory_space<vmem>> -> memref<512xi32, #tpu.memory_space<vmem>>
      %dma_start3A_134 = tpu.memref_slice %arg3[%add3A_10] : memref<655360xi32, #tpu.memory_space<hbm>> -> memref<512xi32, #tpu.memory_space<hbm>>
      %dma_start3A_135 = arith.constant 0 : i32
      %dma_start3A_136 = tpu.memref_slice %arg6[%run_scoped3A, %dma_start3A_135] : memref<2x512xi32, #tpu.memory_space<vmem>> -> memref<1x512xi32, #tpu.memory_space<vmem>>
      %dma_start3A_137 = tpu.memref_squeeze %dma_start3A_136 : memref<1x512xi32, #tpu.memory_space<vmem>> -> memref<512xi32, #tpu.memory_space<vmem>>
      %dma_start3A_138 = tpu.memref_slice %arg3[%add3A_10] : memref<655360xi32, #tpu.memory_space<hbm>> -> memref<512xi32, #tpu.memory_space<hbm>>
      tpu.enqueue_dma source(%dma_start3A_138 : memref<512xi32, #tpu.memory_space<hbm>>) target(%dma_start3A_137 : memref<512xi32, #tpu.memory_space<vmem>>) target_semaphore(%run_scoped3A_130 : memref<!tpu.dma_semaphore, #tpu.memory_space<semaphore_mem>>)
      %dma_wait3A_139 = arith.constant 0 : i32
      %dma_wait3A_140 = tpu.memref_slice %arg6[%run_scoped3A, %dma_wait3A_139] : memref<2x512xi32, #tpu.memory_space<vmem>> -> memref<1x512xi32, #tpu.memory_space<vmem>>
      %dma_wait3A_141 = tpu.memref_squeeze %dma_wait3A_140 : memref<1x512xi32, #tpu.memory_space<vmem>> -> memref<512xi32, #tpu.memory_space<vmem>>
      %dma_wait3A_142 = tpu.memref_slice %arg3[%add3A_10] : memref<655360xi32, #tpu.memory_space<hbm>> -> memref<512xi32, #tpu.memory_space<hbm>>
      %dma_wait3A_143 = arith.constant 0 : i32
      %dma_wait3A_144 = tpu.memref_slice %arg6[%run_scoped3A, %dma_wait3A_143] : memref<2x512xi32, #tpu.memory_space<vmem>> -> memref<1x512xi32, #tpu.memory_space<vmem>>
      %dma_wait3A_145 = tpu.memref_squeeze %dma_wait3A_144 : memref<1x512xi32, #tpu.memory_space<vmem>> -> memref<512xi32, #tpu.memory_space<vmem>>
      %dma_wait3A_146 = tpu.memref_slice %arg3[%add3A_10] : memref<655360xi32, #tpu.memory_space<hbm>> -> memref<512xi32, #tpu.memory_space<hbm>>
      tpu.wait_dma2 semaphore(%run_scoped3A_130 : memref<!tpu.dma_semaphore, #tpu.memory_space<semaphore_mem>>) src(%dma_wait3A_146 : memref<512xi32, #tpu.memory_space<hbm>>) dst(%dma_wait3A_145 : memref<512xi32, #tpu.memory_space<vmem>>)
      tpu.yield
    }) : () -> ()
    %dma_start3A = arith.constant 0 : i32
    %dma_start3A_11 = arith.constant 0 : i32
    %dma_start3A_12 = arith.constant 0 : i32
    %dma_start3A_13 = arith.constant 0 : i32
    %dma_start3A_14 = tpu.memref_slice %arg7[%dma_start3A_11, %dma_start3A_12, %dma_start3A_13] : memref<2x256x64xf32, #tpu.memory_space<vmem>> -> memref<1x256x64xf32, #tpu.memory_space<vmem>>
    %dma_start3A_15 = tpu.memref_squeeze %dma_start3A_14 : memref<1x256x64xf32, #tpu.memory_space<vmem>> -> memref<256x64xf32, #tpu.memory_space<vmem>>
    %dma_start3A_16 = arith.constant 0 : i32
    %dma_start3A_17 = tpu.memref_slice %arg6[%dma_start3A, %dma_start3A_16] : memref<2x512xi32, #tpu.memory_space<vmem>> -> memref<1x512xi32, #tpu.memory_space<vmem>>
    %dma_start3A_18 = tpu.memref_squeeze %dma_start3A_17 : memref<1x512xi32, #tpu.memory_space<vmem>> -> memref<512xi32, #tpu.memory_space<vmem>>
    %dma_start3A_19 = arith.constant 0 : i32
    %dma_start3A_20 = tpu.memref_slice %dma_start3A_18[%dma_start3A_19] : memref<512xi32, #tpu.memory_space<vmem>> -> memref<256xi32, #tpu.memory_space<vmem>>
    %dma_start3A_21 = arith.constant 0 : i32
    %dma_start3A_22 = arith.constant 0 : i32
    %dma_start3A_23 = tpu.memref_slice %arg8[%dma_start3A_21, %dma_start3A_22] : memref<10112x64xf32, #tpu.memory_space<vmem_shared>> -> memref<10112x64xf32, #tpu.memory_space<vmem_shared>>
    tpu.enqueue_indirect_dma source(%dma_start3A_23 : memref<10112x64xf32, #tpu.memory_space<vmem_shared>>) target(%dma_start3A_15 : memref<256x64xf32, #tpu.memory_space<vmem>>) offsets(%dma_start3A_20 : memref<256xi32, #tpu.memory_space<vmem>>) semaphore(%arg11 : memref<!tpu.dma_semaphore, #tpu.memory_space<semaphore_mem>>)
    %add3A_24 = arith.constant 512 : i32
    %add3A_25 = arith.addi %mul3A_6, %add3A_24 : i32
    %run_scoped3A_26 = arith.constant 1 : i32
    "tpu.region"() ({
      %run_scoped3A_130 = tpu.sem_alloc : memref<!tpu.dma_semaphore, #tpu.memory_space<semaphore_mem>>
      %dma_start3A_131 = arith.constant 0 : i32
      %dma_start3A_132 = tpu.memref_slice %arg6[%run_scoped3A_26, %dma_start3A_131] : memref<2x512xi32, #tpu.memory_space<vmem>> -> memref<1x512xi32, #tpu.memory_space<vmem>>
      %dma_start3A_133 = tpu.memref_squeeze %dma_start3A_132 : memref<1x512xi32, #tpu.memory_space<vmem>> -> memref<512xi32, #tpu.memory_space<vmem>>
      %dma_start3A_134 = tpu.memref_slice %arg3[%add3A_25] : memref<655360xi32, #tpu.memory_space<hbm>> -> memref<512xi32, #tpu.memory_space<hbm>>
      %dma_start3A_135 = arith.constant 0 : i32
      %dma_start3A_136 = tpu.memref_slice %arg6[%run_scoped3A_26, %dma_start3A_135] : memref<2x512xi32, #tpu.memory_space<vmem>> -> memref<1x512xi32, #tpu.memory_space<vmem>>
      %dma_start3A_137 = tpu.memref_squeeze %dma_start3A_136 : memref<1x512xi32, #tpu.memory_space<vmem>> -> memref<512xi32, #tpu.memory_space<vmem>>
      %dma_start3A_138 = tpu.memref_slice %arg3[%add3A_25] : memref<655360xi32, #tpu.memory_space<hbm>> -> memref<512xi32, #tpu.memory_space<hbm>>
      tpu.enqueue_dma source(%dma_start3A_138 : memref<512xi32, #tpu.memory_space<hbm>>) target(%dma_start3A_137 : memref<512xi32, #tpu.memory_space<vmem>>) target_semaphore(%run_scoped3A_130 : memref<!tpu.dma_semaphore, #tpu.memory_space<semaphore_mem>>)
      %dma_wait3A_139 = arith.constant 0 : i32
      %dma_wait3A_140 = tpu.memref_slice %arg6[%run_scoped3A_26, %dma_wait3A_139] : memref<2x512xi32, #tpu.memory_space<vmem>> -> memref<1x512xi32, #tpu.memory_space<vmem>>
      %dma_wait3A_141 = tpu.memref_squeeze %dma_wait3A_140 : memref<1x512xi32, #tpu.memory_space<vmem>> -> memref<512xi32, #tpu.memory_space<vmem>>
      %dma_wait3A_142 = tpu.memref_slice %arg3[%add3A_25] : memref<655360xi32, #tpu.memory_space<hbm>> -> memref<512xi32, #tpu.memory_space<hbm>>
      %dma_wait3A_143 = arith.constant 0 : i32
      %dma_wait3A_144 = tpu.memref_slice %arg6[%run_scoped3A_26, %dma_wait3A_143] : memref<2x512xi32, #tpu.memory_space<vmem>> -> memref<1x512xi32, #tpu.memory_space<vmem>>
      %dma_wait3A_145 = tpu.memref_squeeze %dma_wait3A_144 : memref<1x512xi32, #tpu.memory_space<vmem>> -> memref<512xi32, #tpu.memory_space<vmem>>
      %dma_wait3A_146 = tpu.memref_slice %arg3[%add3A_25] : memref<655360xi32, #tpu.memory_space<hbm>> -> memref<512xi32, #tpu.memory_space<hbm>>
      tpu.wait_dma2 semaphore(%run_scoped3A_130 : memref<!tpu.dma_semaphore, #tpu.memory_space<semaphore_mem>>) src(%dma_wait3A_146 : memref<512xi32, #tpu.memory_space<hbm>>) dst(%dma_wait3A_145 : memref<512xi32, #tpu.memory_space<vmem>>)
      tpu.yield
    }) : () -> ()
    %dma_start3A_27 = arith.constant 1 : i32
    %dma_start3A_28 = arith.constant 1 : i32
    %dma_start3A_29 = arith.constant 0 : i32
    %dma_start3A_30 = arith.constant 0 : i32
    %dma_start3A_31 = tpu.memref_slice %arg7[%dma_start3A_28, %dma_start3A_29, %dma_start3A_30] : memref<2x256x64xf32, #tpu.memory_space<vmem>> -> memref<1x256x64xf32, #tpu.memory_space<vmem>>
    %dma_start3A_32 = tpu.memref_squeeze %dma_start3A_31 : memref<1x256x64xf32, #tpu.memory_space<vmem>> -> memref<256x64xf32, #tpu.memory_space<vmem>>
    %dma_start3A_33 = arith.constant 0 : i32
    %dma_start3A_34 = tpu.memref_slice %arg6[%dma_start3A_27, %dma_start3A_33] : memref<2x512xi32, #tpu.memory_space<vmem>> -> memref<1x512xi32, #tpu.memory_space<vmem>>
    %dma_start3A_35 = tpu.memref_squeeze %dma_start3A_34 : memref<1x512xi32, #tpu.memory_space<vmem>> -> memref<512xi32, #tpu.memory_space<vmem>>
    %dma_start3A_36 = arith.constant 0 : i32
    %dma_start3A_37 = tpu.memref_slice %dma_start3A_35[%dma_start3A_36] : memref<512xi32, #tpu.memory_space<vmem>> -> memref<256xi32, #tpu.memory_space<vmem>>
    %dma_start3A_38 = arith.constant 0 : i32
    %dma_start3A_39 = arith.constant 0 : i32
    %dma_start3A_40 = tpu.memref_slice %arg8[%dma_start3A_38, %dma_start3A_39] : memref<10112x64xf32, #tpu.memory_space<vmem_shared>> -> memref<10112x64xf32, #tpu.memory_space<vmem_shared>>
    tpu.enqueue_indirect_dma source(%dma_start3A_40 : memref<10112x64xf32, #tpu.memory_space<vmem_shared>>) target(%dma_start3A_32 : memref<256x64xf32, #tpu.memory_space<vmem>>) offsets(%dma_start3A_37 : memref<256xi32, #tpu.memory_space<vmem>>) semaphore(%arg12 : memref<!tpu.dma_semaphore, #tpu.memory_space<semaphore_mem>>)
    %dma_wait3A = arith.constant 0 : i32
    %dma_wait3A_41 = arith.constant 0 : i32
    %dma_wait3A_42 = arith.constant 0 : i32
    %dma_wait3A_43 = arith.constant 0 : i32
    %dma_wait3A_44 = tpu.memref_slice %arg7[%dma_wait3A_41, %dma_wait3A_42, %dma_wait3A_43] : memref<2x256x64xf32, #tpu.memory_space<vmem>> -> memref<1x256x64xf32, #tpu.memory_space<vmem>>
    %dma_wait3A_45 = tpu.memref_squeeze %dma_wait3A_44 : memref<1x256x64xf32, #tpu.memory_space<vmem>> -> memref<256x64xf32, #tpu.memory_space<vmem>>
    %dma_wait3A_46 = arith.constant 0 : i32
    %dma_wait3A_47 = tpu.memref_slice %arg6[%dma_wait3A, %dma_wait3A_46] : memref<2x512xi32, #tpu.memory_space<vmem>> -> memref<1x512xi32, #tpu.memory_space<vmem>>
    %dma_wait3A_48 = tpu.memref_squeeze %dma_wait3A_47 : memref<1x512xi32, #tpu.memory_space<vmem>> -> memref<512xi32, #tpu.memory_space<vmem>>
    %dma_wait3A_49 = arith.constant 0 : i32
    %dma_wait3A_50 = tpu.memref_slice %dma_wait3A_48[%dma_wait3A_49] : memref<512xi32, #tpu.memory_space<vmem>> -> memref<256xi32, #tpu.memory_space<vmem>>
    %dma_wait3A_51 = arith.constant 0 : i32
    %dma_wait3A_52 = arith.constant 0 : i32
    %dma_wait3A_53 = tpu.memref_slice %arg8[%dma_wait3A_51, %dma_wait3A_52] : memref<10112x64xf32, #tpu.memory_space<vmem_shared>> -> memref<10112x64xf32, #tpu.memory_space<vmem_shared>>
    tpu.wait_indirect_dma semaphore(%arg11 : memref<!tpu.dma_semaphore, #tpu.memory_space<semaphore_mem>>) src(%dma_wait3A_53 : memref<10112x64xf32, #tpu.memory_space<vmem_shared>>) dst(%dma_wait3A_45 : memref<256x64xf32, #tpu.memory_space<vmem>>)
    %dma_start3A_54 = arith.constant 0 : i32
    %dma_start3A_55 = arith.constant 0 : i32
    %dma_start3A_56 = arith.constant 0 : i32
    %dma_start3A_57 = arith.constant 0 : i32
    %dma_start3A_58 = tpu.memref_slice %arg7[%dma_start3A_54, %dma_start3A_56, %dma_start3A_57] : memref<2x256x64xf32, #tpu.memory_space<vmem>> -> memref<1x256x64xf32, #tpu.memory_space<vmem>>
    %dma_start3A_59 = tpu.memref_squeeze %dma_start3A_58 : memref<1x256x64xf32, #tpu.memory_space<vmem>> -> memref<256x64xf32, #tpu.memory_space<vmem>>
    %dma_start3A_60 = arith.constant 0 : i32
    %dma_start3A_61 = tpu.memref_slice %arg6[%dma_start3A_55, %dma_start3A_60] : memref<2x512xi32, #tpu.memory_space<vmem>> -> memref<1x512xi32, #tpu.memory_space<vmem>>
    %dma_start3A_62 = tpu.memref_squeeze %dma_start3A_61 : memref<1x512xi32, #tpu.memory_space<vmem>> -> memref<512xi32, #tpu.memory_space<vmem>>
    %dma_start3A_63 = arith.constant 256 : i32
    %dma_start3A_64 = tpu.memref_slice %dma_start3A_62[%dma_start3A_63] : memref<512xi32, #tpu.memory_space<vmem>> -> memref<256xi32, #tpu.memory_space<vmem>>
    %dma_start3A_65 = arith.constant 0 : i32
    %dma_start3A_66 = arith.constant 0 : i32
    %dma_start3A_67 = tpu.memref_slice %arg9[%dma_start3A_65, %dma_start3A_66] : memref<10112x64xf32, #tpu.memory_space<vmem_shared>> -> memref<10112x64xf32, #tpu.memory_space<vmem_shared>>
    tpu.enqueue_indirect_dma source(%dma_start3A_59 : memref<256x64xf32, #tpu.memory_space<vmem>>) target(%dma_start3A_67 : memref<10112x64xf32, #tpu.memory_space<vmem_shared>>) offsets(%dma_start3A_64 : memref<256xi32, #tpu.memory_space<vmem>>) semaphore(%arg13 : memref<!tpu.dma_semaphore, #tpu.memory_space<semaphore_mem>>) {add = true}
    %dma_wait3A_68 = arith.constant 1 : i32
    %dma_wait3A_69 = arith.constant 1 : i32
    %dma_wait3A_70 = arith.constant 0 : i32
    %dma_wait3A_71 = arith.constant 0 : i32
    %dma_wait3A_72 = tpu.memref_slice %arg7[%dma_wait3A_69, %dma_wait3A_70, %dma_wait3A_71] : memref<2x256x64xf32, #tpu.memory_space<vmem>> -> memref<1x256x64xf32, #tpu.memory_space<vmem>>
    %dma_wait3A_73 = tpu.memref_squeeze %dma_wait3A_72 : memref<1x256x64xf32, #tpu.memory_space<vmem>> -> memref<256x64xf32, #tpu.memory_space<vmem>>
    %dma_wait3A_74 = arith.constant 0 : i32
    %dma_wait3A_75 = tpu.memref_slice %arg6[%dma_wait3A_68, %dma_wait3A_74] : memref<2x512xi32, #tpu.memory_space<vmem>> -> memref<1x512xi32, #tpu.memory_space<vmem>>
    %dma_wait3A_76 = tpu.memref_squeeze %dma_wait3A_75 : memref<1x512xi32, #tpu.memory_space<vmem>> -> memref<512xi32, #tpu.memory_space<vmem>>
    %dma_wait3A_77 = arith.constant 0 : i32
    %dma_wait3A_78 = tpu.memref_slice %dma_wait3A_76[%dma_wait3A_77] : memref<512xi32, #tpu.memory_space<vmem>> -> memref<256xi32, #tpu.memory_space<vmem>>
    %dma_wait3A_79 = arith.constant 0 : i32
    %dma_wait3A_80 = arith.constant 0 : i32
    %dma_wait3A_81 = tpu.memref_slice %arg8[%dma_wait3A_79, %dma_wait3A_80] : memref<10112x64xf32, #tpu.memory_space<vmem_shared>> -> memref<10112x64xf32, #tpu.memory_space<vmem_shared>>
    tpu.wait_indirect_dma semaphore(%arg12 : memref<!tpu.dma_semaphore, #tpu.memory_space<semaphore_mem>>) src(%dma_wait3A_81 : memref<10112x64xf32, #tpu.memory_space<vmem_shared>>) dst(%dma_wait3A_73 : memref<256x64xf32, #tpu.memory_space<vmem>>)
    %dma_start3A_82 = arith.constant 1 : i32
    %dma_start3A_83 = arith.constant 1 : i32
    %dma_start3A_84 = arith.constant 0 : i32
    %dma_start3A_85 = arith.constant 0 : i32
    %dma_start3A_86 = tpu.memref_slice %arg7[%dma_start3A_82, %dma_start3A_84, %dma_start3A_85] : memref<2x256x64xf32, #tpu.memory_space<vmem>> -> memref<1x256x64xf32, #tpu.memory_space<vmem>>
    %dma_start3A_87 = tpu.memref_squeeze %dma_start3A_86 : memref<1x256x64xf32, #tpu.memory_space<vmem>> -> memref<256x64xf32, #tpu.memory_space<vmem>>
    %dma_start3A_88 = arith.constant 0 : i32
    %dma_start3A_89 = tpu.memref_slice %arg6[%dma_start3A_83, %dma_start3A_88] : memref<2x512xi32, #tpu.memory_space<vmem>> -> memref<1x512xi32, #tpu.memory_space<vmem>>
    %dma_start3A_90 = tpu.memref_squeeze %dma_start3A_89 : memref<1x512xi32, #tpu.memory_space<vmem>> -> memref<512xi32, #tpu.memory_space<vmem>>
    %dma_start3A_91 = arith.constant 256 : i32
    %dma_start3A_92 = tpu.memref_slice %dma_start3A_90[%dma_start3A_91] : memref<512xi32, #tpu.memory_space<vmem>> -> memref<256xi32, #tpu.memory_space<vmem>>
    %dma_start3A_93 = arith.constant 0 : i32
    %dma_start3A_94 = arith.constant 0 : i32
    %dma_start3A_95 = tpu.memref_slice %arg9[%dma_start3A_93, %dma_start3A_94] : memref<10112x64xf32, #tpu.memory_space<vmem_shared>> -> memref<10112x64xf32, #tpu.memory_space<vmem_shared>>
    tpu.enqueue_indirect_dma source(%dma_start3A_87 : memref<256x64xf32, #tpu.memory_space<vmem>>) target(%dma_start3A_95 : memref<10112x64xf32, #tpu.memory_space<vmem_shared>>) offsets(%dma_start3A_92 : memref<256xi32, #tpu.memory_space<vmem>>) semaphore(%arg14 : memref<!tpu.dma_semaphore, #tpu.memory_space<semaphore_mem>>) {add = true}
    %scan3A = arith.constant 0 : i32
    %scan3A_96 = arith.constant 1 : i32
    %scan3A_97 = arith.constant 19 : i32
    %scan3A_98 = arith.addi %scan3A_96, %scan3A_97 : i32
    %scan3A_99 = arith.constant 1 : i32
    scf.for %scan3A_130 = %scan3A_96 to %scan3A_98 step %scan3A_99  : i32 {
      %mul3A_131 = arith.constant 2 : i32
      %mul3A_132 = arith.muli %mul3A_131, %scan3A_130 : i32
      %dma_wait3A_133 = arith.constant 0 : i32
      %dma_wait3A_134 = arith.constant 0 : i32
      %dma_wait3A_135 = arith.constant 0 : i32
      %dma_wait3A_136 = arith.constant 0 : i32
      %dma_wait3A_137 = tpu.memref_slice %arg7[%dma_wait3A_133, %dma_wait3A_135, %dma_wait3A_136] : memref<2x256x64xf32, #tpu.memory_space<vmem>> -> memref<1x256x64xf32, #tpu.memory_space<vmem>>
      %dma_wait3A_138 = tpu.memref_squeeze %dma_wait3A_137 : memref<1x256x64xf32, #tpu.memory_space<vmem>> -> memref<256x64xf32, #tpu.memory_space<vmem>>
      %dma_wait3A_139 = arith.constant 0 : i32
      %dma_wait3A_140 = tpu.memref_slice %arg6[%dma_wait3A_134, %dma_wait3A_139] : memref<2x512xi32, #tpu.memory_space<vmem>> -> memref<1x512xi32, #tpu.memory_space<vmem>>
      %dma_wait3A_141 = tpu.memref_squeeze %dma_wait3A_140 : memref<1x512xi32, #tpu.memory_space<vmem>> -> memref<512xi32, #tpu.memory_space<vmem>>
      %dma_wait3A_142 = arith.constant 256 : i32
      %dma_wait3A_143 = tpu.memref_slice %dma_wait3A_141[%dma_wait3A_142] : memref<512xi32, #tpu.memory_space<vmem>> -> memref<256xi32, #tpu.memory_space<vmem>>
      %dma_wait3A_144 = arith.constant 0 : i32
      %dma_wait3A_145 = arith.constant 0 : i32
      %dma_wait3A_146 = tpu.memref_slice %arg9[%dma_wait3A_144, %dma_wait3A_145] : memref<10112x64xf32, #tpu.memory_space<vmem_shared>> -> memref<10112x64xf32, #tpu.memory_space<vmem_shared>>
      tpu.wait_indirect_dma semaphore(%arg13 : memref<!tpu.dma_semaphore, #tpu.memory_space<semaphore_mem>>) src(%dma_wait3A_138 : memref<256x64xf32, #tpu.memory_space<vmem>>) dst(%dma_wait3A_146 : memref<10112x64xf32, #tpu.memory_space<vmem_shared>>)
      %add3A_147 = arith.constant 0 : i32
      %add3A_148 = arith.addi %mul3A_132, %add3A_147 : i32
      %mul3A_149 = arith.constant 2 : i32
      %mul3A_150 = arith.muli %add3A_148, %mul3A_149 : i32
      %mul3A_151 = arith.constant 256 : i32
      %mul3A_152 = arith.muli %mul3A_150, %mul3A_151 : i32
      %add3A_153 = arith.addi %mul3A_6, %mul3A_152 : i32
      %run_scoped3A_154 = arith.constant 0 : i32
      "tpu.region"() ({
        %run_scoped3A_265 = tpu.sem_alloc : memref<!tpu.dma_semaphore, #tpu.memory_space<semaphore_mem>>
        %dma_start3A_266 = arith.constant 0 : i32
        %dma_start3A_267 = tpu.memref_slice %arg6[%run_scoped3A_154, %dma_start3A_266] : memref<2x512xi32, #tpu.memory_space<vmem>> -> memref<1x512xi32, #tpu.memory_space<vmem>>
        %dma_start3A_268 = tpu.memref_squeeze %dma_start3A_267 : memref<1x512xi32, #tpu.memory_space<vmem>> -> memref<512xi32, #tpu.memory_space<vmem>>
        %dma_start3A_269 = tpu.memref_slice %arg3[%add3A_153] : memref<655360xi32, #tpu.memory_space<hbm>> -> memref<512xi32, #tpu.memory_space<hbm>>
        %dma_start3A_270 = arith.constant 0 : i32
        %dma_start3A_271 = tpu.memref_slice %arg6[%run_scoped3A_154, %dma_start3A_270] : memref<2x512xi32, #tpu.memory_space<vmem>> -> memref<1x512xi32, #tpu.memory_space<vmem>>
        %dma_start3A_272 = tpu.memref_squeeze %dma_start3A_271 : memref<1x512xi32, #tpu.memory_space<vmem>> -> memref<512xi32, #tpu.memory_space<vmem>>
        %dma_start3A_273 = tpu.memref_slice %arg3[%add3A_153] : memref<655360xi32, #tpu.memory_space<hbm>> -> memref<512xi32, #tpu.memory_space<hbm>>
        tpu.enqueue_dma source(%dma_start3A_273 : memref<512xi32, #tpu.memory_space<hbm>>) target(%dma_start3A_272 : memref<512xi32, #tpu.memory_space<vmem>>) target_semaphore(%run_scoped3A_265 : memref<!tpu.dma_semaphore, #tpu.memory_space<semaphore_mem>>)
        %dma_wait3A_274 = arith.constant 0 : i32
        %dma_wait3A_275 = tpu.memref_slice %arg6[%run_scoped3A_154, %dma_wait3A_274] : memref<2x512xi32, #tpu.memory_space<vmem>> -> memref<1x512xi32, #tpu.memory_space<vmem>>
        %dma_wait3A_276 = tpu.memref_squeeze %dma_wait3A_275 : memref<1x512xi32, #tpu.memory_space<vmem>> -> memref<512xi32, #tpu.memory_space<vmem>>
        %dma_wait3A_277 = tpu.memref_slice %arg3[%add3A_153] : memref<655360xi32, #tpu.memory_space<hbm>> -> memref<512xi32, #tpu.memory_space<hbm>>
        %dma_wait3A_278 = arith.constant 0 : i32
        %dma_wait3A_279 = tpu.memref_slice %arg6[%run_scoped3A_154, %dma_wait3A_278] : memref<2x512xi32, #tpu.memory_space<vmem>> -> memref<1x512xi32, #tpu.memory_space<vmem>>
        %dma_wait3A_280 = tpu.memref_squeeze %dma_wait3A_279 : memref<1x512xi32, #tpu.memory_space<vmem>> -> memref<512xi32, #tpu.memory_space<vmem>>
        %dma_wait3A_281 = tpu.memref_slice %arg3[%add3A_153] : memref<655360xi32, #tpu.memory_space<hbm>> -> memref<512xi32, #tpu.memory_space<hbm>>
        tpu.wait_dma2 semaphore(%run_scoped3A_265 : memref<!tpu.dma_semaphore, #tpu.memory_space<semaphore_mem>>) src(%dma_wait3A_281 : memref<512xi32, #tpu.memory_space<hbm>>) dst(%dma_wait3A_280 : memref<512xi32, #tpu.memory_space<vmem>>)
        tpu.yield
      }) : () -> ()
      %add3A_155 = arith.constant 0 : i32
      %add3A_156 = arith.addi %mul3A_132, %add3A_155 : i32
      %dma_start3A_157 = arith.constant 0 : i32
      %dma_start3A_158 = arith.constant 0 : i32
      %dma_start3A_159 = arith.constant 0 : i32
      %dma_start3A_160 = arith.constant 0 : i32
      %dma_start3A_161 = tpu.memref_slice %arg7[%dma_start3A_158, %dma_start3A_159, %dma_start3A_160] : memref<2x256x64xf32, #tpu.memory_space<vmem>> -> memref<1x256x64xf32, #tpu.memory_space<vmem>>
      %dma_start3A_162 = tpu.memref_squeeze %dma_start3A_161 : memref<1x256x64xf32, #tpu.memory_space<vmem>> -> memref<256x64xf32, #tpu.memory_space<vmem>>
      %dma_start3A_163 = arith.constant 0 : i32
      %dma_start3A_164 = tpu.memref_slice %arg6[%dma_start3A_157, %dma_start3A_163] : memref<2x512xi32, #tpu.memory_space<vmem>> -> memref<1x512xi32, #tpu.memory_space<vmem>>
      %dma_start3A_165 = tpu.memref_squeeze %dma_start3A_164 : memref<1x512xi32, #tpu.memory_space<vmem>> -> memref<512xi32, #tpu.memory_space<vmem>>
      %dma_start3A_166 = arith.constant 0 : i32
      %dma_start3A_167 = tpu.memref_slice %dma_start3A_165[%dma_start3A_166] : memref<512xi32, #tpu.memory_space<vmem>> -> memref<256xi32, #tpu.memory_space<vmem>>
      %dma_start3A_168 = arith.constant 0 : i32
      %dma_start3A_169 = arith.constant 0 : i32
      %dma_start3A_170 = tpu.memref_slice %arg8[%dma_start3A_168, %dma_start3A_169] : memref<10112x64xf32, #tpu.memory_space<vmem_shared>> -> memref<10112x64xf32, #tpu.memory_space<vmem_shared>>
      tpu.enqueue_indirect_dma source(%dma_start3A_170 : memref<10112x64xf32, #tpu.memory_space<vmem_shared>>) target(%dma_start3A_162 : memref<256x64xf32, #tpu.memory_space<vmem>>) offsets(%dma_start3A_167 : memref<256xi32, #tpu.memory_space<vmem>>) semaphore(%arg11 : memref<!tpu.dma_semaphore, #tpu.memory_space<semaphore_mem>>)
      %dma_wait3A_171 = arith.constant 1 : i32
      %dma_wait3A_172 = arith.constant 1 : i32
      %dma_wait3A_173 = arith.constant 0 : i32
      %dma_wait3A_174 = arith.constant 0 : i32
      %dma_wait3A_175 = tpu.memref_slice %arg7[%dma_wait3A_171, %dma_wait3A_173, %dma_wait3A_174] : memref<2x256x64xf32, #tpu.memory_space<vmem>> -> memref<1x256x64xf32, #tpu.memory_space<vmem>>
      %dma_wait3A_176 = tpu.memref_squeeze %dma_wait3A_175 : memref<1x256x64xf32, #tpu.memory_space<vmem>> -> memref<256x64xf32, #tpu.memory_space<vmem>>
      %dma_wait3A_177 = arith.constant 0 : i32
      %dma_wait3A_178 = tpu.memref_slice %arg6[%dma_wait3A_172, %dma_wait3A_177] : memref<2x512xi32, #tpu.memory_space<vmem>> -> memref<1x512xi32, #tpu.memory_space<vmem>>
      %dma_wait3A_179 = tpu.memref_squeeze %dma_wait3A_178 : memref<1x512xi32, #tpu.memory_space<vmem>> -> memref<512xi32, #tpu.memory_space<vmem>>
      %dma_wait3A_180 = arith.constant 256 : i32
      %dma_wait3A_181 = tpu.memref_slice %dma_wait3A_179[%dma_wait3A_180] : memref<512xi32, #tpu.memory_space<vmem>> -> memref<256xi32, #tpu.memory_space<vmem>>
      %dma_wait3A_182 = arith.constant 0 : i32
      %dma_wait3A_183 = arith.constant 0 : i32
      %dma_wait3A_184 = tpu.memref_slice %arg9[%dma_wait3A_182, %dma_wait3A_183] : memref<10112x64xf32, #tpu.memory_space<vmem_shared>> -> memref<10112x64xf32, #tpu.memory_space<vmem_shared>>
      tpu.wait_indirect_dma semaphore(%arg14 : memref<!tpu.dma_semaphore, #tpu.memory_space<semaphore_mem>>) src(%dma_wait3A_176 : memref<256x64xf32, #tpu.memory_space<vmem>>) dst(%dma_wait3A_184 : memref<10112x64xf32, #tpu.memory_space<vmem_shared>>)
      %add3A_185 = arith.constant 1 : i32
      %add3A_186 = arith.addi %mul3A_132, %add3A_185 : i32
      %mul3A_187 = arith.constant 2 : i32
      %mul3A_188 = arith.muli %add3A_186, %mul3A_187 : i32
      %mul3A_189 = arith.constant 256 : i32
      %mul3A_190 = arith.muli %mul3A_188, %mul3A_189 : i32
      %add3A_191 = arith.addi %mul3A_6, %mul3A_190 : i32
      %run_scoped3A_192 = arith.constant 1 : i32
      "tpu.region"() ({
        %run_scoped3A_265 = tpu.sem_alloc : memref<!tpu.dma_semaphore, #tpu.memory_space<semaphore_mem>>
        %dma_start3A_266 = arith.constant 0 : i32
        %dma_start3A_267 = tpu.memref_slice %arg6[%run_scoped3A_192, %dma_start3A_266] : memref<2x512xi32, #tpu.memory_space<vmem>> -> memref<1x512xi32, #tpu.memory_space<vmem>>
        %dma_start3A_268 = tpu.memref_squeeze %dma_start3A_267 : memref<1x512xi32, #tpu.memory_space<vmem>> -> memref<512xi32, #tpu.memory_space<vmem>>
        %dma_start3A_269 = tpu.memref_slice %arg3[%add3A_191] : memref<655360xi32, #tpu.memory_space<hbm>> -> memref<512xi32, #tpu.memory_space<hbm>>
        %dma_start3A_270 = arith.constant 0 : i32
        %dma_start3A_271 = tpu.memref_slice %arg6[%run_scoped3A_192, %dma_start3A_270] : memref<2x512xi32, #tpu.memory_space<vmem>> -> memref<1x512xi32, #tpu.memory_space<vmem>>
        %dma_start3A_272 = tpu.memref_squeeze %dma_start3A_271 : memref<1x512xi32, #tpu.memory_space<vmem>> -> memref<512xi32, #tpu.memory_space<vmem>>
        %dma_start3A_273 = tpu.memref_slice %arg3[%add3A_191] : memref<655360xi32, #tpu.memory_space<hbm>> -> memref<512xi32, #tpu.memory_space<hbm>>
        tpu.enqueue_dma source(%dma_start3A_273 : memref<512xi32, #tpu.memory_space<hbm>>) target(%dma_start3A_272 : memref<512xi32, #tpu.memory_space<vmem>>) target_semaphore(%run_scoped3A_265 : memref<!tpu.dma_semaphore, #tpu.memory_space<semaphore_mem>>)
        %dma_wait3A_274 = arith.constant 0 : i32
        %dma_wait3A_275 = tpu.memref_slice %arg6[%run_scoped3A_192, %dma_wait3A_274] : memref<2x512xi32, #tpu.memory_space<vmem>> -> memref<1x512xi32, #tpu.memory_space<vmem>>
        %dma_wait3A_276 = tpu.memref_squeeze %dma_wait3A_275 : memref<1x512xi32, #tpu.memory_space<vmem>> -> memref<512xi32, #tpu.memory_space<vmem>>
        %dma_wait3A_277 = tpu.memref_slice %arg3[%add3A_191] : memref<655360xi32, #tpu.memory_space<hbm>> -> memref<512xi32, #tpu.memory_space<hbm>>
        %dma_wait3A_278 = arith.constant 0 : i32
        %dma_wait3A_279 = tpu.memref_slice %arg6[%run_scoped3A_192, %dma_wait3A_278] : memref<2x512xi32, #tpu.memory_space<vmem>> -> memref<1x512xi32, #tpu.memory_space<vmem>>
        %dma_wait3A_280 = tpu.memref_squeeze %dma_wait3A_279 : memref<1x512xi32, #tpu.memory_space<vmem>> -> memref<512xi32, #tpu.memory_space<vmem>>
        %dma_wait3A_281 = tpu.memref_slice %arg3[%add3A_191] : memref<655360xi32, #tpu.memory_space<hbm>> -> memref<512xi32, #tpu.memory_space<hbm>>
        tpu.wait_dma2 semaphore(%run_scoped3A_265 : memref<!tpu.dma_semaphore, #tpu.memory_space<semaphore_mem>>) src(%dma_wait3A_281 : memref<512xi32, #tpu.memory_space<hbm>>) dst(%dma_wait3A_280 : memref<512xi32, #tpu.memory_space<vmem>>)
        tpu.yield
      }) : () -> ()
      %add3A_193 = arith.constant 1 : i32
      %add3A_194 = arith.addi %mul3A_132, %add3A_193 : i32
      %dma_start3A_195 = arith.constant 1 : i32
      %dma_start3A_196 = arith.constant 1 : i32
      %dma_start3A_197 = arith.constant 0 : i32
      %dma_start3A_198 = arith.constant 0 : i32
      %dma_start3A_199 = tpu.memref_slice %arg7[%dma_start3A_196, %dma_start3A_197, %dma_start3A_198] : memref<2x256x64xf32, #tpu.memory_space<vmem>> -> memref<1x256x64xf32, #tpu.memory_space<vmem>>
      %dma_start3A_200 = tpu.memref_squeeze %dma_start3A_199 : memref<1x256x64xf32, #tpu.memory_space<vmem>> -> memref<256x64xf32, #tpu.memory_space<vmem>>
      %dma_start3A_201 = arith.constant 0 : i32
      %dma_start3A_202 = tpu.memref_slice %arg6[%dma_start3A_195, %dma_start3A_201] : memref<2x512xi32, #tpu.memory_space<vmem>> -> memref<1x512xi32, #tpu.memory_space<vmem>>
      %dma_start3A_203 = tpu.memref_squeeze %dma_start3A_202 : memref<1x512xi32, #tpu.memory_space<vmem>> -> memref<512xi32, #tpu.memory_space<vmem>>
      %dma_start3A_204 = arith.constant 0 : i32
      %dma_start3A_205 = tpu.memref_slice %dma_start3A_203[%dma_start3A_204] : memref<512xi32, #tpu.memory_space<vmem>> -> memref<256xi32, #tpu.memory_space<vmem>>
      %dma_start3A_206 = arith.constant 0 : i32
      %dma_start3A_207 = arith.constant 0 : i32
      %dma_start3A_208 = tpu.memref_slice %arg8[%dma_start3A_206, %dma_start3A_207] : memref<10112x64xf32, #tpu.memory_space<vmem_shared>> -> memref<10112x64xf32, #tpu.memory_space<vmem_shared>>
      tpu.enqueue_indirect_dma source(%dma_start3A_208 : memref<10112x64xf32, #tpu.memory_space<vmem_shared>>) target(%dma_start3A_200 : memref<256x64xf32, #tpu.memory_space<vmem>>) offsets(%dma_start3A_205 : memref<256xi32, #tpu.memory_space<vmem>>) semaphore(%arg12 : memref<!tpu.dma_semaphore, #tpu.memory_space<semaphore_mem>>)
      %dma_wait3A_209 = arith.constant 0 : i32
      %dma_wait3A_210 = arith.constant 0 : i32
      %dma_wait3A_211 = arith.constant 0 : i32
      %dma_wait3A_212 = arith.constant 0 : i32
      %dma_wait3A_213 = tpu.memref_slice %arg7[%dma_wait3A_210, %dma_wait3A_211, %dma_wait3A_212] : memref<2x256x64xf32, #tpu.memory_space<vmem>> -> memref<1x256x64xf32, #tpu.memory_space<vmem>>
      %dma_wait3A_214 = tpu.memref_squeeze %dma_wait3A_213 : memref<1x256x64xf32, #tpu.memory_space<vmem>> -> memref<256x64xf32, #tpu.memory_space<vmem>>
      %dma_wait3A_215 = arith.constant 0 : i32
      %dma_wait3A_216 = tpu.memref_slice %arg6[%dma_wait3A_209, %dma_wait3A_215] : memref<2x512xi32, #tpu.memory_space<vmem>> -> memref<1x512xi32, #tpu.memory_space<vmem>>
      %dma_wait3A_217 = tpu.memref_squeeze %dma_wait3A_216 : memref<1x512xi32, #tpu.memory_space<vmem>> -> memref<512xi32, #tpu.memory_space<vmem>>
      %dma_wait3A_218 = arith.constant 0 : i32
      %dma_wait3A_219 = tpu.memref_slice %dma_wait3A_217[%dma_wait3A_218] : memref<512xi32, #tpu.memory_space<vmem>> -> memref<256xi32, #tpu.memory_space<vmem>>
      %dma_wait3A_220 = arith.constant 0 : i32
      %dma_wait3A_221 = arith.constant 0 : i32
      %dma_wait3A_222 = tpu.memref_slice %arg8[%dma_wait3A_220, %dma_wait3A_221] : memref<10112x64xf32, #tpu.memory_space<vmem_shared>> -> memref<10112x64xf32, #tpu.memory_space<vmem_shared>>
      tpu.wait_indirect_dma semaphore(%arg11 : memref<!tpu.dma_semaphore, #tpu.memory_space<semaphore_mem>>) src(%dma_wait3A_222 : memref<10112x64xf32, #tpu.memory_space<vmem_shared>>) dst(%dma_wait3A_214 : memref<256x64xf32, #tpu.memory_space<vmem>>)
      %dma_start3A_223 = arith.constant 0 : i32
      %dma_start3A_224 = arith.constant 0 : i32
      %dma_start3A_225 = arith.constant 0 : i32
      %dma_start3A_226 = arith.constant 0 : i32
      %dma_start3A_227 = tpu.memref_slice %arg7[%dma_start3A_223, %dma_start3A_225, %dma_start3A_226] : memref<2x256x64xf32, #tpu.memory_space<vmem>> -> memref<1x256x64xf32, #tpu.memory_space<vmem>>
      %dma_start3A_228 = tpu.memref_squeeze %dma_start3A_227 : memref<1x256x64xf32, #tpu.memory_space<vmem>> -> memref<256x64xf32, #tpu.memory_space<vmem>>
      %dma_start3A_229 = arith.constant 0 : i32
      %dma_start3A_230 = tpu.memref_slice %arg6[%dma_start3A_224, %dma_start3A_229] : memref<2x512xi32, #tpu.memory_space<vmem>> -> memref<1x512xi32, #tpu.memory_space<vmem>>
      %dma_start3A_231 = tpu.memref_squeeze %dma_start3A_230 : memref<1x512xi32, #tpu.memory_space<vmem>> -> memref<512xi32, #tpu.memory_space<vmem>>
      %dma_start3A_232 = arith.constant 256 : i32
      %dma_start3A_233 = tpu.memref_slice %dma_start3A_231[%dma_start3A_232] : memref<512xi32, #tpu.memory_space<vmem>> -> memref<256xi32, #tpu.memory_space<vmem>>
      %dma_start3A_234 = arith.constant 0 : i32
      %dma_start3A_235 = arith.constant 0 : i32
      %dma_start3A_236 = tpu.memref_slice %arg9[%dma_start3A_234, %dma_start3A_235] : memref<10112x64xf32, #tpu.memory_space<vmem_shared>> -> memref<10112x64xf32, #tpu.memory_space<vmem_shared>>
      tpu.enqueue_indirect_dma source(%dma_start3A_228 : memref<256x64xf32, #tpu.memory_space<vmem>>) target(%dma_start3A_236 : memref<10112x64xf32, #tpu.memory_space<vmem_shared>>) offsets(%dma_start3A_233 : memref<256xi32, #tpu.memory_space<vmem>>) semaphore(%arg13 : memref<!tpu.dma_semaphore, #tpu.memory_space<semaphore_mem>>) {add = true}
      %dma_wait3A_237 = arith.constant 1 : i32
      %dma_wait3A_238 = arith.constant 1 : i32
      %dma_wait3A_239 = arith.constant 0 : i32
      %dma_wait3A_240 = arith.constant 0 : i32
      %dma_wait3A_241 = tpu.memref_slice %arg7[%dma_wait3A_238, %dma_wait3A_239, %dma_wait3A_240] : memref<2x256x64xf32, #tpu.memory_space<vmem>> -> memref<1x256x64xf32, #tpu.memory_space<vmem>>
      %dma_wait3A_242 = tpu.memref_squeeze %dma_wait3A_241 : memref<1x256x64xf32, #tpu.memory_space<vmem>> -> memref<256x64xf32, #tpu.memory_space<vmem>>
      %dma_wait3A_243 = arith.constant 0 : i32
      %dma_wait3A_244 = tpu.memref_slice %arg6[%dma_wait3A_237, %dma_wait3A_243] : memref<2x512xi32, #tpu.memory_space<vmem>> -> memref<1x512xi32, #tpu.memory_space<vmem>>
      %dma_wait3A_245 = tpu.memref_squeeze %dma_wait3A_244 : memref<1x512xi32, #tpu.memory_space<vmem>> -> memref<512xi32, #tpu.memory_space<vmem>>
      %dma_wait3A_246 = arith.constant 0 : i32
      %dma_wait3A_247 = tpu.memref_slice %dma_wait3A_245[%dma_wait3A_246] : memref<512xi32, #tpu.memory_space<vmem>> -> memref<256xi32, #tpu.memory_space<vmem>>
      %dma_wait3A_248 = arith.constant 0 : i32
      %dma_wait3A_249 = arith.constant 0 : i32
      %dma_wait3A_250 = tpu.memref_slice %arg8[%dma_wait3A_248, %dma_wait3A_249] : memref<10112x64xf32, #tpu.memory_space<vmem_shared>> -> memref<10112x64xf32, #tpu.memory_space<vmem_shared>>
      tpu.wait_indirect_dma semaphore(%arg12 : memref<!tpu.dma_semaphore, #tpu.memory_space<semaphore_mem>>) src(%dma_wait3A_250 : memref<10112x64xf32, #tpu.memory_space<vmem_shared>>) dst(%dma_wait3A_242 : memref<256x64xf32, #tpu.memory_space<vmem>>)
      %dma_start3A_251 = arith.constant 1 : i32
      %dma_start3A_252 = arith.constant 1 : i32
      %dma_start3A_253 = arith.constant 0 : i32
      %dma_start3A_254 = arith.constant 0 : i32
      %dma_start3A_255 = tpu.memref_slice %arg7[%dma_start3A_251, %dma_start3A_253, %dma_start3A_254] : memref<2x256x64xf32, #tpu.memory_space<vmem>> -> memref<1x256x64xf32, #tpu.memory_space<vmem>>
      %dma_start3A_256 = tpu.memref_squeeze %dma_start3A_255 : memref<1x256x64xf32, #tpu.memory_space<vmem>> -> memref<256x64xf32, #tpu.memory_space<vmem>>
      %dma_start3A_257 = arith.constant 0 : i32
      %dma_start3A_258 = tpu.memref_slice %arg6[%dma_start3A_252, %dma_start3A_257] : memref<2x512xi32, #tpu.memory_space<vmem>> -> memref<1x512xi32, #tpu.memory_space<vmem>>
      %dma_start3A_259 = tpu.memref_squeeze %dma_start3A_258 : memref<1x512xi32, #tpu.memory_space<vmem>> -> memref<512xi32, #tpu.memory_space<vmem>>
      %dma_start3A_260 = arith.constant 256 : i32
      %dma_start3A_261 = tpu.memref_slice %dma_start3A_259[%dma_start3A_260] : memref<512xi32, #tpu.memory_space<vmem>> -> memref<256xi32, #tpu.memory_space<vmem>>
      %dma_start3A_262 = arith.constant 0 : i32
      %dma_start3A_263 = arith.constant 0 : i32
      %dma_start3A_264 = tpu.memref_slice %arg9[%dma_start3A_262, %dma_start3A_263] : memref<10112x64xf32, #tpu.memory_space<vmem_shared>> -> memref<10112x64xf32, #tpu.memory_space<vmem_shared>>
      tpu.enqueue_indirect_dma source(%dma_start3A_256 : memref<256x64xf32, #tpu.memory_space<vmem>>) target(%dma_start3A_264 : memref<10112x64xf32, #tpu.memory_space<vmem_shared>>) offsets(%dma_start3A_261 : memref<256xi32, #tpu.memory_space<vmem>>) semaphore(%arg14 : memref<!tpu.dma_semaphore, #tpu.memory_space<semaphore_mem>>) {add = true}
    }
    %scan3A_100 = arith.constant 19 : i32
    %dma_wait3A_101 = arith.constant 0 : i32
    %dma_wait3A_102 = arith.constant 0 : i32
    %dma_wait3A_103 = arith.constant 0 : i32
    %dma_wait3A_104 = arith.constant 0 : i32
    %dma_wait3A_105 = tpu.memref_slice %arg7[%dma_wait3A_101, %dma_wait3A_103, %dma_wait3A_104] : memref<2x256x64xf32, #tpu.memory_space<vmem>> -> memref<1x256x64xf32, #tpu.memory_space<vmem>>
    %dma_wait3A_106 = tpu.memref_squeeze %dma_wait3A_105 : memref<1x256x64xf32, #tpu.memory_space<vmem>> -> memref<256x64xf32, #tpu.memory_space<vmem>>
    %dma_wait3A_107 = arith.constant 0 : i32
    %dma_wait3A_108 = tpu.memref_slice %arg6[%dma_wait3A_102, %dma_wait3A_107] : memref<2x512xi32, #tpu.memory_space<vmem>> -> memref<1x512xi32, #tpu.memory_space<vmem>>
    %dma_wait3A_109 = tpu.memref_squeeze %dma_wait3A_108 : memref<1x512xi32, #tpu.memory_space<vmem>> -> memref<512xi32, #tpu.memory_space<vmem>>
    %dma_wait3A_110 = arith.constant 256 : i32
    %dma_wait3A_111 = tpu.memref_slice %dma_wait3A_109[%dma_wait3A_110] : memref<512xi32, #tpu.memory_space<vmem>> -> memref<256xi32, #tpu.memory_space<vmem>>
    %dma_wait3A_112 = arith.constant 0 : i32
    %dma_wait3A_113 = arith.constant 0 : i32
    %dma_wait3A_114 = tpu.memref_slice %arg9[%dma_wait3A_112, %dma_wait3A_113] : memref<10112x64xf32, #tpu.memory_space<vmem_shared>> -> memref<10112x64xf32, #tpu.memory_space<vmem_shared>>
    tpu.wait_indirect_dma semaphore(%arg13 : memref<!tpu.dma_semaphore, #tpu.memory_space<semaphore_mem>>) src(%dma_wait3A_106 : memref<256x64xf32, #tpu.memory_space<vmem>>) dst(%dma_wait3A_114 : memref<10112x64xf32, #tpu.memory_space<vmem_shared>>)
    %dma_wait3A_115 = arith.constant 1 : i32
    %dma_wait3A_116 = arith.constant 1 : i32
    %dma_wait3A_117 = arith.constant 0 : i32
    %dma_wait3A_118 = arith.constant 0 : i32
    %dma_wait3A_119 = tpu.memref_slice %arg7[%dma_wait3A_115, %dma_wait3A_117, %dma_wait3A_118] : memref<2x256x64xf32, #tpu.memory_space<vmem>> -> memref<1x256x64xf32, #tpu.memory_space<vmem>>
    %dma_wait3A_120 = tpu.memref_squeeze %dma_wait3A_119 : memref<1x256x64xf32, #tpu.memory_space<vmem>> -> memref<256x64xf32, #tpu.memory_space<vmem>>
    %dma_wait3A_121 = arith.constant 0 : i32
    %dma_wait3A_122 = tpu.memref_slice %arg6[%dma_wait3A_116, %dma_wait3A_121] : memref<2x512xi32, #tpu.memory_space<vmem>> -> memref<1x512xi32, #tpu.memory_space<vmem>>
    %dma_wait3A_123 = tpu.memref_squeeze %dma_wait3A_122 : memref<1x512xi32, #tpu.memory_space<vmem>> -> memref<512xi32, #tpu.memory_space<vmem>>
    %dma_wait3A_124 = arith.constant 256 : i32
    %dma_wait3A_125 = tpu.memref_slice %dma_wait3A_123[%dma_wait3A_124] : memref<512xi32, #tpu.memory_space<vmem>> -> memref<256xi32, #tpu.memory_space<vmem>>
    %dma_wait3A_126 = arith.constant 0 : i32
    %dma_wait3A_127 = arith.constant 0 : i32
    %dma_wait3A_128 = tpu.memref_slice %arg9[%dma_wait3A_126, %dma_wait3A_127] : memref<10112x64xf32, #tpu.memory_space<vmem_shared>> -> memref<10112x64xf32, #tpu.memory_space<vmem_shared>>
    tpu.wait_indirect_dma semaphore(%arg14 : memref<!tpu.dma_semaphore, #tpu.memory_space<semaphore_mem>>) src(%dma_wait3A_120 : memref<256x64xf32, #tpu.memory_space<vmem>>) dst(%dma_wait3A_128 : memref<10112x64xf32, #tpu.memory_space<vmem_shared>>)
    %barrier3A_129 = arith.constant 0 : index
    tpu.barrier barrier_id(%barrier3A_129)
    "tpu.region"() ({
      %run_scoped3A_130 = tpu.sem_alloc : memref<!tpu.dma_semaphore, #tpu.memory_space<semaphore_mem>>
      %dma_start3A_131 = arith.constant 0 : i32
      %dma_start3A_132 = tpu.memref_slice %arg5[%arg0, %mul3A_8, %dma_start3A_131] : memref<2x10112x64xf32, #tpu.memory_space<hbm>> -> memref<1x632x64xf32, #tpu.memory_space<hbm>>
      %dma_start3A_133 = tpu.memref_squeeze %dma_start3A_132 : memref<1x632x64xf32, #tpu.memory_space<hbm>> -> memref<632x64xf32, #tpu.memory_space<hbm>>
      %dma_start3A_134 = arith.constant 0 : i32
      %dma_start3A_135 = tpu.memref_slice %arg9[%mul3A_8, %dma_start3A_134] : memref<10112x64xf32, #tpu.memory_space<vmem_shared>> -> memref<632x64xf32, #tpu.memory_space<vmem_shared>>
      tpu.enqueue_dma source(%dma_start3A_135 : memref<632x64xf32, #tpu.memory_space<vmem_shared>>) target(%dma_start3A_133 : memref<632x64xf32, #tpu.memory_space<hbm>>) target_semaphore(%run_scoped3A_130 : memref<!tpu.dma_semaphore, #tpu.memory_space<semaphore_mem>>)
      %dma_wait3A_136 = arith.constant 0 : i32
      %dma_wait3A_137 = tpu.memref_slice %arg5[%arg0, %mul3A_8, %dma_wait3A_136] : memref<2x10112x64xf32, #tpu.memory_space<hbm>> -> memref<1x632x64xf32, #tpu.memory_space<hbm>>
      %dma_wait3A_138 = tpu.memref_squeeze %dma_wait3A_137 : memref<1x632x64xf32, #tpu.memory_space<hbm>> -> memref<632x64xf32, #tpu.memory_space<hbm>>
      %dma_wait3A_139 = arith.constant 0 : i32
      %dma_wait3A_140 = tpu.memref_slice %arg9[%mul3A_8, %dma_wait3A_139] : memref<10112x64xf32, #tpu.memory_space<vmem_shared>> -> memref<632x64xf32, #tpu.memory_space<vmem_shared>>
      tpu.wait_dma2 semaphore(%run_scoped3A_130 : memref<!tpu.dma_semaphore, #tpu.memory_space<semaphore_mem>>) src(%dma_wait3A_140 : memref<632x64xf32, #tpu.memory_space<vmem_shared>>) dst(%dma_wait3A_138 : memref<632x64xf32, #tpu.memory_space<hbm>>)
      tpu.yield
    }) : () -> ()
    return
  }
}

#map = affine_map<(d0, d1) -> (0, 0)>
#map1 = affine_map<(d0, d1) -> (0)>
#map2 = affine_map<(d0, d1) -> (0, 0, 0)>
module attributes {stable_mosaic.version = 14 : i64} {
  func.func @_agg_body(%arg0: i32, %arg1: i32, %arg2: memref<10112x64xf32, #tpu.memory_space<hbm>>, %arg3: memref<655360xi32, #tpu.memory_space<hbm>>, %arg4: memref<10112x64xf32, #tpu.memory_space<hbm>>, %arg5: memref<2x10112x64xf32, #tpu.memory_space<hbm>>, %arg6: memref<2x512xi32, #tpu.memory_space<vmem>>, %arg7: memref<2x256x64xf32, #tpu.memory_space<vmem>>, %arg8: memref<10112x64xf32, #tpu.memory_space<vmem_shared>>, %arg9: memref<10112x64xf32, #tpu.memory_space<vmem_shared>>, %arg10: memref<!tpu.dma_semaphore, #tpu.memory_space<semaphore_mem>>, %arg11: memref<!tpu.dma_semaphore, #tpu.memory_space<semaphore_mem>>, %arg12: memref<!tpu.dma_semaphore, #tpu.memory_space<semaphore_mem>>, %arg13: memref<!tpu.dma_semaphore, #tpu.memory_space<semaphore_mem>>, %arg14: memref<!tpu.dma_semaphore, #tpu.memory_space<semaphore_mem>>) attributes {dimension_semantics = [#tpu.dimension_semantics<core_parallel>, #tpu.dimension_semantics<subcore_parallel>], iteration_bounds = array<i64: 2, 16>, scalar_prefetch = 0 : i64, scratch_operands = 9 : i64, tpu.core_type = #tpu.core_type<sc_vector_subcore>, window_params = [{transform_indices = #map}, {transform_indices = #map1}, {transform_indices = #map}, {transform_indices = #map2}]} {
    %mul3A = arith.constant 16 : i32
    %mul3A_0 = arith.muli %arg0, %mul3A : i32
    %add3A = arith.addi %mul3A_0, %arg1 : i32
    %mul3A_1 = arith.constant 40 : i32
    %mul3A_2 = arith.muli %add3A, %mul3A_1 : i32
    %mul3A_3 = arith.constant 2 : i32
    %mul3A_4 = arith.muli %mul3A_2, %mul3A_3 : i32
    %mul3A_5 = arith.constant 256 : i32
    %mul3A_6 = arith.muli %mul3A_4, %mul3A_5 : i32
    %mul3A_7 = arith.constant 632 : i32
    %mul3A_8 = arith.muli %arg1, %mul3A_7 : i32
    "tpu.region"() ({
      %run_scoped3A_130 = tpu.sem_alloc : memref<!tpu.dma_semaphore, #tpu.memory_space<semaphore_mem>>
      %dma_start3A_131 = arith.constant 0 : i32
      %dma_start3A_132 = tpu.memref_slice %arg9[%mul3A_8, %dma_start3A_131] : memref<10112x64xf32, #tpu.memory_space<vmem_shared>> -> memref<632x64xf32, #tpu.memory_space<vmem_shared>>
      %dma_start3A_133 = arith.constant 0 : i32
      %dma_start3A_134 = tpu.memref_slice %arg4[%mul3A_8, %dma_start3A_133] : memref<10112x64xf32, #tpu.memory_space<hbm>> -> memref<632x64xf32, #tpu.memory_space<hbm>>
      tpu.enqueue_dma source(%dma_start3A_134 : memref<632x64xf32, #tpu.memory_space<hbm>>) target(%dma_start3A_132 : memref<632x64xf32, #tpu.memory_space<vmem_shared>>) target_semaphore(%run_scoped3A_130 : memref<!tpu.dma_semaphore, #tpu.memory_space<semaphore_mem>>)
      %dma_wait3A_135 = arith.constant 0 : i32
      %dma_wait3A_136 = tpu.memref_slice %arg9[%mul3A_8, %dma_wait3A_135] : memref<10112x64xf32, #tpu.memory_space<vmem_shared>> -> memref<632x64xf32, #tpu.memory_space<vmem_shared>>
      %dma_wait3A_137 = arith.constant 0 : i32
      %dma_wait3A_138 = tpu.memref_slice %arg4[%mul3A_8, %dma_wait3A_137] : memref<10112x64xf32, #tpu.memory_space<hbm>> -> memref<632x64xf32, #tpu.memory_space<hbm>>
      tpu.wait_dma2 semaphore(%run_scoped3A_130 : memref<!tpu.dma_semaphore, #tpu.memory_space<semaphore_mem>>) src(%dma_wait3A_138 : memref<632x64xf32, #tpu.memory_space<hbm>>) dst(%dma_wait3A_136 : memref<632x64xf32, #tpu.memory_space<vmem_shared>>)
      tpu.yield
    }) : () -> ()
    "tpu.region"() ({
      %run_scoped3A_130 = tpu.sem_alloc : memref<!tpu.dma_semaphore, #tpu.memory_space<semaphore_mem>>
      %dma_start3A_131 = arith.constant 0 : i32
      %dma_start3A_132 = tpu.memref_slice %arg8[%mul3A_8, %dma_start3A_131] : memref<10112x64xf32, #tpu.memory_space<vmem_shared>> -> memref<632x64xf32, #tpu.memory_space<vmem_shared>>
      %dma_start3A_133 = arith.constant 0 : i32
      %dma_start3A_134 = tpu.memref_slice %arg2[%mul3A_8, %dma_start3A_133] : memref<10112x64xf32, #tpu.memory_space<hbm>> -> memref<632x64xf32, #tpu.memory_space<hbm>>
      tpu.enqueue_dma source(%dma_start3A_134 : memref<632x64xf32, #tpu.memory_space<hbm>>) target(%dma_start3A_132 : memref<632x64xf32, #tpu.memory_space<vmem_shared>>) target_semaphore(%run_scoped3A_130 : memref<!tpu.dma_semaphore, #tpu.memory_space<semaphore_mem>>)
      %dma_wait3A_135 = arith.constant 0 : i32
      %dma_wait3A_136 = tpu.memref_slice %arg8[%mul3A_8, %dma_wait3A_135] : memref<10112x64xf32, #tpu.memory_space<vmem_shared>> -> memref<632x64xf32, #tpu.memory_space<vmem_shared>>
      %dma_wait3A_137 = arith.constant 0 : i32
      %dma_wait3A_138 = tpu.memref_slice %arg2[%mul3A_8, %dma_wait3A_137] : memref<10112x64xf32, #tpu.memory_space<hbm>> -> memref<632x64xf32, #tpu.memory_space<hbm>>
      tpu.wait_dma2 semaphore(%run_scoped3A_130 : memref<!tpu.dma_semaphore, #tpu.memory_space<semaphore_mem>>) src(%dma_wait3A_138 : memref<632x64xf32, #tpu.memory_space<hbm>>) dst(%dma_wait3A_136 : memref<632x64xf32, #tpu.memory_space<vmem_shared>>)
      tpu.yield
    }) : () -> ()
    %barrier3A = arith.constant 0 : index
    tpu.barrier barrier_id(%barrier3A)
    %add3A_9 = arith.constant 0 : i32
    %add3A_10 = arith.addi %mul3A_6, %add3A_9 : i32
    %run_scoped3A = arith.constant 0 : i32
    "tpu.region"() ({
      %run_scoped3A_130 = tpu.sem_alloc : memref<!tpu.dma_semaphore, #tpu.memory_space<semaphore_mem>>
      %dma_start3A_131 = arith.constant 0 : i32
      %dma_start3A_132 = tpu.memref_slice %arg6[%run_scoped3A, %dma_start3A_131] : memref<2x512xi32, #tpu.memory_space<vmem>> -> memref<1x512xi32, #tpu.memory_space<vmem>>
      %dma_start3A_133 = tpu.memref_squeeze %dma_start3A_132 : memref<1x512xi32, #tpu.memory_space<vmem>> -> memref<512xi32, #tpu.memory_space<vmem>>
      %dma_start3A_134 = tpu.memref_slice %arg3[%add3A_10] : memref<655360xi32, #tpu.memory_space<hbm>> -> memref<512xi32, #tpu.memory_space<hbm>>
      %dma_start3A_135 = arith.constant 0 : i32
      %dma_start3A_136 = tpu.memref_slice %arg6[%run_scoped3A, %dma_start3A_135] : memref<2x512xi32, #tpu.memory_space<vmem>> -> memref<1x512xi32, #tpu.memory_space<vmem>>
      %dma_start3A_137 = tpu.memref_squeeze %dma_start3A_136 : memref<1x512xi32, #tpu.memory_space<vmem>> -> memref<512xi32, #tpu.memory_space<vmem>>
      %dma_start3A_138 = tpu.memref_slice %arg3[%add3A_10] : memref<655360xi32, #tpu.memory_space<hbm>> -> memref<512xi32, #tpu.memory_space<hbm>>
      tpu.enqueue_dma source(%dma_start3A_138 : memref<512xi32, #tpu.memory_space<hbm>>) target(%dma_start3A_137 : memref<512xi32, #tpu.memory_space<vmem>>) target_semaphore(%run_scoped3A_130 : memref<!tpu.dma_semaphore, #tpu.memory_space<semaphore_mem>>)
      %dma_wait3A_139 = arith.constant 0 : i32
      %dma_wait3A_140 = tpu.memref_slice %arg6[%run_scoped3A, %dma_wait3A_139] : memref<2x512xi32, #tpu.memory_space<vmem>> -> memref<1x512xi32, #tpu.memory_space<vmem>>
      %dma_wait3A_141 = tpu.memref_squeeze %dma_wait3A_140 : memref<1x512xi32, #tpu.memory_space<vmem>> -> memref<512xi32, #tpu.memory_space<vmem>>
      %dma_wait3A_142 = tpu.memref_slice %arg3[%add3A_10] : memref<655360xi32, #tpu.memory_space<hbm>> -> memref<512xi32, #tpu.memory_space<hbm>>
      %dma_wait3A_143 = arith.constant 0 : i32
      %dma_wait3A_144 = tpu.memref_slice %arg6[%run_scoped3A, %dma_wait3A_143] : memref<2x512xi32, #tpu.memory_space<vmem>> -> memref<1x512xi32, #tpu.memory_space<vmem>>
      %dma_wait3A_145 = tpu.memref_squeeze %dma_wait3A_144 : memref<1x512xi32, #tpu.memory_space<vmem>> -> memref<512xi32, #tpu.memory_space<vmem>>
      %dma_wait3A_146 = tpu.memref_slice %arg3[%add3A_10] : memref<655360xi32, #tpu.memory_space<hbm>> -> memref<512xi32, #tpu.memory_space<hbm>>
      tpu.wait_dma2 semaphore(%run_scoped3A_130 : memref<!tpu.dma_semaphore, #tpu.memory_space<semaphore_mem>>) src(%dma_wait3A_146 : memref<512xi32, #tpu.memory_space<hbm>>) dst(%dma_wait3A_145 : memref<512xi32, #tpu.memory_space<vmem>>)
      tpu.yield
    }) : () -> ()
    %dma_start3A = arith.constant 0 : i32
    %dma_start3A_11 = arith.constant 0 : i32
    %dma_start3A_12 = arith.constant 0 : i32
    %dma_start3A_13 = arith.constant 0 : i32
    %dma_start3A_14 = tpu.memref_slice %arg7[%dma_start3A_11, %dma_start3A_12, %dma_start3A_13] : memref<2x256x64xf32, #tpu.memory_space<vmem>> -> memref<1x256x64xf32, #tpu.memory_space<vmem>>
    %dma_start3A_15 = tpu.memref_squeeze %dma_start3A_14 : memref<1x256x64xf32, #tpu.memory_space<vmem>> -> memref<256x64xf32, #tpu.memory_space<vmem>>
    %dma_start3A_16 = arith.constant 0 : i32
    %dma_start3A_17 = tpu.memref_slice %arg6[%dma_start3A, %dma_start3A_16] : memref<2x512xi32, #tpu.memory_space<vmem>> -> memref<1x512xi32, #tpu.memory_space<vmem>>
    %dma_start3A_18 = tpu.memref_squeeze %dma_start3A_17 : memref<1x512xi32, #tpu.memory_space<vmem>> -> memref<512xi32, #tpu.memory_space<vmem>>
    %dma_start3A_19 = arith.constant 0 : i32
    %dma_start3A_20 = tpu.memref_slice %dma_start3A_18[%dma_start3A_19] : memref<512xi32, #tpu.memory_space<vmem>> -> memref<256xi32, #tpu.memory_space<vmem>>
    %dma_start3A_21 = arith.constant 0 : i32
    %dma_start3A_22 = arith.constant 0 : i32
    %dma_start3A_23 = tpu.memref_slice %arg8[%dma_start3A_21, %dma_start3A_22] : memref<10112x64xf32, #tpu.memory_space<vmem_shared>> -> memref<10112x64xf32, #tpu.memory_space<vmem_shared>>
    tpu.enqueue_indirect_dma source(%dma_start3A_23 : memref<10112x64xf32, #tpu.memory_space<vmem_shared>>) target(%dma_start3A_15 : memref<256x64xf32, #tpu.memory_space<vmem>>) offsets(%dma_start3A_20 : memref<256xi32, #tpu.memory_space<vmem>>) semaphore(%arg11 : memref<!tpu.dma_semaphore, #tpu.memory_space<semaphore_mem>>)
    %add3A_24 = arith.constant 512 : i32
    %add3A_25 = arith.addi %mul3A_6, %add3A_24 : i32
    %run_scoped3A_26 = arith.constant 1 : i32
    "tpu.region"() ({
      %run_scoped3A_130 = tpu.sem_alloc : memref<!tpu.dma_semaphore, #tpu.memory_space<semaphore_mem>>
      %dma_start3A_131 = arith.constant 0 : i32
      %dma_start3A_132 = tpu.memref_slice %arg6[%run_scoped3A_26, %dma_start3A_131] : memref<2x512xi32, #tpu.memory_space<vmem>> -> memref<1x512xi32, #tpu.memory_space<vmem>>
      %dma_start3A_133 = tpu.memref_squeeze %dma_start3A_132 : memref<1x512xi32, #tpu.memory_space<vmem>> -> memref<512xi32, #tpu.memory_space<vmem>>
      %dma_start3A_134 = tpu.memref_slice %arg3[%add3A_25] : memref<655360xi32, #tpu.memory_space<hbm>> -> memref<512xi32, #tpu.memory_space<hbm>>
      %dma_start3A_135 = arith.constant 0 : i32
      %dma_start3A_136 = tpu.memref_slice %arg6[%run_scoped3A_26, %dma_start3A_135] : memref<2x512xi32, #tpu.memory_space<vmem>> -> memref<1x512xi32, #tpu.memory_space<vmem>>
      %dma_start3A_137 = tpu.memref_squeeze %dma_start3A_136 : memref<1x512xi32, #tpu.memory_space<vmem>> -> memref<512xi32, #tpu.memory_space<vmem>>
      %dma_start3A_138 = tpu.memref_slice %arg3[%add3A_25] : memref<655360xi32, #tpu.memory_space<hbm>> -> memref<512xi32, #tpu.memory_space<hbm>>
      tpu.enqueue_dma source(%dma_start3A_138 : memref<512xi32, #tpu.memory_space<hbm>>) target(%dma_start3A_137 : memref<512xi32, #tpu.memory_space<vmem>>) target_semaphore(%run_scoped3A_130 : memref<!tpu.dma_semaphore, #tpu.memory_space<semaphore_mem>>)
      %dma_wait3A_139 = arith.constant 0 : i32
      %dma_wait3A_140 = tpu.memref_slice %arg6[%run_scoped3A_26, %dma_wait3A_139] : memref<2x512xi32, #tpu.memory_space<vmem>> -> memref<1x512xi32, #tpu.memory_space<vmem>>
      %dma_wait3A_141 = tpu.memref_squeeze %dma_wait3A_140 : memref<1x512xi32, #tpu.memory_space<vmem>> -> memref<512xi32, #tpu.memory_space<vmem>>
      %dma_wait3A_142 = tpu.memref_slice %arg3[%add3A_25] : memref<655360xi32, #tpu.memory_space<hbm>> -> memref<512xi32, #tpu.memory_space<hbm>>
      %dma_wait3A_143 = arith.constant 0 : i32
      %dma_wait3A_144 = tpu.memref_slice %arg6[%run_scoped3A_26, %dma_wait3A_143] : memref<2x512xi32, #tpu.memory_space<vmem>> -> memref<1x512xi32, #tpu.memory_space<vmem>>
      %dma_wait3A_145 = tpu.memref_squeeze %dma_wait3A_144 : memref<1x512xi32, #tpu.memory_space<vmem>> -> memref<512xi32, #tpu.memory_space<vmem>>
      %dma_wait3A_146 = tpu.memref_slice %arg3[%add3A_25] : memref<655360xi32, #tpu.memory_space<hbm>> -> memref<512xi32, #tpu.memory_space<hbm>>
      tpu.wait_dma2 semaphore(%run_scoped3A_130 : memref<!tpu.dma_semaphore, #tpu.memory_space<semaphore_mem>>) src(%dma_wait3A_146 : memref<512xi32, #tpu.memory_space<hbm>>) dst(%dma_wait3A_145 : memref<512xi32, #tpu.memory_space<vmem>>)
      tpu.yield
    }) : () -> ()
    %dma_start3A_27 = arith.constant 1 : i32
    %dma_start3A_28 = arith.constant 1 : i32
    %dma_start3A_29 = arith.constant 0 : i32
    %dma_start3A_30 = arith.constant 0 : i32
    %dma_start3A_31 = tpu.memref_slice %arg7[%dma_start3A_28, %dma_start3A_29, %dma_start3A_30] : memref<2x256x64xf32, #tpu.memory_space<vmem>> -> memref<1x256x64xf32, #tpu.memory_space<vmem>>
    %dma_start3A_32 = tpu.memref_squeeze %dma_start3A_31 : memref<1x256x64xf32, #tpu.memory_space<vmem>> -> memref<256x64xf32, #tpu.memory_space<vmem>>
    %dma_start3A_33 = arith.constant 0 : i32
    %dma_start3A_34 = tpu.memref_slice %arg6[%dma_start3A_27, %dma_start3A_33] : memref<2x512xi32, #tpu.memory_space<vmem>> -> memref<1x512xi32, #tpu.memory_space<vmem>>
    %dma_start3A_35 = tpu.memref_squeeze %dma_start3A_34 : memref<1x512xi32, #tpu.memory_space<vmem>> -> memref<512xi32, #tpu.memory_space<vmem>>
    %dma_start3A_36 = arith.constant 0 : i32
    %dma_start3A_37 = tpu.memref_slice %dma_start3A_35[%dma_start3A_36] : memref<512xi32, #tpu.memory_space<vmem>> -> memref<256xi32, #tpu.memory_space<vmem>>
    %dma_start3A_38 = arith.constant 0 : i32
    %dma_start3A_39 = arith.constant 0 : i32
    %dma_start3A_40 = tpu.memref_slice %arg8[%dma_start3A_38, %dma_start3A_39] : memref<10112x64xf32, #tpu.memory_space<vmem_shared>> -> memref<10112x64xf32, #tpu.memory_space<vmem_shared>>
    tpu.enqueue_indirect_dma source(%dma_start3A_40 : memref<10112x64xf32, #tpu.memory_space<vmem_shared>>) target(%dma_start3A_32 : memref<256x64xf32, #tpu.memory_space<vmem>>) offsets(%dma_start3A_37 : memref<256xi32, #tpu.memory_space<vmem>>) semaphore(%arg12 : memref<!tpu.dma_semaphore, #tpu.memory_space<semaphore_mem>>)
    %dma_wait3A = arith.constant 0 : i32
    %dma_wait3A_41 = arith.constant 0 : i32
    %dma_wait3A_42 = arith.constant 0 : i32
    %dma_wait3A_43 = arith.constant 0 : i32
    %dma_wait3A_44 = tpu.memref_slice %arg7[%dma_wait3A_41, %dma_wait3A_42, %dma_wait3A_43] : memref<2x256x64xf32, #tpu.memory_space<vmem>> -> memref<1x256x64xf32, #tpu.memory_space<vmem>>
    %dma_wait3A_45 = tpu.memref_squeeze %dma_wait3A_44 : memref<1x256x64xf32, #tpu.memory_space<vmem>> -> memref<256x64xf32, #tpu.memory_space<vmem>>
    %dma_wait3A_46 = arith.constant 0 : i32
    %dma_wait3A_47 = tpu.memref_slice %arg6[%dma_wait3A, %dma_wait3A_46] : memref<2x512xi32, #tpu.memory_space<vmem>> -> memref<1x512xi32, #tpu.memory_space<vmem>>
    %dma_wait3A_48 = tpu.memref_squeeze %dma_wait3A_47 : memref<1x512xi32, #tpu.memory_space<vmem>> -> memref<512xi32, #tpu.memory_space<vmem>>
    %dma_wait3A_49 = arith.constant 0 : i32
    %dma_wait3A_50 = tpu.memref_slice %dma_wait3A_48[%dma_wait3A_49] : memref<512xi32, #tpu.memory_space<vmem>> -> memref<256xi32, #tpu.memory_space<vmem>>
    %dma_wait3A_51 = arith.constant 0 : i32
    %dma_wait3A_52 = arith.constant 0 : i32
    %dma_wait3A_53 = tpu.memref_slice %arg8[%dma_wait3A_51, %dma_wait3A_52] : memref<10112x64xf32, #tpu.memory_space<vmem_shared>> -> memref<10112x64xf32, #tpu.memory_space<vmem_shared>>
    tpu.wait_indirect_dma semaphore(%arg11 : memref<!tpu.dma_semaphore, #tpu.memory_space<semaphore_mem>>) src(%dma_wait3A_53 : memref<10112x64xf32, #tpu.memory_space<vmem_shared>>) dst(%dma_wait3A_45 : memref<256x64xf32, #tpu.memory_space<vmem>>)
    %dma_start3A_54 = arith.constant 0 : i32
    %dma_start3A_55 = arith.constant 0 : i32
    %dma_start3A_56 = arith.constant 0 : i32
    %dma_start3A_57 = arith.constant 0 : i32
    %dma_start3A_58 = tpu.memref_slice %arg7[%dma_start3A_54, %dma_start3A_56, %dma_start3A_57] : memref<2x256x64xf32, #tpu.memory_space<vmem>> -> memref<1x256x64xf32, #tpu.memory_space<vmem>>
    %dma_start3A_59 = tpu.memref_squeeze %dma_start3A_58 : memref<1x256x64xf32, #tpu.memory_space<vmem>> -> memref<256x64xf32, #tpu.memory_space<vmem>>
    %dma_start3A_60 = arith.constant 0 : i32
    %dma_start3A_61 = tpu.memref_slice %arg6[%dma_start3A_55, %dma_start3A_60] : memref<2x512xi32, #tpu.memory_space<vmem>> -> memref<1x512xi32, #tpu.memory_space<vmem>>
    %dma_start3A_62 = tpu.memref_squeeze %dma_start3A_61 : memref<1x512xi32, #tpu.memory_space<vmem>> -> memref<512xi32, #tpu.memory_space<vmem>>
    %dma_start3A_63 = arith.constant 256 : i32
    %dma_start3A_64 = tpu.memref_slice %dma_start3A_62[%dma_start3A_63] : memref<512xi32, #tpu.memory_space<vmem>> -> memref<256xi32, #tpu.memory_space<vmem>>
    %dma_start3A_65 = arith.constant 0 : i32
    %dma_start3A_66 = arith.constant 0 : i32
    %dma_start3A_67 = tpu.memref_slice %arg9[%dma_start3A_65, %dma_start3A_66] : memref<10112x64xf32, #tpu.memory_space<vmem_shared>> -> memref<10112x64xf32, #tpu.memory_space<vmem_shared>>
    tpu.enqueue_indirect_dma source(%dma_start3A_59 : memref<256x64xf32, #tpu.memory_space<vmem>>) target(%dma_start3A_67 : memref<10112x64xf32, #tpu.memory_space<vmem_shared>>) offsets(%dma_start3A_64 : memref<256xi32, #tpu.memory_space<vmem>>) semaphore(%arg13 : memref<!tpu.dma_semaphore, #tpu.memory_space<semaphore_mem>>) {add = true}
    %dma_wait3A_68 = arith.constant 1 : i32
    %dma_wait3A_69 = arith.constant 1 : i32
    %dma_wait3A_70 = arith.constant 0 : i32
    %dma_wait3A_71 = arith.constant 0 : i32
    %dma_wait3A_72 = tpu.memref_slice %arg7[%dma_wait3A_69, %dma_wait3A_70, %dma_wait3A_71] : memref<2x256x64xf32, #tpu.memory_space<vmem>> -> memref<1x256x64xf32, #tpu.memory_space<vmem>>
    %dma_wait3A_73 = tpu.memref_squeeze %dma_wait3A_72 : memref<1x256x64xf32, #tpu.memory_space<vmem>> -> memref<256x64xf32, #tpu.memory_space<vmem>>
    %dma_wait3A_74 = arith.constant 0 : i32
    %dma_wait3A_75 = tpu.memref_slice %arg6[%dma_wait3A_68, %dma_wait3A_74] : memref<2x512xi32, #tpu.memory_space<vmem>> -> memref<1x512xi32, #tpu.memory_space<vmem>>
    %dma_wait3A_76 = tpu.memref_squeeze %dma_wait3A_75 : memref<1x512xi32, #tpu.memory_space<vmem>> -> memref<512xi32, #tpu.memory_space<vmem>>
    %dma_wait3A_77 = arith.constant 0 : i32
    %dma_wait3A_78 = tpu.memref_slice %dma_wait3A_76[%dma_wait3A_77] : memref<512xi32, #tpu.memory_space<vmem>> -> memref<256xi32, #tpu.memory_space<vmem>>
    %dma_wait3A_79 = arith.constant 0 : i32
    %dma_wait3A_80 = arith.constant 0 : i32
    %dma_wait3A_81 = tpu.memref_slice %arg8[%dma_wait3A_79, %dma_wait3A_80] : memref<10112x64xf32, #tpu.memory_space<vmem_shared>> -> memref<10112x64xf32, #tpu.memory_space<vmem_shared>>
    tpu.wait_indirect_dma semaphore(%arg12 : memref<!tpu.dma_semaphore, #tpu.memory_space<semaphore_mem>>) src(%dma_wait3A_81 : memref<10112x64xf32, #tpu.memory_space<vmem_shared>>) dst(%dma_wait3A_73 : memref<256x64xf32, #tpu.memory_space<vmem>>)
    %dma_start3A_82 = arith.constant 1 : i32
    %dma_start3A_83 = arith.constant 1 : i32
    %dma_start3A_84 = arith.constant 0 : i32
    %dma_start3A_85 = arith.constant 0 : i32
    %dma_start3A_86 = tpu.memref_slice %arg7[%dma_start3A_82, %dma_start3A_84, %dma_start3A_85] : memref<2x256x64xf32, #tpu.memory_space<vmem>> -> memref<1x256x64xf32, #tpu.memory_space<vmem>>
    %dma_start3A_87 = tpu.memref_squeeze %dma_start3A_86 : memref<1x256x64xf32, #tpu.memory_space<vmem>> -> memref<256x64xf32, #tpu.memory_space<vmem>>
    %dma_start3A_88 = arith.constant 0 : i32
    %dma_start3A_89 = tpu.memref_slice %arg6[%dma_start3A_83, %dma_start3A_88] : memref<2x512xi32, #tpu.memory_space<vmem>> -> memref<1x512xi32, #tpu.memory_space<vmem>>
    %dma_start3A_90 = tpu.memref_squeeze %dma_start3A_89 : memref<1x512xi32, #tpu.memory_space<vmem>> -> memref<512xi32, #tpu.memory_space<vmem>>
    %dma_start3A_91 = arith.constant 256 : i32
    %dma_start3A_92 = tpu.memref_slice %dma_start3A_90[%dma_start3A_91] : memref<512xi32, #tpu.memory_space<vmem>> -> memref<256xi32, #tpu.memory_space<vmem>>
    %dma_start3A_93 = arith.constant 0 : i32
    %dma_start3A_94 = arith.constant 0 : i32
    %dma_start3A_95 = tpu.memref_slice %arg9[%dma_start3A_93, %dma_start3A_94] : memref<10112x64xf32, #tpu.memory_space<vmem_shared>> -> memref<10112x64xf32, #tpu.memory_space<vmem_shared>>
    tpu.enqueue_indirect_dma source(%dma_start3A_87 : memref<256x64xf32, #tpu.memory_space<vmem>>) target(%dma_start3A_95 : memref<10112x64xf32, #tpu.memory_space<vmem_shared>>) offsets(%dma_start3A_92 : memref<256xi32, #tpu.memory_space<vmem>>) semaphore(%arg14 : memref<!tpu.dma_semaphore, #tpu.memory_space<semaphore_mem>>) {add = true}
    %scan3A = arith.constant 0 : i32
    %scan3A_96 = arith.constant 1 : i32
    %scan3A_97 = arith.constant 19 : i32
    %scan3A_98 = arith.addi %scan3A_96, %scan3A_97 : i32
    %scan3A_99 = arith.constant 1 : i32
    scf.for %scan3A_130 = %scan3A_96 to %scan3A_98 step %scan3A_99  : i32 {
      %mul3A_131 = arith.constant 2 : i32
      %mul3A_132 = arith.muli %mul3A_131, %scan3A_130 : i32
      %dma_wait3A_133 = arith.constant 0 : i32
      %dma_wait3A_134 = arith.constant 0 : i32
      %dma_wait3A_135 = arith.constant 0 : i32
      %dma_wait3A_136 = arith.constant 0 : i32
      %dma_wait3A_137 = tpu.memref_slice %arg7[%dma_wait3A_133, %dma_wait3A_135, %dma_wait3A_136] : memref<2x256x64xf32, #tpu.memory_space<vmem>> -> memref<1x256x64xf32, #tpu.memory_space<vmem>>
      %dma_wait3A_138 = tpu.memref_squeeze %dma_wait3A_137 : memref<1x256x64xf32, #tpu.memory_space<vmem>> -> memref<256x64xf32, #tpu.memory_space<vmem>>
      %dma_wait3A_139 = arith.constant 0 : i32
      %dma_wait3A_140 = tpu.memref_slice %arg6[%dma_wait3A_134, %dma_wait3A_139] : memref<2x512xi32, #tpu.memory_space<vmem>> -> memref<1x512xi32, #tpu.memory_space<vmem>>
      %dma_wait3A_141 = tpu.memref_squeeze %dma_wait3A_140 : memref<1x512xi32, #tpu.memory_space<vmem>> -> memref<512xi32, #tpu.memory_space<vmem>>
      %dma_wait3A_142 = arith.constant 256 : i32
      %dma_wait3A_143 = tpu.memref_slice %dma_wait3A_141[%dma_wait3A_142] : memref<512xi32, #tpu.memory_space<vmem>> -> memref<256xi32, #tpu.memory_space<vmem>>
      %dma_wait3A_144 = arith.constant 0 : i32
      %dma_wait3A_145 = arith.constant 0 : i32
      %dma_wait3A_146 = tpu.memref_slice %arg9[%dma_wait3A_144, %dma_wait3A_145] : memref<10112x64xf32, #tpu.memory_space<vmem_shared>> -> memref<10112x64xf32, #tpu.memory_space<vmem_shared>>
      tpu.wait_indirect_dma semaphore(%arg13 : memref<!tpu.dma_semaphore, #tpu.memory_space<semaphore_mem>>) src(%dma_wait3A_138 : memref<256x64xf32, #tpu.memory_space<vmem>>) dst(%dma_wait3A_146 : memref<10112x64xf32, #tpu.memory_space<vmem_shared>>)
      %add3A_147 = arith.constant 0 : i32
      %add3A_148 = arith.addi %mul3A_132, %add3A_147 : i32
      %mul3A_149 = arith.constant 2 : i32
      %mul3A_150 = arith.muli %add3A_148, %mul3A_149 : i32
      %mul3A_151 = arith.constant 256 : i32
      %mul3A_152 = arith.muli %mul3A_150, %mul3A_151 : i32
      %add3A_153 = arith.addi %mul3A_6, %mul3A_152 : i32
      %run_scoped3A_154 = arith.constant 0 : i32
      "tpu.region"() ({
        %run_scoped3A_265 = tpu.sem_alloc : memref<!tpu.dma_semaphore, #tpu.memory_space<semaphore_mem>>
        %dma_start3A_266 = arith.constant 0 : i32
        %dma_start3A_267 = tpu.memref_slice %arg6[%run_scoped3A_154, %dma_start3A_266] : memref<2x512xi32, #tpu.memory_space<vmem>> -> memref<1x512xi32, #tpu.memory_space<vmem>>
        %dma_start3A_268 = tpu.memref_squeeze %dma_start3A_267 : memref<1x512xi32, #tpu.memory_space<vmem>> -> memref<512xi32, #tpu.memory_space<vmem>>
        %dma_start3A_269 = tpu.memref_slice %arg3[%add3A_153] : memref<655360xi32, #tpu.memory_space<hbm>> -> memref<512xi32, #tpu.memory_space<hbm>>
        %dma_start3A_270 = arith.constant 0 : i32
        %dma_start3A_271 = tpu.memref_slice %arg6[%run_scoped3A_154, %dma_start3A_270] : memref<2x512xi32, #tpu.memory_space<vmem>> -> memref<1x512xi32, #tpu.memory_space<vmem>>
        %dma_start3A_272 = tpu.memref_squeeze %dma_start3A_271 : memref<1x512xi32, #tpu.memory_space<vmem>> -> memref<512xi32, #tpu.memory_space<vmem>>
        %dma_start3A_273 = tpu.memref_slice %arg3[%add3A_153] : memref<655360xi32, #tpu.memory_space<hbm>> -> memref<512xi32, #tpu.memory_space<hbm>>
        tpu.enqueue_dma source(%dma_start3A_273 : memref<512xi32, #tpu.memory_space<hbm>>) target(%dma_start3A_272 : memref<512xi32, #tpu.memory_space<vmem>>) target_semaphore(%run_scoped3A_265 : memref<!tpu.dma_semaphore, #tpu.memory_space<semaphore_mem>>)
        %dma_wait3A_274 = arith.constant 0 : i32
        %dma_wait3A_275 = tpu.memref_slice %arg6[%run_scoped3A_154, %dma_wait3A_274] : memref<2x512xi32, #tpu.memory_space<vmem>> -> memref<1x512xi32, #tpu.memory_space<vmem>>
        %dma_wait3A_276 = tpu.memref_squeeze %dma_wait3A_275 : memref<1x512xi32, #tpu.memory_space<vmem>> -> memref<512xi32, #tpu.memory_space<vmem>>
        %dma_wait3A_277 = tpu.memref_slice %arg3[%add3A_153] : memref<655360xi32, #tpu.memory_space<hbm>> -> memref<512xi32, #tpu.memory_space<hbm>>
        %dma_wait3A_278 = arith.constant 0 : i32
        %dma_wait3A_279 = tpu.memref_slice %arg6[%run_scoped3A_154, %dma_wait3A_278] : memref<2x512xi32, #tpu.memory_space<vmem>> -> memref<1x512xi32, #tpu.memory_space<vmem>>
        %dma_wait3A_280 = tpu.memref_squeeze %dma_wait3A_279 : memref<1x512xi32, #tpu.memory_space<vmem>> -> memref<512xi32, #tpu.memory_space<vmem>>
        %dma_wait3A_281 = tpu.memref_slice %arg3[%add3A_153] : memref<655360xi32, #tpu.memory_space<hbm>> -> memref<512xi32, #tpu.memory_space<hbm>>
        tpu.wait_dma2 semaphore(%run_scoped3A_265 : memref<!tpu.dma_semaphore, #tpu.memory_space<semaphore_mem>>) src(%dma_wait3A_281 : memref<512xi32, #tpu.memory_space<hbm>>) dst(%dma_wait3A_280 : memref<512xi32, #tpu.memory_space<vmem>>)
        tpu.yield
      }) : () -> ()
      %add3A_155 = arith.constant 0 : i32
      %add3A_156 = arith.addi %mul3A_132, %add3A_155 : i32
      %dma_start3A_157 = arith.constant 0 : i32
      %dma_start3A_158 = arith.constant 0 : i32
      %dma_start3A_159 = arith.constant 0 : i32
      %dma_start3A_160 = arith.constant 0 : i32
      %dma_start3A_161 = tpu.memref_slice %arg7[%dma_start3A_158, %dma_start3A_159, %dma_start3A_160] : memref<2x256x64xf32, #tpu.memory_space<vmem>> -> memref<1x256x64xf32, #tpu.memory_space<vmem>>
      %dma_start3A_162 = tpu.memref_squeeze %dma_start3A_161 : memref<1x256x64xf32, #tpu.memory_space<vmem>> -> memref<256x64xf32, #tpu.memory_space<vmem>>
      %dma_start3A_163 = arith.constant 0 : i32
      %dma_start3A_164 = tpu.memref_slice %arg6[%dma_start3A_157, %dma_start3A_163] : memref<2x512xi32, #tpu.memory_space<vmem>> -> memref<1x512xi32, #tpu.memory_space<vmem>>
      %dma_start3A_165 = tpu.memref_squeeze %dma_start3A_164 : memref<1x512xi32, #tpu.memory_space<vmem>> -> memref<512xi32, #tpu.memory_space<vmem>>
      %dma_start3A_166 = arith.constant 0 : i32
      %dma_start3A_167 = tpu.memref_slice %dma_start3A_165[%dma_start3A_166] : memref<512xi32, #tpu.memory_space<vmem>> -> memref<256xi32, #tpu.memory_space<vmem>>
      %dma_start3A_168 = arith.constant 0 : i32
      %dma_start3A_169 = arith.constant 0 : i32
      %dma_start3A_170 = tpu.memref_slice %arg8[%dma_start3A_168, %dma_start3A_169] : memref<10112x64xf32, #tpu.memory_space<vmem_shared>> -> memref<10112x64xf32, #tpu.memory_space<vmem_shared>>
      tpu.enqueue_indirect_dma source(%dma_start3A_170 : memref<10112x64xf32, #tpu.memory_space<vmem_shared>>) target(%dma_start3A_162 : memref<256x64xf32, #tpu.memory_space<vmem>>) offsets(%dma_start3A_167 : memref<256xi32, #tpu.memory_space<vmem>>) semaphore(%arg11 : memref<!tpu.dma_semaphore, #tpu.memory_space<semaphore_mem>>)
      %dma_wait3A_171 = arith.constant 1 : i32
      %dma_wait3A_172 = arith.constant 1 : i32
      %dma_wait3A_173 = arith.constant 0 : i32
      %dma_wait3A_174 = arith.constant 0 : i32
      %dma_wait3A_175 = tpu.memref_slice %arg7[%dma_wait3A_171, %dma_wait3A_173, %dma_wait3A_174] : memref<2x256x64xf32, #tpu.memory_space<vmem>> -> memref<1x256x64xf32, #tpu.memory_space<vmem>>
      %dma_wait3A_176 = tpu.memref_squeeze %dma_wait3A_175 : memref<1x256x64xf32, #tpu.memory_space<vmem>> -> memref<256x64xf32, #tpu.memory_space<vmem>>
      %dma_wait3A_177 = arith.constant 0 : i32
      %dma_wait3A_178 = tpu.memref_slice %arg6[%dma_wait3A_172, %dma_wait3A_177] : memref<2x512xi32, #tpu.memory_space<vmem>> -> memref<1x512xi32, #tpu.memory_space<vmem>>
      %dma_wait3A_179 = tpu.memref_squeeze %dma_wait3A_178 : memref<1x512xi32, #tpu.memory_space<vmem>> -> memref<512xi32, #tpu.memory_space<vmem>>
      %dma_wait3A_180 = arith.constant 256 : i32
      %dma_wait3A_181 = tpu.memref_slice %dma_wait3A_179[%dma_wait3A_180] : memref<512xi32, #tpu.memory_space<vmem>> -> memref<256xi32, #tpu.memory_space<vmem>>
      %dma_wait3A_182 = arith.constant 0 : i32
      %dma_wait3A_183 = arith.constant 0 : i32
      %dma_wait3A_184 = tpu.memref_slice %arg9[%dma_wait3A_182, %dma_wait3A_183] : memref<10112x64xf32, #tpu.memory_space<vmem_shared>> -> memref<10112x64xf32, #tpu.memory_space<vmem_shared>>
      tpu.wait_indirect_dma semaphore(%arg14 : memref<!tpu.dma_semaphore, #tpu.memory_space<semaphore_mem>>) src(%dma_wait3A_176 : memref<256x64xf32, #tpu.memory_space<vmem>>) dst(%dma_wait3A_184 : memref<10112x64xf32, #tpu.memory_space<vmem_shared>>)
      %add3A_185 = arith.constant 1 : i32
      %add3A_186 = arith.addi %mul3A_132, %add3A_185 : i32
      %mul3A_187 = arith.constant 2 : i32
      %mul3A_188 = arith.muli %add3A_186, %mul3A_187 : i32
      %mul3A_189 = arith.constant 256 : i32
      %mul3A_190 = arith.muli %mul3A_188, %mul3A_189 : i32
      %add3A_191 = arith.addi %mul3A_6, %mul3A_190 : i32
      %run_scoped3A_192 = arith.constant 1 : i32
      "tpu.region"() ({
        %run_scoped3A_265 = tpu.sem_alloc : memref<!tpu.dma_semaphore, #tpu.memory_space<semaphore_mem>>
        %dma_start3A_266 = arith.constant 0 : i32
        %dma_start3A_267 = tpu.memref_slice %arg6[%run_scoped3A_192, %dma_start3A_266] : memref<2x512xi32, #tpu.memory_space<vmem>> -> memref<1x512xi32, #tpu.memory_space<vmem>>
        %dma_start3A_268 = tpu.memref_squeeze %dma_start3A_267 : memref<1x512xi32, #tpu.memory_space<vmem>> -> memref<512xi32, #tpu.memory_space<vmem>>
        %dma_start3A_269 = tpu.memref_slice %arg3[%add3A_191] : memref<655360xi32, #tpu.memory_space<hbm>> -> memref<512xi32, #tpu.memory_space<hbm>>
        %dma_start3A_270 = arith.constant 0 : i32
        %dma_start3A_271 = tpu.memref_slice %arg6[%run_scoped3A_192, %dma_start3A_270] : memref<2x512xi32, #tpu.memory_space<vmem>> -> memref<1x512xi32, #tpu.memory_space<vmem>>
        %dma_start3A_272 = tpu.memref_squeeze %dma_start3A_271 : memref<1x512xi32, #tpu.memory_space<vmem>> -> memref<512xi32, #tpu.memory_space<vmem>>
        %dma_start3A_273 = tpu.memref_slice %arg3[%add3A_191] : memref<655360xi32, #tpu.memory_space<hbm>> -> memref<512xi32, #tpu.memory_space<hbm>>
        tpu.enqueue_dma source(%dma_start3A_273 : memref<512xi32, #tpu.memory_space<hbm>>) target(%dma_start3A_272 : memref<512xi32, #tpu.memory_space<vmem>>) target_semaphore(%run_scoped3A_265 : memref<!tpu.dma_semaphore, #tpu.memory_space<semaphore_mem>>)
        %dma_wait3A_274 = arith.constant 0 : i32
        %dma_wait3A_275 = tpu.memref_slice %arg6[%run_scoped3A_192, %dma_wait3A_274] : memref<2x512xi32, #tpu.memory_space<vmem>> -> memref<1x512xi32, #tpu.memory_space<vmem>>
        %dma_wait3A_276 = tpu.memref_squeeze %dma_wait3A_275 : memref<1x512xi32, #tpu.memory_space<vmem>> -> memref<512xi32, #tpu.memory_space<vmem>>
        %dma_wait3A_277 = tpu.memref_slice %arg3[%add3A_191] : memref<655360xi32, #tpu.memory_space<hbm>> -> memref<512xi32, #tpu.memory_space<hbm>>
        %dma_wait3A_278 = arith.constant 0 : i32
        %dma_wait3A_279 = tpu.memref_slice %arg6[%run_scoped3A_192, %dma_wait3A_278] : memref<2x512xi32, #tpu.memory_space<vmem>> -> memref<1x512xi32, #tpu.memory_space<vmem>>
        %dma_wait3A_280 = tpu.memref_squeeze %dma_wait3A_279 : memref<1x512xi32, #tpu.memory_space<vmem>> -> memref<512xi32, #tpu.memory_space<vmem>>
        %dma_wait3A_281 = tpu.memref_slice %arg3[%add3A_191] : memref<655360xi32, #tpu.memory_space<hbm>> -> memref<512xi32, #tpu.memory_space<hbm>>
        tpu.wait_dma2 semaphore(%run_scoped3A_265 : memref<!tpu.dma_semaphore, #tpu.memory_space<semaphore_mem>>) src(%dma_wait3A_281 : memref<512xi32, #tpu.memory_space<hbm>>) dst(%dma_wait3A_280 : memref<512xi32, #tpu.memory_space<vmem>>)
        tpu.yield
      }) : () -> ()
      %add3A_193 = arith.constant 1 : i32
      %add3A_194 = arith.addi %mul3A_132, %add3A_193 : i32
      %dma_start3A_195 = arith.constant 1 : i32
      %dma_start3A_196 = arith.constant 1 : i32
      %dma_start3A_197 = arith.constant 0 : i32
      %dma_start3A_198 = arith.constant 0 : i32
      %dma_start3A_199 = tpu.memref_slice %arg7[%dma_start3A_196, %dma_start3A_197, %dma_start3A_198] : memref<2x256x64xf32, #tpu.memory_space<vmem>> -> memref<1x256x64xf32, #tpu.memory_space<vmem>>
      %dma_start3A_200 = tpu.memref_squeeze %dma_start3A_199 : memref<1x256x64xf32, #tpu.memory_space<vmem>> -> memref<256x64xf32, #tpu.memory_space<vmem>>
      %dma_start3A_201 = arith.constant 0 : i32
      %dma_start3A_202 = tpu.memref_slice %arg6[%dma_start3A_195, %dma_start3A_201] : memref<2x512xi32, #tpu.memory_space<vmem>> -> memref<1x512xi32, #tpu.memory_space<vmem>>
      %dma_start3A_203 = tpu.memref_squeeze %dma_start3A_202 : memref<1x512xi32, #tpu.memory_space<vmem>> -> memref<512xi32, #tpu.memory_space<vmem>>
      %dma_start3A_204 = arith.constant 0 : i32
      %dma_start3A_205 = tpu.memref_slice %dma_start3A_203[%dma_start3A_204] : memref<512xi32, #tpu.memory_space<vmem>> -> memref<256xi32, #tpu.memory_space<vmem>>
      %dma_start3A_206 = arith.constant 0 : i32
      %dma_start3A_207 = arith.constant 0 : i32
      %dma_start3A_208 = tpu.memref_slice %arg8[%dma_start3A_206, %dma_start3A_207] : memref<10112x64xf32, #tpu.memory_space<vmem_shared>> -> memref<10112x64xf32, #tpu.memory_space<vmem_shared>>
      tpu.enqueue_indirect_dma source(%dma_start3A_208 : memref<10112x64xf32, #tpu.memory_space<vmem_shared>>) target(%dma_start3A_200 : memref<256x64xf32, #tpu.memory_space<vmem>>) offsets(%dma_start3A_205 : memref<256xi32, #tpu.memory_space<vmem>>) semaphore(%arg12 : memref<!tpu.dma_semaphore, #tpu.memory_space<semaphore_mem>>)
      %dma_wait3A_209 = arith.constant 0 : i32
      %dma_wait3A_210 = arith.constant 0 : i32
      %dma_wait3A_211 = arith.constant 0 : i32
      %dma_wait3A_212 = arith.constant 0 : i32
      %dma_wait3A_213 = tpu.memref_slice %arg7[%dma_wait3A_210, %dma_wait3A_211, %dma_wait3A_212] : memref<2x256x64xf32, #tpu.memory_space<vmem>> -> memref<1x256x64xf32, #tpu.memory_space<vmem>>
      %dma_wait3A_214 = tpu.memref_squeeze %dma_wait3A_213 : memref<1x256x64xf32, #tpu.memory_space<vmem>> -> memref<256x64xf32, #tpu.memory_space<vmem>>
      %dma_wait3A_215 = arith.constant 0 : i32
      %dma_wait3A_216 = tpu.memref_slice %arg6[%dma_wait3A_209, %dma_wait3A_215] : memref<2x512xi32, #tpu.memory_space<vmem>> -> memref<1x512xi32, #tpu.memory_space<vmem>>
      %dma_wait3A_217 = tpu.memref_squeeze %dma_wait3A_216 : memref<1x512xi32, #tpu.memory_space<vmem>> -> memref<512xi32, #tpu.memory_space<vmem>>
      %dma_wait3A_218 = arith.constant 0 : i32
      %dma_wait3A_219 = tpu.memref_slice %dma_wait3A_217[%dma_wait3A_218] : memref<512xi32, #tpu.memory_space<vmem>> -> memref<256xi32, #tpu.memory_space<vmem>>
      %dma_wait3A_220 = arith.constant 0 : i32
      %dma_wait3A_221 = arith.constant 0 : i32
      %dma_wait3A_222 = tpu.memref_slice %arg8[%dma_wait3A_220, %dma_wait3A_221] : memref<10112x64xf32, #tpu.memory_space<vmem_shared>> -> memref<10112x64xf32, #tpu.memory_space<vmem_shared>>
      tpu.wait_indirect_dma semaphore(%arg11 : memref<!tpu.dma_semaphore, #tpu.memory_space<semaphore_mem>>) src(%dma_wait3A_222 : memref<10112x64xf32, #tpu.memory_space<vmem_shared>>) dst(%dma_wait3A_214 : memref<256x64xf32, #tpu.memory_space<vmem>>)
      %dma_start3A_223 = arith.constant 0 : i32
      %dma_start3A_224 = arith.constant 0 : i32
      %dma_start3A_225 = arith.constant 0 : i32
      %dma_start3A_226 = arith.constant 0 : i32
      %dma_start3A_227 = tpu.memref_slice %arg7[%dma_start3A_223, %dma_start3A_225, %dma_start3A_226] : memref<2x256x64xf32, #tpu.memory_space<vmem>> -> memref<1x256x64xf32, #tpu.memory_space<vmem>>
      %dma_start3A_228 = tpu.memref_squeeze %dma_start3A_227 : memref<1x256x64xf32, #tpu.memory_space<vmem>> -> memref<256x64xf32, #tpu.memory_space<vmem>>
      %dma_start3A_229 = arith.constant 0 : i32
      %dma_start3A_230 = tpu.memref_slice %arg6[%dma_start3A_224, %dma_start3A_229] : memref<2x512xi32, #tpu.memory_space<vmem>> -> memref<1x512xi32, #tpu.memory_space<vmem>>
      %dma_start3A_231 = tpu.memref_squeeze %dma_start3A_230 : memref<1x512xi32, #tpu.memory_space<vmem>> -> memref<512xi32, #tpu.memory_space<vmem>>
      %dma_start3A_232 = arith.constant 256 : i32
      %dma_start3A_233 = tpu.memref_slice %dma_start3A_231[%dma_start3A_232] : memref<512xi32, #tpu.memory_space<vmem>> -> memref<256xi32, #tpu.memory_space<vmem>>
      %dma_start3A_234 = arith.constant 0 : i32
      %dma_start3A_235 = arith.constant 0 : i32
      %dma_start3A_236 = tpu.memref_slice %arg9[%dma_start3A_234, %dma_start3A_235] : memref<10112x64xf32, #tpu.memory_space<vmem_shared>> -> memref<10112x64xf32, #tpu.memory_space<vmem_shared>>
      tpu.enqueue_indirect_dma source(%dma_start3A_228 : memref<256x64xf32, #tpu.memory_space<vmem>>) target(%dma_start3A_236 : memref<10112x64xf32, #tpu.memory_space<vmem_shared>>) offsets(%dma_start3A_233 : memref<256xi32, #tpu.memory_space<vmem>>) semaphore(%arg13 : memref<!tpu.dma_semaphore, #tpu.memory_space<semaphore_mem>>) {add = true}
      %dma_wait3A_237 = arith.constant 1 : i32
      %dma_wait3A_238 = arith.constant 1 : i32
      %dma_wait3A_239 = arith.constant 0 : i32
      %dma_wait3A_240 = arith.constant 0 : i32
      %dma_wait3A_241 = tpu.memref_slice %arg7[%dma_wait3A_238, %dma_wait3A_239, %dma_wait3A_240] : memref<2x256x64xf32, #tpu.memory_space<vmem>> -> memref<1x256x64xf32, #tpu.memory_space<vmem>>
      %dma_wait3A_242 = tpu.memref_squeeze %dma_wait3A_241 : memref<1x256x64xf32, #tpu.memory_space<vmem>> -> memref<256x64xf32, #tpu.memory_space<vmem>>
      %dma_wait3A_243 = arith.constant 0 : i32
      %dma_wait3A_244 = tpu.memref_slice %arg6[%dma_wait3A_237, %dma_wait3A_243] : memref<2x512xi32, #tpu.memory_space<vmem>> -> memref<1x512xi32, #tpu.memory_space<vmem>>
      %dma_wait3A_245 = tpu.memref_squeeze %dma_wait3A_244 : memref<1x512xi32, #tpu.memory_space<vmem>> -> memref<512xi32, #tpu.memory_space<vmem>>
      %dma_wait3A_246 = arith.constant 0 : i32
      %dma_wait3A_247 = tpu.memref_slice %dma_wait3A_245[%dma_wait3A_246] : memref<512xi32, #tpu.memory_space<vmem>> -> memref<256xi32, #tpu.memory_space<vmem>>
      %dma_wait3A_248 = arith.constant 0 : i32
      %dma_wait3A_249 = arith.constant 0 : i32
      %dma_wait3A_250 = tpu.memref_slice %arg8[%dma_wait3A_248, %dma_wait3A_249] : memref<10112x64xf32, #tpu.memory_space<vmem_shared>> -> memref<10112x64xf32, #tpu.memory_space<vmem_shared>>
      tpu.wait_indirect_dma semaphore(%arg12 : memref<!tpu.dma_semaphore, #tpu.memory_space<semaphore_mem>>) src(%dma_wait3A_250 : memref<10112x64xf32, #tpu.memory_space<vmem_shared>>) dst(%dma_wait3A_242 : memref<256x64xf32, #tpu.memory_space<vmem>>)
      %dma_start3A_251 = arith.constant 1 : i32
      %dma_start3A_252 = arith.constant 1 : i32
      %dma_start3A_253 = arith.constant 0 : i32
      %dma_start3A_254 = arith.constant 0 : i32
      %dma_start3A_255 = tpu.memref_slice %arg7[%dma_start3A_251, %dma_start3A_253, %dma_start3A_254] : memref<2x256x64xf32, #tpu.memory_space<vmem>> -> memref<1x256x64xf32, #tpu.memory_space<vmem>>
      %dma_start3A_256 = tpu.memref_squeeze %dma_start3A_255 : memref<1x256x64xf32, #tpu.memory_space<vmem>> -> memref<256x64xf32, #tpu.memory_space<vmem>>
      %dma_start3A_257 = arith.constant 0 : i32
      %dma_start3A_258 = tpu.memref_slice %arg6[%dma_start3A_252, %dma_start3A_257] : memref<2x512xi32, #tpu.memory_space<vmem>> -> memref<1x512xi32, #tpu.memory_space<vmem>>
      %dma_start3A_259 = tpu.memref_squeeze %dma_start3A_258 : memref<1x512xi32, #tpu.memory_space<vmem>> -> memref<512xi32, #tpu.memory_space<vmem>>
      %dma_start3A_260 = arith.constant 256 : i32
      %dma_start3A_261 = tpu.memref_slice %dma_start3A_259[%dma_start3A_260] : memref<512xi32, #tpu.memory_space<vmem>> -> memref<256xi32, #tpu.memory_space<vmem>>
      %dma_start3A_262 = arith.constant 0 : i32
      %dma_start3A_263 = arith.constant 0 : i32
      %dma_start3A_264 = tpu.memref_slice %arg9[%dma_start3A_262, %dma_start3A_263] : memref<10112x64xf32, #tpu.memory_space<vmem_shared>> -> memref<10112x64xf32, #tpu.memory_space<vmem_shared>>
      tpu.enqueue_indirect_dma source(%dma_start3A_256 : memref<256x64xf32, #tpu.memory_space<vmem>>) target(%dma_start3A_264 : memref<10112x64xf32, #tpu.memory_space<vmem_shared>>) offsets(%dma_start3A_261 : memref<256xi32, #tpu.memory_space<vmem>>) semaphore(%arg14 : memref<!tpu.dma_semaphore, #tpu.memory_space<semaphore_mem>>) {add = true}
    }
    %scan3A_100 = arith.constant 19 : i32
    %dma_wait3A_101 = arith.constant 0 : i32
    %dma_wait3A_102 = arith.constant 0 : i32
    %dma_wait3A_103 = arith.constant 0 : i32
    %dma_wait3A_104 = arith.constant 0 : i32
    %dma_wait3A_105 = tpu.memref_slice %arg7[%dma_wait3A_101, %dma_wait3A_103, %dma_wait3A_104] : memref<2x256x64xf32, #tpu.memory_space<vmem>> -> memref<1x256x64xf32, #tpu.memory_space<vmem>>
    %dma_wait3A_106 = tpu.memref_squeeze %dma_wait3A_105 : memref<1x256x64xf32, #tpu.memory_space<vmem>> -> memref<256x64xf32, #tpu.memory_space<vmem>>
    %dma_wait3A_107 = arith.constant 0 : i32
    %dma_wait3A_108 = tpu.memref_slice %arg6[%dma_wait3A_102, %dma_wait3A_107] : memref<2x512xi32, #tpu.memory_space<vmem>> -> memref<1x512xi32, #tpu.memory_space<vmem>>
    %dma_wait3A_109 = tpu.memref_squeeze %dma_wait3A_108 : memref<1x512xi32, #tpu.memory_space<vmem>> -> memref<512xi32, #tpu.memory_space<vmem>>
    %dma_wait3A_110 = arith.constant 256 : i32
    %dma_wait3A_111 = tpu.memref_slice %dma_wait3A_109[%dma_wait3A_110] : memref<512xi32, #tpu.memory_space<vmem>> -> memref<256xi32, #tpu.memory_space<vmem>>
    %dma_wait3A_112 = arith.constant 0 : i32
    %dma_wait3A_113 = arith.constant 0 : i32
    %dma_wait3A_114 = tpu.memref_slice %arg9[%dma_wait3A_112, %dma_wait3A_113] : memref<10112x64xf32, #tpu.memory_space<vmem_shared>> -> memref<10112x64xf32, #tpu.memory_space<vmem_shared>>
    tpu.wait_indirect_dma semaphore(%arg13 : memref<!tpu.dma_semaphore, #tpu.memory_space<semaphore_mem>>) src(%dma_wait3A_106 : memref<256x64xf32, #tpu.memory_space<vmem>>) dst(%dma_wait3A_114 : memref<10112x64xf32, #tpu.memory_space<vmem_shared>>)
    %dma_wait3A_115 = arith.constant 1 : i32
    %dma_wait3A_116 = arith.constant 1 : i32
    %dma_wait3A_117 = arith.constant 0 : i32
    %dma_wait3A_118 = arith.constant 0 : i32
    %dma_wait3A_119 = tpu.memref_slice %arg7[%dma_wait3A_115, %dma_wait3A_117, %dma_wait3A_118] : memref<2x256x64xf32, #tpu.memory_space<vmem>> -> memref<1x256x64xf32, #tpu.memory_space<vmem>>
    %dma_wait3A_120 = tpu.memref_squeeze %dma_wait3A_119 : memref<1x256x64xf32, #tpu.memory_space<vmem>> -> memref<256x64xf32, #tpu.memory_space<vmem>>
    %dma_wait3A_121 = arith.constant 0 : i32
    %dma_wait3A_122 = tpu.memref_slice %arg6[%dma_wait3A_116, %dma_wait3A_121] : memref<2x512xi32, #tpu.memory_space<vmem>> -> memref<1x512xi32, #tpu.memory_space<vmem>>
    %dma_wait3A_123 = tpu.memref_squeeze %dma_wait3A_122 : memref<1x512xi32, #tpu.memory_space<vmem>> -> memref<512xi32, #tpu.memory_space<vmem>>
    %dma_wait3A_124 = arith.constant 256 : i32
    %dma_wait3A_125 = tpu.memref_slice %dma_wait3A_123[%dma_wait3A_124] : memref<512xi32, #tpu.memory_space<vmem>> -> memref<256xi32, #tpu.memory_space<vmem>>
    %dma_wait3A_126 = arith.constant 0 : i32
    %dma_wait3A_127 = arith.constant 0 : i32
    %dma_wait3A_128 = tpu.memref_slice %arg9[%dma_wait3A_126, %dma_wait3A_127] : memref<10112x64xf32, #tpu.memory_space<vmem_shared>> -> memref<10112x64xf32, #tpu.memory_space<vmem_shared>>
    tpu.wait_indirect_dma semaphore(%arg14 : memref<!tpu.dma_semaphore, #tpu.memory_space<semaphore_mem>>) src(%dma_wait3A_120 : memref<256x64xf32, #tpu.memory_space<vmem>>) dst(%dma_wait3A_128 : memref<10112x64xf32, #tpu.memory_space<vmem_shared>>)
    %barrier3A_129 = arith.constant 0 : index
    tpu.barrier barrier_id(%barrier3A_129)
    "tpu.region"() ({
      %run_scoped3A_130 = tpu.sem_alloc : memref<!tpu.dma_semaphore, #tpu.memory_space<semaphore_mem>>
      %dma_start3A_131 = arith.constant 0 : i32
      %dma_start3A_132 = tpu.memref_slice %arg5[%arg0, %mul3A_8, %dma_start3A_131] : memref<2x10112x64xf32, #tpu.memory_space<hbm>> -> memref<1x632x64xf32, #tpu.memory_space<hbm>>
      %dma_start3A_133 = tpu.memref_squeeze %dma_start3A_132 : memref<1x632x64xf32, #tpu.memory_space<hbm>> -> memref<632x64xf32, #tpu.memory_space<hbm>>
      %dma_start3A_134 = arith.constant 0 : i32
      %dma_start3A_135 = tpu.memref_slice %arg9[%mul3A_8, %dma_start3A_134] : memref<10112x64xf32, #tpu.memory_space<vmem_shared>> -> memref<632x64xf32, #tpu.memory_space<vmem_shared>>
      tpu.enqueue_dma source(%dma_start3A_135 : memref<632x64xf32, #tpu.memory_space<vmem_shared>>) target(%dma_start3A_133 : memref<632x64xf32, #tpu.memory_space<hbm>>) target_semaphore(%run_scoped3A_130 : memref<!tpu.dma_semaphore, #tpu.memory_space<semaphore_mem>>)
      %dma_wait3A_136 = arith.constant 0 : i32
      %dma_wait3A_137 = tpu.memref_slice %arg5[%arg0, %mul3A_8, %dma_wait3A_136] : memref<2x10112x64xf32, #tpu.memory_space<hbm>> -> memref<1x632x64xf32, #tpu.memory_space<hbm>>
      %dma_wait3A_138 = tpu.memref_squeeze %dma_wait3A_137 : memref<1x632x64xf32, #tpu.memory_space<hbm>> -> memref<632x64xf32, #tpu.memory_space<hbm>>
      %dma_wait3A_139 = arith.constant 0 : i32
      %dma_wait3A_140 = tpu.memref_slice %arg9[%mul3A_8, %dma_wait3A_139] : memref<10112x64xf32, #tpu.memory_space<vmem_shared>> -> memref<632x64xf32, #tpu.memory_space<vmem_shared>>
      tpu.wait_dma2 semaphore(%run_scoped3A_130 : memref<!tpu.dma_semaphore, #tpu.memory_space<semaphore_mem>>) src(%dma_wait3A_140 : memref<632x64xf32, #tpu.memory_space<vmem_shared>>) dst(%dma_wait3A_138 : memref<632x64xf32, #tpu.memory_space<hbm>>)
      tpu.yield
    }) : () -> ()
    return
  }
}

module attributes {stable_mosaic.version = 14 : i64} {
  func.func @_tc_matmul1(%arg0: memref<10112x128xf32, #tpu.memory_space<vmem>>, %arg1: memref<128x64xf32, #tpu.memory_space<vmem>>, %arg2: memref<10112x64xf32, #tpu.memory_space<vmem>>) attributes {dimension_semantics = [], scalar_prefetch = 0 : i64, scratch_operands = 0 : i64, tpu.core_type = #tpu.core_type<tc>} {
    %get3A = arith.constant 0 : index
    %get3A_0 = arith.constant 0 : index
    %get3A_1 = vector.load %arg0[%get3A, %get3A_0] : memref<10112x128xf32, #tpu.memory_space<vmem>>, vector<10112x128xf32>
    %get3A_2 = arith.constant 0 : index
    %get3A_3 = arith.constant 0 : index
    %get3A_4 = vector.load %arg1[%get3A_2, %get3A_3] : memref<128x64xf32, #tpu.memory_space<vmem>>, vector<128x64xf32>
    %dot_general3A = arith.constant dense<0.000000e+00> : vector<10112x64xf32>
    %dot_general3A_5 = tpu.matmul %get3A_1, %get3A_4, %dot_general3A {dimension_numbers = #tpu.dot_dimension_numbers<[1], [0], [0], [1], [0, 0, 1, 1], [], []>, transpose_lhs_hint = false} : vector<10112x128xf32>, vector<128x64xf32>, vector<10112x64xf32> -> vector<10112x64xf32>
    %swap3A = arith.constant 0 : index
    %swap3A_6 = arith.constant 0 : index
    %swap3A_7 = vector.load %arg2[%swap3A, %swap3A_6] : memref<10112x64xf32, #tpu.memory_space<vmem>>, vector<10112x64xf32>
    tpu.vector_store %arg2[%swap3A, %swap3A_6], %dot_general3A_5 {strides = array<i32>} : memref<10112x64xf32, #tpu.memory_space<vmem>>, vector<10112x64xf32>,
    return
  }
}

module attributes {stable_mosaic.version = 14 : i64} {
  func.func @_tc_scale1(%arg0: memref<10112x64xf32, #tpu.memory_space<vmem>>, %arg1: memref<2x10112x8xf32, #tpu.memory_space<vmem>>, %arg2: memref<10112x64xf32, #tpu.memory_space<vmem>>) attributes {dimension_semantics = [], scalar_prefetch = 0 : i64, scratch_operands = 0 : i64, tpu.core_type = #tpu.core_type<tc>} {
    %get3A = arith.constant 0 : index
    %get3A_0 = arith.constant 0 : index
    %get3A_1 = arith.constant 0 : index
    %get3A_2 = vector.load %arg1[%get3A, %get3A_0, %get3A_1] : memref<2x10112x8xf32, #tpu.memory_space<vmem>>, vector<1x10112x1xf32>
    %get3A_3 = vector.shape_cast %get3A_2 : vector<1x10112x1xf32> to vector<10112xf32>
    %get3A_4 = arith.constant 1 : index
    %get3A_5 = arith.constant 0 : index
    %get3A_6 = arith.constant 0 : index
    %get3A_7 = vector.load %arg1[%get3A_4, %get3A_5, %get3A_6] : memref<2x10112x8xf32, #tpu.memory_space<vmem>>, vector<1x10112x1xf32>
    %get3A_8 = vector.shape_cast %get3A_7 : vector<1x10112x1xf32> to vector<10112xf32>
    %add3A = arith.addf %get3A_3, %get3A_8 : vector<10112xf32>
    %gt3A = arith.constant 0.000000e+00 : f32
    %gt3A_9 = vector.broadcast %gt3A : f32 to vector<10112xf32>
    %gt3A_10 = arith.cmpf ogt, %add3A, %gt3A_9 : vector<10112xf32>
    %max3A = arith.constant 1.000000e-30 : f32
    %max3A_11 = vector.broadcast %max3A : f32 to vector<10112xf32>
    %max3A_12 = arith.maximumf %add3A, %max3A_11 : vector<10112xf32>
    %rsqrt3A = math.rsqrt %max3A_12 : vector<10112xf32>
    %jit3A = arith.constant 0.000000e+00 : f32
    %broadcast_in_dim3A = vector.broadcast %jit3A : f32 to vector<10112xf32>
    %select_n3A = arith.select %gt3A_10, %rsqrt3A, %broadcast_in_dim3A : vector<10112xi1>, vector<10112xf32>
    %get3A_13 = arith.constant 0 : index
    %get3A_14 = arith.constant 0 : index
    %get3A_15 = vector.load %arg0[%get3A_13, %get3A_14] : memref<10112x64xf32, #tpu.memory_space<vmem>>, vector<10112x64xf32>
    %broadcast_in_dim3A_16 = vector.shape_cast %select_n3A : vector<10112xf32> to vector<10112x1xf32>
    %mul3A = vector.broadcast %broadcast_in_dim3A_16 : vector<10112x1xf32> to vector<10112x64xf32>
    %mul3A_17 = arith.mulf %get3A_15, %mul3A : vector<10112x64xf32>
    %swap3A = arith.constant 0 : index
    %swap3A_18 = arith.constant 0 : index
    %swap3A_19 = vector.load %arg2[%swap3A, %swap3A_18] : memref<10112x64xf32, #tpu.memory_space<vmem>>, vector<10112x64xf32>
    tpu.vector_store %arg2[%swap3A, %swap3A_18], %mul3A_17 {strides = array<i32>} : memref<10112x64xf32, #tpu.memory_space<vmem>>, vector<10112x64xf32>,
    return
  }
}

module attributes {stable_mosaic.version = 14 : i64} {
  func.func @_tc_layer(%arg0: memref<2x10112x64xf32, #tpu.memory_space<vmem>>, %arg1: memref<2x10112x8xf32, #tpu.memory_space<vmem>>, %arg2: memref<64xf32, #tpu.memory_space<vmem>>, %arg3: memref<64x64xf32, #tpu.memory_space<vmem>>, %arg4: memref<10112x64xf32, #tpu.memory_space<vmem>>, %arg5: memref<10112x64xf32, #tpu.memory_space<vmem>>) attributes {dimension_semantics = [], scalar_prefetch = 0 : i64, scratch_operands = 0 : i64, tpu.core_type = #tpu.core_type<tc>} {
    %get3A = arith.constant 0 : index
    %get3A_0 = arith.constant 0 : index
    %get3A_1 = arith.constant 0 : index
    %get3A_2 = vector.load %arg1[%get3A, %get3A_0, %get3A_1] : memref<2x10112x8xf32, #tpu.memory_space<vmem>>, vector<1x10112x1xf32>
    %get3A_3 = vector.shape_cast %get3A_2 : vector<1x10112x1xf32> to vector<10112xf32>
    %get3A_4 = arith.constant 1 : index
    %get3A_5 = arith.constant 0 : index
    %get3A_6 = arith.constant 0 : index
    %get3A_7 = vector.load %arg1[%get3A_4, %get3A_5, %get3A_6] : memref<2x10112x8xf32, #tpu.memory_space<vmem>>, vector<1x10112x1xf32>
    %get3A_8 = vector.shape_cast %get3A_7 : vector<1x10112x1xf32> to vector<10112xf32>
    %add3A = arith.addf %get3A_3, %get3A_8 : vector<10112xf32>
    %gt3A = arith.constant 0.000000e+00 : f32
    %gt3A_9 = vector.broadcast %gt3A : f32 to vector<10112xf32>
    %gt3A_10 = arith.cmpf ogt, %add3A, %gt3A_9 : vector<10112xf32>
    %max3A = arith.constant 1.000000e-30 : f32
    %max3A_11 = vector.broadcast %max3A : f32 to vector<10112xf32>
    %max3A_12 = arith.maximumf %add3A, %max3A_11 : vector<10112xf32>
    %rsqrt3A = math.rsqrt %max3A_12 : vector<10112xf32>
    %jit3A = arith.constant 0.000000e+00 : f32
    %broadcast_in_dim3A = vector.broadcast %jit3A : f32 to vector<10112xf32>
    %select_n3A = arith.select %gt3A_10, %rsqrt3A, %broadcast_in_dim3A : vector<10112xi1>, vector<10112xf32>
    %get3A_13 = arith.constant 0 : index
    %get3A_14 = arith.constant 0 : index
    %get3A_15 = arith.constant 0 : index
    %get3A_16 = vector.load %arg0[%get3A_13, %get3A_14, %get3A_15] : memref<2x10112x64xf32, #tpu.memory_space<vmem>>, vector<1x10112x64xf32>
    %get3A_17 = vector.shape_cast %get3A_16 : vector<1x10112x64xf32> to vector<10112x64xf32>
    %get3A_18 = arith.constant 1 : index
    %get3A_19 = arith.constant 0 : index
    %get3A_20 = arith.constant 0 : index
    %get3A_21 = vector.load %arg0[%get3A_18, %get3A_19, %get3A_20] : memref<2x10112x64xf32, #tpu.memory_space<vmem>>, vector<1x10112x64xf32>
    %get3A_22 = vector.shape_cast %get3A_21 : vector<1x10112x64xf32> to vector<10112x64xf32>
    %add3A_23 = arith.addf %get3A_17, %get3A_22 : vector<10112x64xf32>
    %broadcast_in_dim3A_24 = vector.shape_cast %select_n3A : vector<10112xf32> to vector<10112x1xf32>
    %mul3A = vector.broadcast %broadcast_in_dim3A_24 : vector<10112x1xf32> to vector<10112x64xf32>
    %mul3A_25 = arith.mulf %add3A_23, %mul3A : vector<10112x64xf32>
    %get3A_26 = arith.constant 0 : index
    %get3A_27 = vector.load %arg2[%get3A_26] : memref<64xf32, #tpu.memory_space<vmem>>, vector<64xf32>
    %broadcast_in_dim3A_28 = vector.shape_cast %get3A_27 : vector<64xf32> to vector<1x64xf32>
    %add3A_29 = vector.broadcast %broadcast_in_dim3A_28 : vector<1x64xf32> to vector<10112x64xf32>
    %add3A_30 = arith.addf %mul3A_25, %add3A_29 : vector<10112x64xf32>
    %max3A_31 = arith.constant 0.000000e+00 : f32
    %max3A_32 = vector.broadcast %max3A_31 : f32 to vector<10112x64xf32>
    %max3A_33 = arith.maximumf %add3A_30, %max3A_32 : vector<10112x64xf32>
    %swap3A = arith.constant 0 : index
    %swap3A_34 = arith.constant 0 : index
    %swap3A_35 = vector.load %arg4[%swap3A, %swap3A_34] : memref<10112x64xf32, #tpu.memory_space<vmem>>, vector<10112x64xf32>
    tpu.vector_store %arg4[%swap3A, %swap3A_34], %max3A_33 {strides = array<i32>} : memref<10112x64xf32, #tpu.memory_space<vmem>>, vector<10112x64xf32>,
    %get3A_36 = arith.constant 0 : index
    %get3A_37 = arith.constant 0 : index
    %get3A_38 = vector.load %arg3[%get3A_36, %get3A_37] : memref<64x64xf32, #tpu.memory_space<vmem>>, vector<64x64xf32>
    %dot_general3A = arith.constant dense<0.000000e+00> : vector<10112x64xf32>
    %dot_general3A_39 = tpu.matmul %max3A_33, %get3A_38, %dot_general3A {dimension_numbers = #tpu.dot_dimension_numbers<[1], [0], [0], [1], [0, 0, 1, 1], [], []>, transpose_lhs_hint = false} : vector<10112x64xf32>, vector<64x64xf32>, vector<10112x64xf32> -> vector<10112x64xf32>
    %broadcast_in_dim3A_40 = vector.shape_cast %select_n3A : vector<10112xf32> to vector<10112x1xf32>
    %mul3A_41 = vector.broadcast %broadcast_in_dim3A_40 : vector<10112x1xf32> to vector<10112x64xf32>
    %mul3A_42 = arith.mulf %dot_general3A_39, %mul3A_41 : vector<10112x64xf32>
    %swap3A_43 = arith.constant 0 : index
    %swap3A_44 = arith.constant 0 : index
    %swap3A_45 = vector.load %arg5[%swap3A_43, %swap3A_44] : memref<10112x64xf32, #tpu.memory_space<vmem>>, vector<10112x64xf32>
    tpu.vector_store %arg5[%swap3A_43, %swap3A_44], %mul3A_42 {strides = array<i32>} : memref<10112x64xf32, #tpu.memory_space<vmem>>, vector<10112x64xf32>,
    return
  }
}

module attributes {stable_mosaic.version = 14 : i64} {
  func.func @_tc_final(%arg0: memref<2x10112x64xf32, #tpu.memory_space<vmem>>, %arg1: memref<2x10112x8xf32, #tpu.memory_space<vmem>>, %arg2: memref<64xf32, #tpu.memory_space<vmem>>, %arg3: memref<10112x64xf32, #tpu.memory_space<vmem>>, %arg4: memref<10112x64xf32, #tpu.memory_space<vmem>>, %arg5: memref<10000xi32, #tpu.memory_space<vmem>>, %arg6: memref<192x10xf32, #tpu.memory_space<vmem>>, %arg7: memref<10xf32, #tpu.memory_space<vmem>>, %arg8: memref<64x10xf32, #tpu.memory_space<vmem>>) attributes {dimension_semantics = [], scalar_prefetch = 0 : i64, scratch_operands = 0 : i64, tpu.core_type = #tpu.core_type<tc>} {
    %get3A = arith.constant 0 : index
    %get3A_0 = arith.constant 0 : index
    %get3A_1 = arith.constant 0 : index
    %get3A_2 = vector.load %arg1[%get3A, %get3A_0, %get3A_1] : memref<2x10112x8xf32, #tpu.memory_space<vmem>>, vector<1x10112x1xf32>
    %get3A_3 = vector.shape_cast %get3A_2 : vector<1x10112x1xf32> to vector<10112xf32>
    %get3A_4 = arith.constant 1 : index
    %get3A_5 = arith.constant 0 : index
    %get3A_6 = arith.constant 0 : index
    %get3A_7 = vector.load %arg1[%get3A_4, %get3A_5, %get3A_6] : memref<2x10112x8xf32, #tpu.memory_space<vmem>>, vector<1x10112x1xf32>
    %get3A_8 = vector.shape_cast %get3A_7 : vector<1x10112x1xf32> to vector<10112xf32>
    %add3A = arith.addf %get3A_3, %get3A_8 : vector<10112xf32>
    %gt3A = arith.constant 0.000000e+00 : f32
    %gt3A_9 = vector.broadcast %gt3A : f32 to vector<10112xf32>
    %gt3A_10 = arith.cmpf ogt, %add3A, %gt3A_9 : vector<10112xf32>
    %max3A = arith.constant 1.000000e-30 : f32
    %max3A_11 = vector.broadcast %max3A : f32 to vector<10112xf32>
    %max3A_12 = arith.maximumf %add3A, %max3A_11 : vector<10112xf32>
    %rsqrt3A = math.rsqrt %max3A_12 : vector<10112xf32>
    %jit3A = arith.constant 0.000000e+00 : f32
    %broadcast_in_dim3A = vector.broadcast %jit3A : f32 to vector<10112xf32>
    %select_n3A = arith.select %gt3A_10, %rsqrt3A, %broadcast_in_dim3A : vector<10112xi1>, vector<10112xf32>
    %get3A_13 = arith.constant 0 : index
    %get3A_14 = arith.constant 0 : index
    %get3A_15 = arith.constant 0 : index
    %get3A_16 = vector.load %arg0[%get3A_13, %get3A_14, %get3A_15] : memref<2x10112x64xf32, #tpu.memory_space<vmem>>, vector<1x10112x64xf32>
    %get3A_17 = vector.shape_cast %get3A_16 : vector<1x10112x64xf32> to vector<10112x64xf32>
    %get3A_18 = arith.constant 1 : index
    %get3A_19 = arith.constant 0 : index
    %get3A_20 = arith.constant 0 : index
    %get3A_21 = vector.load %arg0[%get3A_18, %get3A_19, %get3A_20] : memref<2x10112x64xf32, #tpu.memory_space<vmem>>, vector<1x10112x64xf32>
    %get3A_22 = vector.shape_cast %get3A_21 : vector<1x10112x64xf32> to vector<10112x64xf32>
    %add3A_23 = arith.addf %get3A_17, %get3A_22 : vector<10112x64xf32>
    %broadcast_in_dim3A_24 = vector.shape_cast %select_n3A : vector<10112xf32> to vector<10112x1xf32>
    %mul3A = vector.broadcast %broadcast_in_dim3A_24 : vector<10112x1xf32> to vector<10112x64xf32>
    %mul3A_25 = arith.mulf %add3A_23, %mul3A : vector<10112x64xf32>
    %get3A_26 = arith.constant 0 : index
    %get3A_27 = vector.load %arg2[%get3A_26] : memref<64xf32, #tpu.memory_space<vmem>>, vector<64xf32>
    %broadcast_in_dim3A_28 = vector.shape_cast %get3A_27 : vector<64xf32> to vector<1x64xf32>
    %add3A_29 = vector.broadcast %broadcast_in_dim3A_28 : vector<1x64xf32> to vector<10112x64xf32>
    %add3A_30 = arith.addf %mul3A_25, %add3A_29 : vector<10112x64xf32>
    %max3A_31 = arith.constant 0.000000e+00 : f32
    %max3A_32 = vector.broadcast %max3A_31 : f32 to vector<10112x64xf32>
    %max3A_33 = arith.maximumf %add3A_30, %max3A_32 : vector<10112x64xf32>
    %get3A_34 = arith.constant 0 : index
    %get3A_35 = arith.constant 0 : index
    %get3A_36 = vector.load %arg3[%get3A_34, %get3A_35] : memref<10112x64xf32, #tpu.memory_space<vmem>>, vector<10112x64xf32>
    %get3A_37 = arith.constant 0 : index
    %get3A_38 = arith.constant 0 : index
    %get3A_39 = vector.load %arg4[%get3A_37, %get3A_38] : memref<10112x64xf32, #tpu.memory_space<vmem>>, vector<10112x64xf32>
    %concatenate3A = tpu.concatenate %get3A_36, %get3A_39, %max3A_33 in 1 : vector<10112x64xf32>, vector<10112x64xf32>, vector<10112x64xf32> -> vector<10112x192xf32>
    %slice3A = vector.extract_strided_slice %concatenate3A {offsets = [0, 0], sizes = [10000, 192], strides = [1, 1]} : vector<10112x192xf32> to vector<10000x192xf32>
    %iota3A = tpu.iota {dimensions = array<i32: 0>} : vector<64x10000xi32>
    %get3A_40 = arith.constant 0 : index
    %get3A_41 = vector.load %arg5[%get3A_40] : memref<10000xi32, #tpu.memory_space<vmem>>, vector<10000xi32>
    %broadcast_in_dim3A_42 = vector.shape_cast %get3A_41 : vector<10000xi32> to vector<1x10000xi32>
    %eq3A = vector.broadcast %broadcast_in_dim3A_42 : vector<1x10000xi32> to vector<64x10000xi32>
    %eq3A_43 = arith.cmpi eq, %eq3A, %iota3A : vector<64x10000xi32>
    %convert_element_type3A = arith.extui %eq3A_43 : vector<64x10000xi1> to vector<64x10000xi32>
    %convert_element_type3A_44 = arith.sitofp %convert_element_type3A : vector<64x10000xi32> to vector<64x10000xf32>
    %dot_general3A = arith.constant dense<0.000000e+00> : vector<64x192xf32>
    %dot_general3A_45 = tpu.matmul %convert_element_type3A_44, %slice3A, %dot_general3A {dimension_numbers = #tpu.dot_dimension_numbers<[1], [0], [0], [1], [0, 0, 1, 1], [], []>, transpose_lhs_hint = false} : vector<64x10000xf32>, vector<10000x192xf32>, vector<64x192xf32> -> vector<64x192xf32>
    %reduce_sum3A = arith.constant dense<0.000000e+00> : vector<64xf32>
    %reduce_sum3A_46 = vector.multi_reduction <add>, %convert_element_type3A_44, %reduce_sum3A [1] : vector<64x10000xf32> to vector<64xf32>
    %max3A_47 = arith.constant 1.000000e+00 : f32
    %max3A_48 = vector.broadcast %max3A_47 : f32 to vector<64xf32>
    %max3A_49 = arith.maximumf %reduce_sum3A_46, %max3A_48 : vector<64xf32>
    %broadcast_in_dim3A_50 = vector.shape_cast %max3A_49 : vector<64xf32> to vector<64x1xf32>
    %div3A = vector.broadcast %broadcast_in_dim3A_50 : vector<64x1xf32> to vector<64x192xf32>
    %div3A_51 = arith.divf %dot_general3A_45, %div3A : vector<64x192xf32>
    %get3A_52 = arith.constant 0 : index
    %get3A_53 = arith.constant 0 : index
    %get3A_54 = vector.load %arg6[%get3A_52, %get3A_53] : memref<192x10xf32, #tpu.memory_space<vmem>>, vector<192x10xf32>
    %dot_general3A_55 = arith.constant dense<0.000000e+00> : vector<64x10xf32>
    %dot_general3A_56 = tpu.matmul %div3A_51, %get3A_54, %dot_general3A_55 {dimension_numbers = #tpu.dot_dimension_numbers<[1], [0], [0], [1], [0, 0, 1, 1], [], []>, transpose_lhs_hint = false} : vector<64x192xf32>, vector<192x10xf32>, vector<64x10xf32> -> vector<64x10xf32>
    %get3A_57 = arith.constant 0 : index
    %get3A_58 = vector.load %arg7[%get3A_57] : memref<10xf32, #tpu.memory_space<vmem>>, vector<10xf32>
    %broadcast_in_dim3A_59 = vector.shape_cast %get3A_58 : vector<10xf32> to vector<1x10xf32>
    %add3A_60 = vector.broadcast %broadcast_in_dim3A_59 : vector<1x10xf32> to vector<64x10xf32>
    %add3A_61 = arith.addf %dot_general3A_56, %add3A_60 : vector<64x10xf32>
    %reduce_max3A = arith.constant dense<0xFF800000> : vector<64xf32>
    %reduce_max3A_62 = vector.multi_reduction <maximumf>, %add3A_61, %reduce_max3A [1] : vector<64x10xf32> to vector<64xf32>
    %broadcast_in_dim3A_63 = vector.shape_cast %reduce_max3A_62 : vector<64xf32> to vector<64x1xf32>
    %sub3A = vector.broadcast %broadcast_in_dim3A_63 : vector<64x1xf32> to vector<64x10xf32>
    %sub3A_64 = arith.subf %add3A_61, %sub3A : vector<64x10xf32>
    %exp3A = math.exp %sub3A_64 : vector<64x10xf32>
    %reduce_sum3A_65 = arith.constant dense<0.000000e+00> : vector<64xf32>
    %reduce_sum3A_66 = vector.multi_reduction <add>, %exp3A, %reduce_sum3A_65 [1] : vector<64x10xf32> to vector<64xf32>
    %broadcast_in_dim3A_67 = vector.shape_cast %reduce_sum3A_66 : vector<64xf32> to vector<64x1xf32>
    %div3A_68 = vector.broadcast %broadcast_in_dim3A_67 : vector<64x1xf32> to vector<64x10xf32>
    %div3A_69 = arith.divf %exp3A, %div3A_68 : vector<64x10xf32>
    %swap3A = arith.constant 0 : index
    %swap3A_70 = arith.constant 0 : index
    %swap3A_71 = vector.load %arg8[%swap3A, %swap3A_70] : memref<64x10xf32, #tpu.memory_space<vmem>>, vector<64x10xf32>
    tpu.vector_store %arg8[%swap3A, %swap3A_70], %div3A_69 {strides = array<i32>} : memref<64x10xf32, #tpu.memory_space<vmem>>, vector<64x10xf32>,
    return
  }
}

</mosaic_0001>

<sc_bundles>
// kernel: kernel.11.cloned.1.call-start
scs
__scs_entry_jumppad:
0x0: {  	(pc) =	sbr.rel $0x88, $3  }
0x1: {  	(tag) =	ssettag $0x0;
	lr =	simm.s32 $0x1  }
0x2: {  	[smem:$0x3F96] =	sst lr;
	_ =	strace $0xD0000000  }
0x3: {  	_ = 	snop  }
0x4: {  	_ = 	snop  }
0x5: {  	_ = 	snop  }
0x6: {  	_ = 	snop  }
0x7: {  	_ = 	snop  }
__scs_overlays_trampoline_lowered:
0x8: {  	[smem:$0x3FA5] =	sst s0  }
0x9: {  	[smem:$0x3FA6] =	sst s1  }
0xa: {  	[smem:$0x3FA7] =	sst s2  }
0xb: {  	[smem:$0x3FA8] =	sst s3  }
0xc: {  	[smem:$0x3FA9] =	sst s4  }
0xd: {  	[smem:$0x3FAA] =	sst s5  }
0xe: {  	[smem:$0x3FAB] =	sst s6  }
0xf: {  	[smem:$0x3FAC] =	sst s7  }
0x10: {  	[smem:$0x3FAD] =	sst s8  }
0x11: {  	[smem:$0x3FAE] =	sst s9;
	s0 =	simm.s32 @!p0 $0x0  }
0x12: {  	s1 =	sld [smem:$0x3F94];
	s0 =	simm.s32 @p0 $0x1  }
0x13: {  	[smem:$0x3FAF] =	sst s0;
	s0 =	simm.s32 @!p1 $0x0  }
0x14: {  	s2 =	sld [smem:$0x3F93];
	s0 =	simm.s32 @p1 $0x1  }
0x15: {  	[smem:$0x3FB0] =	sst s0;
	s0 =	simm.s32 @!p2 $0x0  }
0x16: {  	s3 =	sld [smem:$0x3FDB];
	s0 =	simm.s32 @p2 $0x1  }
0x17: {  	s4 =	simm.s32 $0x1BF5;
	[smem:$0x3FB2] =	sst s0  }
0x18: {  	s0 =	sld [smem:$0x3F95];
	_ =	swait.ge [sflag:s4], $0x0  }
0x19: {  	s7 =	sld [smem:$0x3F96]  }
0x1a: {  	s8 =	sadd.s32 $0xFFFFE003, lr  }
0x1b: {  	s9 =	sadd.s32 $0xFFFFFEF7, lr;
	s5 =	simm.s32 $0xFFFFFFFF;
	p2 =	slt.u32 s8, $0xFFFFF086  }
0x1c: {  	p1 =	slt.u32 s9, $0xF7A;
	s5 =	simm.s32 @!p2 $0x0  }
0x1d: {  	s5 =	simm.s32 @p1 $0x1;
	p0 =	seq.s32 s7, s2  }
0x1e: {  	s7 =	smul.u32 @!p0 $0xF7A, s2;
	p2 =	seq.s32 @!p0 s5, $0x0  }
0x1f: {  	s9 =	smul.u32 $0xF7A, s1;
	s8 =	simm.s32 @!p0 $0x1BF5;
	p2 =	por !p2, p0  }
0x20: {  	[sflag:s8] =	ssyncset.s32 @!p0 $0xFFFFF086;
	s6 =	sadd.s32 @!p0 s3, s7;
	s7 =	simm.s32 @!p0 $0x108  }
0x21: {  	s3 =	sadd.s32 s3, s9;
	s6 =	sadd.s32 @!p0 $0x88, s6;
	s7 =	simm.s32 @p2 $0x1082  }
0x22: {  	[simem:s7], [sflag:s8] =	dma.local @!p0 [hbm:s6], $0xF7A  }
0x23: {  	s9 =	sor.u32 $0xD0000000, s2;
	s6 =	simm.s32 $0x108;
	_ =	swait.ge @!p0 [sflag:s8], $0x0  }
0x24: {  	s3 =	sadd.s32 $0x88, s3;
	s6 =	simm.s32 @!p1 $0x1082;
	[sflag:s4] =	ssyncset.s32 $0xFFFFF086  }
0x25: {  	[simem:s6], [sflag:s4] =	dma.local [hbm:s3], $0xF7A  }
0x26: {  	[smem:$0x3F96] =	sst s1;
	(tag) =	ssettag s2;
	_ =	strace s9  }
0x27: {  	s1 =	sld [smem:$0x3FA6]  }
0x28: {  	s2 =	sld [smem:$0x3FA7]  }
0x29: {  	s4 =	sld [smem:$0x3FA9]  }
0x2a: {  	p0 =	seq.s32 s5, $0x0;
	s5 =	sld [smem:$0x3FAA]  }
0x2b: {  	s6 =	sld [smem:$0x3FAB]  }
0x2c: {  	s7 =	sld [smem:$0x3FAC]  }
0x2d: {  	s3 =	simm.s32 $0x108;
	s8 =	sld [smem:$0x3FAD]  }
0x2e: {  	s3 =	simm.s32 @!p0 $0x1082;
	s9 =	sld [smem:$0x3FAE]  }
0x2f: {  	lr =	sadd.s32 s0, s3;
	s0 =	sld [smem:$0x3FA5]  }
0x30: {  	s3 =	sld [smem:$0x3FA8]  }
0x31: {  	[smem:$0x3FB1] =	sst s10  }
0x32: {  	s10 =	sld [smem:$0x3FAF];
	_ =	sdelay $0x3  }
0x33: {  	p0 =	seq.s32 s10, $0x1;
	s10 =	sld [smem:$0x3FB1];
	_ =	sdelay $0x3  }
0x34: {  	[smem:$0x3FB1] =	sst s10  }
0x35: {  	s10 =	sld [smem:$0x3FB0];
	_ =	sdelay $0x3  }
0x36: {  	p1 =	seq.s32 s10, $0x1;
	s10 =	sld [smem:$0x3FB1];
	_ =	sdelay $0x3  }
0x37: {  	[smem:$0x3FB1] =	sst s10  }
0x38: {  	s10 =	sld [smem:$0x3FB2]  }
0x39: {  	_ = 	snop;
	(pc) =	sbr.ind lr, $3  }
0x3a: {  	_ = 	snop  }
0x3b: {  	_ = 	snop  }
0x3c: {  	p2 =	seq.s32 s10, $0x1;
	s10 =	sld [smem:$0x3FB1]  }
0x3d: {  	_ =	shalt  }
0x3e: {  	_ =	shalt  }
0x3f: {  	_ =	shalt  }
0x40: {  	_ =	shalt  }
0x41: {  	_ =	shalt  }
0x42: {  	_ =	shalt  }
0x43: {  	_ =	shalt  }
0x44: {  	_ =	shalt  }
0x45: {  	_ =	shalt  }
0x46: {  	_ =	shalt  }
0x47: {  	_ =	shalt  }
0x48: {  	_ =	shalt  }
0x49: {  	_ =	shalt  }
0x4a: {  	_ =	shalt  }
0x4b: {  	_ =	shalt  }
0x4c: {  	_ =	shalt  }
0x4d: {  	_ =	shalt  }
0x4e: {  	_ =	shalt  }
0x4f: {  	_ =	shalt  }
0x50: {  	_ =	shalt  }
0x51: {  	_ =	shalt  }
0x52: {  	_ =	shalt  }
0x53: {  	_ =	shalt  }
0x54: {  	_ =	shalt  }
0x55: {  	_ =	shalt  }
0x56: {  	_ =	shalt  }
0x57: {  	_ =	shalt  }
0x58: {  	_ =	shalt  }
0x59: {  	_ =	shalt  }
0x5a: {  	_ =	shalt  }
0x5b: {  	_ =	shalt  }
0x5c: {  	_ =	shalt  }
0x5d: {  	_ =	shalt  }
0x5e: {  	_ =	shalt  }
0x5f: {  	_ =	shalt  }
0x60: {  	_ =	shalt  }
0x61: {  	_ =	shalt  }
0x62: {  	_ =	shalt  }
0x63: {  	_ =	shalt  }
0x64: {  	_ =	shalt  }
0x65: {  	_ =	shalt  }
0x66: {  	_ =	shalt  }
0x67: {  	_ =	shalt  }
0x68: {  	_ =	shalt  }
0x69: {  	_ =	shalt  }
0x6a: {  	_ =	shalt  }
0x6b: {  	_ =	shalt  }
0x6c: {  	_ =	shalt  }
0x6d: {  	_ =	shalt  }
0x6e: {  	_ =	shalt  }
0x6f: {  	_ =	shalt  }
0x70: {  	_ =	shalt  }
0x71: {  	_ =	shalt  }
0x72: {  	_ =	shalt  }
0x73: {  	_ =	shalt  }
0x74: {  	_ =	shalt  }
0x75: {  	_ =	shalt  }
0x76: {  	_ =	shalt  }
0x77: {  	_ =	shalt  }
0x78: {  	_ =	shalt  }
0x79: {  	_ =	shalt  }
0x7a: {  	_ =	shalt  }
0x7b: {  	_ =	shalt  }
0x7c: {  	_ =	shalt  }
0x7d: {  	_ =	shalt  }
0x7e: {  	_ =	shalt  }
0x7f: {  	_ =	shalt  }
0x80: {  	_ =	shalt  }
0x81: {  	_ =	shalt  }
0x82: {  	_ =	shalt  }
0x83: {  	_ =	shalt  }
0x84: {  	_ =	shalt  }
0x85: {  	_ =	shalt  }
0x86: {  	_ =	shalt  }
0x87: {  	_ =	shalt  }
.Lfunc_end0:
.L_simem_size_0:
called_computation_lowered:
.L_overlay_start_0:
0x88: {  	s2 =	sld [smem:$0x3FD9]  }
0x89: {  	s3 =	sld [smem:$0x3FFE];
	_ =	sdelay $0x1  }
0x8a: {  	s1 =	srdreg.scid  }
0x8b: {  	s0 =	sand.u32 $0x1, s1  }
0x8c: {  	s17 =	sshll.u32 s0, $0xA;
	s2 =	sadd.s32 s3, s2  }
0x8d: {  	s2 =	sadd.s32 s2, s17  }
0x8e: {  	[smem:$0x3FBD] =	sst s2  }
0x8f: {  	_ = 	snop  }
0x90: {  	s2 =	sld [smem:$0x3FD0];
	(tm) =	ssettm $0x1  }
0x91: {  	s18 =	sld [smem:$0x3FFB];
	_ =	sdelay $0x3  }
0x92: {  	_ =	strace s18  }
0x93: {  	s3 =	sld [smem:$0x3FFC];
	_ =	sdelay $0x3  }
0x94: {  	_ =	strace s3  }
0x95: {  	s3 =	sld [smem:$0x3FFD];
	_ =	sdelay $0x3  }
0x96: {  	_ =	strace s3  }
0x97: {  	_ =	strace $0x8FFFFFFF  }
0x98: {  	s19 =	sld [smem:$0x3FDB];
	_ =	sdelay $0x1  }
0x99: {  	s4 =	simm.s32 $_scs_section_size  }
0x9a: {  	s5 =	simm.s32 $_size__tile_overlayer_lowered;
	s6 =	simm.s32 $_tile_overlayer_lowered  }
0x9b: {  	s22 =	simm.s32 $0x1BFF;
	s21 =	sshll.u32 s6, $0x1;
	s3 =	sadd.s32 s4, s19  }
0x9c: {  	s7 =	simm.s32 $0x0;
	s20 =	sshll.u32 s5, $0x1;
	s5 =	sadd.s32 s21, s3  }
0x9d: {  	[timem:s7], [sflag:s22] =	dma.local [hbm:s5], s20  }
0x9e: {  	_ =	swait.ge [sflag:s22], s20  }
0x9f: {  	s4 =	ssub.s32 $0x0, s20;
	[sflag:s22] =	ssyncset.done $0x0  }
0xa0: {  	[sflag:s22] =	ssyncadd.s32 s4;
	_ =	sdelay $0x1  }
0xa1: {  	s23 =	simm.s32 $0x1B8B  }
0xa2: {  	_ =	swait.ge [sflag:s23], $0x1  }
0xa3: {  	[sflag:s23] =	ssyncset.done $0x0  }
0xa4: {  	s25 =	simm.s32 $0x1B8E;
	s24 =	sld [smem:$0x3FFE];
	[sflag:s23] =	ssyncadd.s32 $0xFFFFFFFF  }
0xa5: {  	s26 =	simm.s32 $execute0_lowered;
	[smem:$0x3FD2] =	sst s25  }
0xa6: {  	s5 =	sshll.u32 s26, $0x1;
	_ =	strace $0x80000046;
	[dreg:$0x1] =	wrdreg $0xFFFFFFFF  }
0xa7: {  	s28 =	simm.s32 $_size_execute0_lowered;
	s3 =	sadd.s32 s3, s5;
	[dreg:$0x0] =	wrdreg $0x0  }
0xa8: {  	s5 =	sshll.u32 s28, $0x1;
	[dreg:$0x2] =	wrdreg s3  }
0xa9: {  	[dreg:$0x3] =	wrdreg s5  }
0xaa: {  	[dreg:$0x4] =	wrdreg $0xC0  }
0xab: {  	_ =	task [dreg:s7], $0x5FFFF  }
0xac: {  	[dreg:$0x1] =	wrdreg $0xFFFFFFFF  }
0xad: {  	[dreg:$0x0] =	wrdreg $0x60  }
0xae: {  	[dreg:$0x2] =	wrdreg s24  }
0xaf: {  	[dreg:$0x3] =	wrdreg s2  }
0xb0: {  	[dreg:$0x4] =	wrdreg $0x30000  }
0xb1: {  	[dreg:$0x5] =	wrdreg $0x9  }
0xb2: {  	_ =	task.clear_ibuf [dreg:s7], $0x6FFFF;
	_ =	strace $0x90000046  }
0xb3: {  	s29 =	simm.s32 $0x9;
	_ =	strace $0x80000048  }
0xb4: {  	_ =	swait.ge [sflag:s29], $0x1  }
0xb5: {  	[sflag:s29] =	ssyncadd.s32 $0xFFFFFFFF  }
0xb6: {  	_ =	strace $0x90000048  }
0xb7: {  	_ =	sfence  }
0xb8: {  	s30 =	sld [smem:$0x0];
	_ =	sdelay $0x2  }
0xb9: {  	s31 =	sshll.u32 s1, $0xD;
	s1 =	sshrl.u32 s1, $0x2  }
0xba: {  	s3 =	sand.u32 $0x4000, s31;
	s1 =	sadd.s32 s1, s30  }
0xbb: {  	s0 =	sor.u32 s3, s0;
	s1 =	sshll.u32 s1, $0x11  }
0xbc: {  	s0 =	sor.u32 s1, s0  }
0xbd: {  	s0 =	sadd.s32 $0x8F2B, s0  }
0xbe: {  	[sflag:s0] =	ssyncadd.remote.s32 $0x1  }
0xbf: {  	_ =	sfence.sel $0xFFFF  }
0xc0: {  	[dreg:$0x0] =	wrdreg $0xFFFFFFFF;
	(pc) =	sbr.abs _section_cstart, $3  }
0xc1: {  	[dreg:$0x1] =	wrdreg $0xFFFFFFFF  }
0xc2: {  	_ =	task.clear_ibuf [dreg:s7], $0x2FFFF;
	_ =	strace $0x9FFFFFFF  }
0xc3: {  	(tm) =	ssettm $0x7FFFFFFF  }
tec
execute0_lowered:
.L_overlay_start_1:
0x0: {  	(tag) =	ssettag $0x1  }
0x1: {  	s6 =	rddreg [dreg:$0x0]  }
0x2: {  	s2 =	rddreg [dreg:$0x1]  }
0x3: {  	s0 =	srdreg.scid;
	s3 =	rddreg [dreg:$0x2];
	s4 =	simm.s32 $0x0  }
0x4: {  	s13 =	simm.s32 $0x1;
	s14 =	simm.s32 $0x100;
	s15 =	simm.s32 $0x2  }
0x5: {  	s16 =	simm.s32 $0x0;
	s5 =	sand.u32 $0x1, s0;
	s0 =	stileid.u32  }
0x6: {  	[smem:$0x7FF] =	sst s4;
	s1 =	sshll.u32 s5, $0x4;
	s8 =	smul.u32 $0x13C0, s0  }
0x7: {  	s9 =	smul.u32 $0x13C00, s5;
	s5 =	ssub.s32 $0x2, s5;
	s1 =	sor.u32 s0, s1  }
0x8: {  	s31 =	sshll.u32 s0, $0x6;
	s30 =	sshrl.u32 s5, $0x1;
	s7 =	smul.u32 $0x500, s1  }
0x9: {  	s1 =	rddreg [dreg:$0x3];
	_ =	strace $0x80000047;
	s9 =	sadd.s32 s8, s9  }
0xa: {  	s10 =	sshrl.u32 s8, $0x3;
	s11 =	ssub.s32 s5, s30;
	s12 =	sadd.s32 s8, s3  }
0xb: {  	s9 =	sshrl.u32 s9, $0x3;
	s10 =	sadd.s32 s10, s6;
	s7 =	sadd.s32 s7, s6  }
0xc: {  	s9 =	sadd.s32 s9, s6;
	s6 =	sadd.s32 $0xCA00, s10;
	s10 =	simm.s32 $0x800  }
0xd: {  	s5 =	sadd.s32 $0x2A00, s7;
	s7 =	sor.u32 $0x1C03, s31;
	s8 =	sadd.s32 $0xF200, s9  }
0xe: {  	s9 =	smax.u32 s11, $0x1;
	s11 =	sshrl.u32 s12, $0x3;
	s12 =	simm.s32 $0x3  }
.LBB2_1:
0xf: {  	[tilespmem:s10], [sflag:$0x1] =	stream.linear.gather [hbm4b:s5+s4], $0x2800, $0x38;
	[tilespmem:$0x43C0] =	vst v63  }
0x10: {  	[spmem:s11], [sflag:s7] =	dma.local [hbm:s6], $0x278  }
0x11: {  	_ =	swait.ge [sflag:s12], $0x278  }
0x12: {  	[sflag:s12] =	ssyncset.done $0x0  }
0x13: {  	[sflag:s12] =	ssyncadd.s32 $0xFFFFFD88  }
0x14: {  	[tilespmem:s4], [sflag:$0x3] =	stream.linear.gather [hbm4b:s2+s4], $0x800, $0x38;
	[tilespmem:$0x43C0] =	vst v63  }
0x15: {  	_ =	swait.ge [sflag:s12], $0x800  }
0x16: {  	[sflag:s12] =	ssyncset.done $0x0  }
0x17: {  	[sflag:s12] =	ssyncadd.s32 $0xFFFFF800  }
0x18: {  	_ =	swait.ge [sflag:s13], $0x2800  }
0x19: {  	[sflag:s13] =	ssyncset.done $0x0  }
0x1a: {  	[sflag:s13] =	ssyncadd.s32 $0xFFFFD800  }
0x1b: {  	s17 =	simm.s32 $0x800;
	[bflag:$0x0] =	sbarrier.arrive $0xFFFF  }
0x1c: {  	[spmem:s3] =	stream.indirect.scatter.add.f32 [tilespmem:s4], [sflag:$0x2], $0x8, s17, s14, $0xb8;
	[tilespmem:$0x43C0] =	vst v63  }
0x1d: {  	s17 =	simm.s32 $0x400;
	_ =	swait.ge [sflag:s15], $0x800  }
.LBB2_2:
0x1e: {  	s18 =	sshra.s32 s17, $0x2;
	[sflag:s15] =	ssyncset.done $0x0;
	p0 =	sne.s32 s17, $0x9C00  }
.Ltmp0:
0x1f: {  	s18 =	sadd.s32 $0x800, s18;
	[sflag:s15] =	ssyncadd.s32 $0xFFFFF800;
	(pc) =	sbr.rel @p0 .LBB2_2-.Ltmp0, $3  }
0x20: {  	[spmem:s3] =	stream.indirect.scatter.add.f32 [tilespmem:s4], [sflag:$0x2], $0x8, s18, s14, $0xb8;
	[tilespmem:$0x43C0] =	vst v63  }
0x21: {  	s17 =	sadd.s32 $0x400, s17;
	_ =	sdelay $0x1  }
0x22: {  	_ =	swait.ge [sflag:s15], $0x800  }
0x23: {  	[sflag:s15] =	ssyncset.done $0x0;
	s16 =	sadd.s32 $0x1, s16  }
0x24: {  	[sflag:s15] =	ssyncadd.s32 $0xFFFFF800;
	p0 =	sne.s32 s16, s9  }
.Ltmp1:
0x25: {  	[bflag:$0x0] =	sbarrier.arrive $0xFFFF;
	(pc) =	sbr.rel @p0 .LBB2_1-.Ltmp1, $4  }
0x26: {  	[hbm:s8], [sflag:s7] =	dma.local [spmem:s11], $0x278  }
0x27: {  	_ =	swait.ge [sflag:s12], $0x278  }
0x28: {  	[sflag:s12] =	ssyncset.done $0x0  }
0x29: {  	[sflag:s12] =	ssyncadd.s32 $0xFFFFFD88  }
0x2a: {  	_ =	sfence.sel $0x180000  }
0x2b: {  	[bflag:$0x0] =	sbarrier.arrive $0xFFFF  }
0x2c: {  	p0 =	sne.s32 s0, $0x0;
	_ =	strace $0x90000047  }
0x2d: {  	s0 =	sadd.s32 @!p0 $0x100000, s1;
	[bflag:$0x2] =	sbarrier.arrive $0xFFFF  }
0x2e: {  	[sflag:s0] =	ssyncadd.tile.s32 @!p0 $0x1;
	_ =	shalt  }
.Lfunc_end2:
_tile_overlayer_lowered:
.L_overlay_start_2:
0x2f: {  	(tag) =	ssettag $0x2  }
0x30: {  	s0 =	rddreg [dreg:$0x0];
	s2 =	stileid.u32  }
0x31: {  	s1 =	rddreg [dreg:$0x1];
	p0 =	sne.s32 s2, $0x0  }
0x32: {  	s3 =	rddreg [dreg:$0x2];
	[bflag:$0x3] =	sbarrier.arrive $0xFFFF;
	s2 =	simm.s32 @!p0 $0x1C03  }
0x33: {  	[timem:s3], [sflag:s2] =	dma.local @!p0 [hbm:s0], s1  }
0x34: {  	s0 =	simm.s32 @!p0 $0x3  }
0x35: {  	_ =	swait.ge @!p0 [sflag:s0], s1  }
0x36: {  	s1 =	ssub.s32 @!p0 $0x0, s1;
	[sflag:s0] =	ssyncset.done @!p0 $0x0  }
0x37: {  	[sflag:s0] =	ssyncadd.s32 @!p0 s1  }
0x38: {  	[bflag:$0x3] =	sbarrier.arrive $0xFFFF  }
0x39: {  	_ =	shalt  }

// kernel: kernel.14.cloned.1.call-start
scs
__scs_entry_jumppad:
0x0: {  	(pc) =	sbr.rel $0x88, $3  }
0x1: {  	(tag) =	ssettag $0x0;
	lr =	simm.s32 $0x1  }
0x2: {  	[smem:$0x3F96] =	sst lr;
	_ =	strace $0xD0000000  }
0x3: {  	_ = 	snop  }
0x4: {  	_ = 	snop  }
0x5: {  	_ = 	snop  }
0x6: {  	_ = 	snop  }
0x7: {  	_ = 	snop  }
__scs_overlays_trampoline_lowered:
0x8: {  	[smem:$0x3FA5] =	sst s0  }
0x9: {  	[smem:$0x3FA6] =	sst s1  }
0xa: {  	[smem:$0x3FA7] =	sst s2  }
0xb: {  	[smem:$0x3FA8] =	sst s3  }
0xc: {  	[smem:$0x3FA9] =	sst s4  }
0xd: {  	[smem:$0x3FAA] =	sst s5  }
0xe: {  	[smem:$0x3FAB] =	sst s6  }
0xf: {  	[smem:$0x3FAC] =	sst s7  }
0x10: {  	[smem:$0x3FAD] =	sst s8  }
0x11: {  	[smem:$0x3FAE] =	sst s9;
	s0 =	simm.s32 @!p0 $0x0  }
0x12: {  	s1 =	sld [smem:$0x3F94];
	s0 =	simm.s32 @p0 $0x1  }
0x13: {  	[smem:$0x3FAF] =	sst s0;
	s0 =	simm.s32 @!p1 $0x0  }
0x14: {  	s2 =	sld [smem:$0x3F93];
	s0 =	simm.s32 @p1 $0x1  }
0x15: {  	[smem:$0x3FB0] =	sst s0;
	s0 =	simm.s32 @!p2 $0x0  }
0x16: {  	s3 =	sld [smem:$0x3FDB];
	s0 =	simm.s32 @p2 $0x1  }
0x17: {  	s4 =	simm.s32 $0x1BF5;
	[smem:$0x3FB2] =	sst s0  }
0x18: {  	s0 =	sld [smem:$0x3F95];
	_ =	swait.ge [sflag:s4], $0x0  }
0x19: {  	s7 =	sld [smem:$0x3F96]  }
0x1a: {  	s8 =	sadd.s32 $0xFFFFE003, lr  }
0x1b: {  	s9 =	sadd.s32 $0xFFFFFEF7, lr;
	s5 =	simm.s32 $0xFFFFFFFF;
	p2 =	slt.u32 s8, $0xFFFFF086  }
0x1c: {  	p1 =	slt.u32 s9, $0xF7A;
	s5 =	simm.s32 @!p2 $0x0  }
0x1d: {  	s5 =	simm.s32 @p1 $0x1;
	p0 =	seq.s32 s7, s2  }
0x1e: {  	s7 =	smul.u32 @!p0 $0xF7A, s2;
	p2 =	seq.s32 @!p0 s5, $0x0  }
0x1f: {  	s9 =	smul.u32 $0xF7A, s1;
	s8 =	simm.s32 @!p0 $0x1BF5;
	p2 =	por !p2, p0  }
0x20: {  	[sflag:s8] =	ssyncset.s32 @!p0 $0xFFFFF086;
	s6 =	sadd.s32 @!p0 s3, s7;
	s7 =	simm.s32 @!p0 $0x108  }
0x21: {  	s3 =	sadd.s32 s3, s9;
	s6 =	sadd.s32 @!p0 $0x88, s6;
	s7 =	simm.s32 @p2 $0x1082  }
0x22: {  	[simem:s7], [sflag:s8] =	dma.local @!p0 [hbm:s6], $0xF7A  }
0x23: {  	s9 =	sor.u32 $0xD0000000, s2;
	s6 =	simm.s32 $0x108;
	_ =	swait.ge @!p0 [sflag:s8], $0x0  }
0x24: {  	s3 =	sadd.s32 $0x88, s3;
	s6 =	simm.s32 @!p1 $0x1082;
	[sflag:s4] =	ssyncset.s32 $0xFFFFF086  }
0x25: {  	[simem:s6], [sflag:s4] =	dma.local [hbm:s3], $0xF7A  }
0x26: {  	[smem:$0x3F96] =	sst s1;
	(tag) =	ssettag s2;
	_ =	strace s9  }
0x27: {  	s1 =	sld [smem:$0x3FA6]  }
0x28: {  	s2 =	sld [smem:$0x3FA7]  }
0x29: {  	s4 =	sld [smem:$0x3FA9]  }
0x2a: {  	p0 =	seq.s32 s5, $0x0;
	s5 =	sld [smem:$0x3FAA]  }
0x2b: {  	s6 =	sld [smem:$0x3FAB]  }
0x2c: {  	s7 =	sld [smem:$0x3FAC]  }
0x2d: {  	s3 =	simm.s32 $0x108;
	s8 =	sld [smem:$0x3FAD]  }
0x2e: {  	s3 =	simm.s32 @!p0 $0x1082;
	s9 =	sld [smem:$0x3FAE]  }
0x2f: {  	lr =	sadd.s32 s0, s3;
	s0 =	sld [smem:$0x3FA5]  }
0x30: {  	s3 =	sld [smem:$0x3FA8]  }
0x31: {  	[smem:$0x3FB1] =	sst s10  }
0x32: {  	s10 =	sld [smem:$0x3FAF];
	_ =	sdelay $0x3  }
0x33: {  	p0 =	seq.s32 s10, $0x1;
	s10 =	sld [smem:$0x3FB1];
	_ =	sdelay $0x3  }
0x34: {  	[smem:$0x3FB1] =	sst s10  }
0x35: {  	s10 =	sld [smem:$0x3FB0];
	_ =	sdelay $0x3  }
0x36: {  	p1 =	seq.s32 s10, $0x1;
	s10 =	sld [smem:$0x3FB1];
	_ =	sdelay $0x3  }
0x37: {  	[smem:$0x3FB1] =	sst s10  }
0x38: {  	s10 =	sld [smem:$0x3FB2]  }
0x39: {  	_ = 	snop;
	(pc) =	sbr.ind lr, $3  }
0x3a: {  	_ = 	snop  }
0x3b: {  	_ = 	snop  }
0x3c: {  	p2 =	seq.s32 s10, $0x1;
	s10 =	sld [smem:$0x3FB1]  }
0x3d: {  	_ =	shalt  }
0x3e: {  	_ =	shalt  }
0x3f: {  	_ =	shalt  }
0x40: {  	_ =	shalt  }
0x41: {  	_ =	shalt  }
0x42: {  	_ =	shalt  }
0x43: {  	_ =	shalt  }
0x44: {  	_ =	shalt  }
0x45: {  	_ =	shalt  }
0x46: {  	_ =	shalt  }
0x47: {  	_ =	shalt  }
0x48: {  	_ =	shalt  }
0x49: {  	_ =	shalt  }
0x4a: {  	_ =	shalt  }
0x4b: {  	_ =	shalt  }
0x4c: {  	_ =	shalt  }
0x4d: {  	_ =	shalt  }
0x4e: {  	_ =	shalt  }
0x4f: {  	_ =	shalt  }
0x50: {  	_ =	shalt  }
0x51: {  	_ =	shalt  }
0x52: {  	_ =	shalt  }
0x53: {  	_ =	shalt  }
0x54: {  	_ =	shalt  }
0x55: {  	_ =	shalt  }
0x56: {  	_ =	shalt  }
0x57: {  	_ =	shalt  }
0x58: {  	_ =	shalt  }
0x59: {  	_ =	shalt  }
0x5a: {  	_ =	shalt  }
0x5b: {  	_ =	shalt  }
0x5c: {  	_ =	shalt  }
0x5d: {  	_ =	shalt  }
0x5e: {  	_ =	shalt  }
0x5f: {  	_ =	shalt  }
0x60: {  	_ =	shalt  }
0x61: {  	_ =	shalt  }
0x62: {  	_ =	shalt  }
0x63: {  	_ =	shalt  }
0x64: {  	_ =	shalt  }
0x65: {  	_ =	shalt  }
0x66: {  	_ =	shalt  }
0x67: {  	_ =	shalt  }
0x68: {  	_ =	shalt  }
0x69: {  	_ =	shalt  }
0x6a: {  	_ =	shalt  }
0x6b: {  	_ =	shalt  }
0x6c: {  	_ =	shalt  }
0x6d: {  	_ =	shalt  }
0x6e: {  	_ =	shalt  }
0x6f: {  	_ =	shalt  }
0x70: {  	_ =	shalt  }
0x71: {  	_ =	shalt  }
0x72: {  	_ =	shalt  }
0x73: {  	_ =	shalt  }
0x74: {  	_ =	shalt  }
0x75: {  	_ =	shalt  }
0x76: {  	_ =	shalt  }
0x77: {  	_ =	shalt  }
0x78: {  	_ =	shalt  }
0x79: {  	_ =	shalt  }
0x7a: {  	_ =	shalt  }
0x7b: {  	_ =	shalt  }
0x7c: {  	_ =	shalt  }
0x7d: {  	_ =	shalt  }
0x7e: {  	_ =	shalt  }
0x7f: {  	_ =	shalt  }
0x80: {  	_ =	shalt  }
0x81: {  	_ =	shalt  }
0x82: {  	_ =	shalt  }
0x83: {  	_ =	shalt  }
0x84: {  	_ =	shalt  }
0x85: {  	_ =	shalt  }
0x86: {  	_ =	shalt  }
0x87: {  	_ =	shalt  }
.Lfunc_end0:
.L_simem_size_0:
called_computation.1_lowered:
.L_overlay_start_0:
0x88: {  	s2 =	sld [smem:$0x3FD9]  }
0x89: {  	s3 =	sld [smem:$0x3FFE];
	_ =	sdelay $0x1  }
0x8a: {  	s1 =	srdreg.scid  }
0x8b: {  	s0 =	sand.u32 $0x1, s1  }
0x8c: {  	s16 =	sshll.u32 s0, $0xA;
	s2 =	sadd.s32 s3, s2  }
0x8d: {  	s2 =	sadd.s32 s2, s16  }
0x8e: {  	[smem:$0x3FBD] =	sst s2  }
0x8f: {  	_ = 	snop  }
0x90: {  	(tm) =	ssettm $0x1  }
0x91: {  	s17 =	sld [smem:$0x3FFB];
	_ =	sdelay $0x3  }
0x92: {  	_ =	strace s17  }
0x93: {  	s2 =	sld [smem:$0x3FFC];
	_ =	sdelay $0x3  }
0x94: {  	_ =	strace s2  }
0x95: {  	s2 =	sld [smem:$0x3FFD];
	_ =	sdelay $0x3  }
0x96: {  	_ =	strace s2  }
0x97: {  	_ =	strace $0x8FFFFFFF  }
0x98: {  	s18 =	sld [smem:$0x3FDB];
	_ =	sdelay $0x1  }
0x99: {  	s19 =	simm.s32 $_scs_section_size  }
0x9a: {  	s4 =	simm.s32 $_size__tile_overlayer_lowered;
	s5 =	simm.s32 $_tile_overlayer_lowered  }
0x9b: {  	s22 =	simm.s32 $0x1BFF;
	s21 =	sshll.u32 s5, $0x1;
	s2 =	sadd.s32 s19, s18  }
0x9c: {  	s6 =	simm.s32 $0x0;
	s20 =	sshll.u32 s4, $0x1;
	s4 =	sadd.s32 s21, s2  }
0x9d: {  	[timem:s6], [sflag:s22] =	dma.local [hbm:s4], s20  }
0x9e: {  	_ =	swait.ge [sflag:s22], s20  }
0x9f: {  	s3 =	ssub.s32 $0x0, s20;
	[sflag:s22] =	ssyncset.done $0x0  }
0xa0: {  	[sflag:s22] =	ssyncadd.s32 s3;
	_ =	sdelay $0x1  }
0xa1: {  	s23 =	simm.s32 $0x1B8B  }
0xa2: {  	_ =	swait.ge [sflag:s23], $0x1  }
0xa3: {  	[sflag:s23] =	ssyncset.done $0x0  }
0xa4: {  	s25 =	simm.s32 $0x1B8E;
	s24 =	sld [smem:$0x3FFE];
	[sflag:s23] =	ssyncadd.s32 $0xFFFFFFFF  }
0xa5: {  	s26 =	simm.s32 $execute0_lowered;
	[smem:$0x3FD2] =	sst s25  }
0xa6: {  	s4 =	sshll.u32 s26, $0x1;
	_ =	strace $0x80000049;
	[dreg:$0x1] =	wrdreg $0xFFFFFFFF  }
0xa7: {  	s28 =	simm.s32 $_size_execute0_lowered;
	s2 =	sadd.s32 s2, s4;
	[dreg:$0x0] =	wrdreg $0x0  }
0xa8: {  	s4 =	sshll.u32 s28, $0x1;
	[dreg:$0x2] =	wrdreg s2  }
0xa9: {  	[dreg:$0x3] =	wrdreg s4  }
0xaa: {  	[dreg:$0x4] =	wrdreg $0xC0  }
0xab: {  	_ =	task [dreg:s6], $0x5FFFF  }
0xac: {  	[dreg:$0x1] =	wrdreg $0xFFFFFFFF  }
0xad: {  	[dreg:$0x0] =	wrdreg $0x60  }
0xae: {  	[dreg:$0x2] =	wrdreg s24  }
0xaf: {  	[dreg:$0x3] =	wrdreg $0x122000  }
0xb0: {  	[dreg:$0x4] =	wrdreg $0x84000  }
0xb1: {  	[dreg:$0x5] =	wrdreg $0x9  }
0xb2: {  	_ =	task.clear_ibuf [dreg:s6], $0x6FFFF;
	_ =	strace $0x90000049  }
0xb3: {  	s29 =	simm.s32 $0x9;
	_ =	strace $0x8000004B  }
0xb4: {  	_ =	swait.ge [sflag:s29], $0x1  }
0xb5: {  	[sflag:s29] =	ssyncadd.s32 $0xFFFFFFFF  }
0xb6: {  	_ =	strace $0x9000004B  }
0xb7: {  	_ =	sfence  }
0xb8: {  	s30 =	sld [smem:$0x0];
	_ =	sdelay $0x2  }
0xb9: {  	s31 =	sshll.u32 s1, $0xD;
	s1 =	sshrl.u32 s1, $0x2  }
0xba: {  	s3 =	sand.u32 $0x4000, s31;
	s1 =	sadd.s32 s1, s30  }
0xbb: {  	s0 =	sor.u32 s3, s0;
	s1 =	sshll.u32 s1, $0x11  }
0xbc: {  	s0 =	sor.u32 s1, s0  }
0xbd: {  	s0 =	sadd.s32 $0x8F2B, s0  }
0xbe: {  	[sflag:s0] =	ssyncadd.remote.s32 $0x1  }
0xbf: {  	_ =	sfence.sel $0xFFFF  }
0xc0: {  	[dreg:$0x0] =	wrdreg $0xFFFFFFFF;
	(pc) =	sbr.abs _section_cstart, $3  }
0xc1: {  	[dreg:$0x1] =	wrdreg $0xFFFFFFFF  }
0xc2: {  	_ =	task.clear_ibuf [dreg:s6], $0x2FFFF;
	_ =	strace $0x9FFFFFFF  }
0xc3: {  	(tm) =	ssettm $0x7FFFFFFF  }
tec
execute0_lowered:
.L_overlay_start_1:
0x0: {  	(tag) =	ssettag $0x1  }
0x1: {  	s5 =	rddreg [dreg:$0x0]  }
0x2: {  	s2 =	rddreg [dreg:$0x1]  }
0x3: {  	s3 =	rddreg [dreg:$0x2];
	s0 =	stileid.u32  }
0x4: {  	s6 =	srdreg.scid;
	s1 =	rddreg [dreg:$0x3]  }
0x5: {  	s4 =	simm.s32 $0x0;
	s18 =	simm.s32 $0x400;
	s19 =	simm.s32 $0x200  }
0x6: {  	s20 =	simm.s32 $0x4400;
	s21 =	simm.s32 $0x1;
	s22 =	simm.s32 $0x2  }
0x7: {  	s23 =	simm.s32 $0x300;
	s7 =	smul.u32 $0x9E00, s0;
	s6 =	sand.u32 $0x1, s6  }
0x8: {  	[smem:$0x7FF] =	sst s4;
	s13 =	sadd.s32 $0x14200, s5;
	s28 =	smul.u32 $0x5000, s0  }
0x9: {  	s26 =	sshll.u32 s0, $0x6;
	s9 =	smul.u32 $0x9E000, s6;
	_ =	strace $0x8000004A  }
0xa: {  	s10 =	ssub.s32 $0x2, s6;
	s11 =	sshll.u32 s6, $0x4;
	s25 =	smul.u32 $0x50000, s6  }
0xb: {  	s6 =	sor.u32 $0x1C05, s26;
	s26 =	simm.s32 $0x0;
	s8 =	sshrl.u32 s7, $0x3  }
0xc: {  	s12 =	sshrl.u32 s10, $0x1;
	s11 =	sor.u32 s0, s11;
	s15 =	sadd.s32 s7, s2  }
0xd: {  	s16 =	sadd.s32 s7, s3;
	s8 =	sadd.s32 s8, s5;
	s9 =	sadd.s32 s7, s9  }
0xe: {  	s12 =	ssub.s32 s10, s12;
	s24 =	smul.u32 $0x5000, s11;
	s11 =	sadd.s32 s28, s25  }
0xf: {  	s16 =	sshrl.u32 s16, $0x3;
	s25 =	simm.s32 $0x4;
	s9 =	sshrl.u32 s9, $0x3  }
0x10: {  	s29 =	sor.u32 $0x600, s11;
	s17 =	sor.u32 $0x400, s11;
	s11 =	smax.u32 s12, $0x1  }
0x11: {  	s14 =	sadd.s32 s9, s5;
	s5 =	sadd.s32 $0x8AE00, s8;
	s9 =	sshrl.u32 s24, $0x3  }
0x12: {  	s8 =	sadd.s32 $0x77200, s8;
	s30 =	sshrl.u32 s29, $0x3;
	s31 =	sshrl.u32 s17, $0x3  }
0x13: {  	s17 =	simm.s32 $0x100;
	s24 =	simm.s32 $0x3;
	s7 =	sadd.s32 s13, s9  }
0x14: {  	s10 =	sadd.s32 $0x9EA00, s14;
	s12 =	sadd.s32 s30, s13;
	s13 =	sadd.s32 s31, s13  }
0x15: {  	s14 =	sshrl.u32 s15, $0x3;
	s15 =	simm.s32 $0x5;
	s9 =	sadd.s32 $0x40, s7  }
.LBB2_1:
0x16: {  	[spmem:s14], [sflag:s6] =	dma.local [hbm:s5], $0x13C0  }
0x17: {  	_ =	swait.ge [sflag:s15], $0x13C0  }
0x18: {  	[sflag:s15] =	ssyncset.done $0x0  }
0x19: {  	[sflag:s15] =	ssyncadd.s32 $0xFFFFEC40  }
0x1a: {  	[spmem:s16], [sflag:s6] =	dma.local [hbm:s8], $0x13C0  }
0x1b: {  	_ =	swait.ge [sflag:s15], $0x13C0  }
0x1c: {  	[sflag:s15] =	ssyncset.done $0x0  }
0x1d: {  	[sflag:s15] =	ssyncadd.s32 $0xFFFFEC40  }
0x1e: {  	[bflag:$0x0] =	sbarrier.arrive $0xFFFF  }
0x1f: {  	[tilespmem:s4], [sflag:$0x5] =	stream.linear.gather [hbm4b:s7+s4], $0x200, $0x38;
	[tilespmem:$0x1C000] =	vst v63  }
0x20: {  	_ =	swait.ge [sflag:s15], $0x200  }
0x21: {  	[sflag:s15] =	ssyncset.done $0x0  }
0x22: {  	[sflag:s15] =	ssyncadd.s32 $0xFFFFFE00  }
0x23: {  	[tilespmem:s18], [sflag:$0x1] =	stream.indirect.gather [spmem:s3], $0x40, s4, s17, $0xb8;
	[tilespmem:$0x1C000] =	vst v63  }
0x24: {  	_ = 	snop  }
0x25: {  	[tilespmem:s19], [sflag:$0x5] =	stream.linear.gather [hbm4b:s9+s4], $0x200, $0x38;
	[tilespmem:$0x1C000] =	vst v63  }
0x26: {  	_ =	swait.ge [sflag:s15], $0x200  }
0x27: {  	[sflag:s15] =	ssyncset.done $0x0  }
0x28: {  	[sflag:s15] =	ssyncadd.s32 $0xFFFFFE00  }
0x29: {  	[tilespmem:s20], [sflag:$0x2] =	stream.indirect.gather [spmem:s3], $0x40, s19, s17, $0xb8;
	[tilespmem:$0x1C000] =	vst v63  }
0x2a: {  	_ =	swait.ge [sflag:s21], $0x4000  }
0x2b: {  	[sflag:s21] =	ssyncset.done $0x0  }
0x2c: {  	[sflag:s21] =	ssyncadd.s32 $0xFFFFC000  }
0x2d: {  	[spmem:s2] =	stream.indirect.scatter.add.f32 [tilespmem:s18], [sflag:$0x3], $0x40, s17, s17, $0xb8;
	[tilespmem:$0x1C000] =	vst v63  }
0x2e: {  	_ =	swait.ge [sflag:s22], $0x4000  }
0x2f: {  	[sflag:s22] =	ssyncset.done $0x0  }
0x30: {  	[sflag:s22] =	ssyncadd.s32 $0xFFFFC000  }
0x31: {  	[spmem:s2] =	stream.indirect.scatter.add.f32 [tilespmem:s20], [sflag:$0x4], $0x40, s23, s17, $0xb8;
	[tilespmem:$0x1C000] =	vst v63  }
0x32: {  	_ =	swait.ge [sflag:s24], $0x4000  }
0x33: {  	[sflag:s24] =	ssyncset.done $0x0  }
0x34: {  	s28 =	sadd.s32 $0x0, s13;
	[sflag:s24] =	ssyncadd.s32 $0xFFFFC000  }
0x35: {  	[tilespmem:s4], [sflag:$0x5] =	stream.linear.gather [hbm4b:s28+s4], $0x200, $0x38;
	[tilespmem:$0x1C000] =	vst v63  }
0x36: {  	_ =	swait.ge [sflag:s15], $0x200  }
0x37: {  	[sflag:s15] =	ssyncset.done $0x0  }
0x38: {  	[sflag:s15] =	ssyncadd.s32 $0xFFFFFE00  }
0x39: {  	[tilespmem:s18], [sflag:$0x1] =	stream.indirect.gather [spmem:s3], $0x40, s4, s17, $0xb8;
	[tilespmem:$0x1C000] =	vst v63  }
0x3a: {  	_ =	swait.ge [sflag:s25], $0x4000  }
0x3b: {  	[sflag:s25] =	ssyncset.done $0x0  }
0x3c: {  	s28 =	sadd.s32 $0x0, s12;
	[sflag:s25] =	ssyncadd.s32 $0xFFFFC000  }
0x3d: {  	[tilespmem:s19], [sflag:$0x5] =	stream.linear.gather [hbm4b:s28+s4], $0x200, $0x38;
	[tilespmem:$0x1C000] =	vst v63  }
0x3e: {  	_ =	swait.ge [sflag:s15], $0x200  }
0x3f: {  	[sflag:s15] =	ssyncset.done $0x0  }
0x40: {  	[sflag:s15] =	ssyncadd.s32 $0xFFFFFE00  }
0x41: {  	[tilespmem:s20], [sflag:$0x2] =	stream.indirect.gather [spmem:s3], $0x40, s19, s17, $0xb8;
	[tilespmem:$0x1C000] =	vst v63  }
0x42: {  	_ =	swait.ge [sflag:s21], $0x4000  }
0x43: {  	[sflag:s21] =	ssyncset.done $0x0  }
0x44: {  	[sflag:s21] =	ssyncadd.s32 $0xFFFFC000  }
0x45: {  	[spmem:s2] =	stream.indirect.scatter.add.f32 [tilespmem:s18], [sflag:$0x3], $0x40, s17, s17, $0xb8;
	[tilespmem:$0x1C000] =	vst v63  }
0x46: {  	_ =	swait.ge [sflag:s22], $0x4000  }
0x47: {  	[sflag:s22] =	ssyncset.done $0x0  }
0x48: {  	s28 =	simm.s32 $0x80;
	[sflag:s22] =	ssyncadd.s32 $0xFFFFC000  }
.LBB2_2:
0x49: {  	[spmem:s2] =	stream.indirect.scatter.add.f32 [tilespmem:s20], [sflag:$0x4], $0x40, s23, s17, $0xb8;
	[tilespmem:$0x1C000] =	vst v63  }
0x4a: {  	s29 =	smov.u32 s28  }
0x4b: {  	p0 =	sne.s32 s28, $0x900;
	s28 =	sadd.s32 $0x80, s28;
	_ =	swait.ge [sflag:s24], $0x4000  }
0x4c: {  	[sflag:s24] =	ssyncset.done $0x0  }
0x4d: {  	s30 =	sadd.s32 s29, s13;
	[sflag:s24] =	ssyncadd.s32 $0xFFFFC000  }
0x4e: {  	[tilespmem:s4], [sflag:$0x5] =	stream.linear.gather [hbm4b:s30+s4], $0x200, $0x38;
	[tilespmem:$0x1C000] =	vst v63  }
0x4f: {  	_ =	swait.ge [sflag:s15], $0x200  }
0x50: {  	[sflag:s15] =	ssyncset.done $0x0  }
0x51: {  	[sflag:s15] =	ssyncadd.s32 $0xFFFFFE00  }
0x52: {  	[tilespmem:s18], [sflag:$0x1] =	stream.indirect.gather [spmem:s3], $0x40, s4, s17, $0xb8;
	[tilespmem:$0x1C000] =	vst v63  }
0x53: {  	_ =	swait.ge [sflag:s25], $0x4000  }
0x54: {  	[sflag:s25] =	ssyncset.done $0x0  }
0x55: {  	s29 =	sadd.s32 s29, s12;
	[sflag:s25] =	ssyncadd.s32 $0xFFFFC000  }
0x56: {  	[tilespmem:s19], [sflag:$0x5] =	stream.linear.gather [hbm4b:s29+s4], $0x200, $0x38;
	[tilespmem:$0x1C000] =	vst v63  }
0x57: {  	_ =	swait.ge [sflag:s15], $0x200  }
0x58: {  	[sflag:s15] =	ssyncset.done $0x0  }
0x59: {  	[sflag:s15] =	ssyncadd.s32 $0xFFFFFE00  }
0x5a: {  	[tilespmem:s20], [sflag:$0x2] =	stream.indirect.gather [spmem:s3], $0x40, s19, s17, $0xb8;
	[tilespmem:$0x1C000] =	vst v63  }
0x5b: {  	_ =	swait.ge [sflag:s21], $0x4000  }
0x5c: {  	[sflag:s21] =	ssyncset.done $0x0  }
.Ltmp0:
0x5d: {  	[sflag:s21] =	ssyncadd.s32 $0xFFFFC000;
	(pc) =	sbr.rel @p0 .LBB2_2-.Ltmp0, $4  }
0x5e: {  	[spmem:s2] =	stream.indirect.scatter.add.f32 [tilespmem:s18], [sflag:$0x3], $0x40, s17, s17, $0xb8;
	[tilespmem:$0x1C000] =	vst v63  }
0x5f: {  	_ =	swait.ge [sflag:s22], $0x4000  }
0x60: {  	[sflag:s22] =	ssyncset.done $0x0  }
0x61: {  	[sflag:s22] =	ssyncadd.s32 $0xFFFFC000  }
0x62: {  	[spmem:s2] =	stream.indirect.scatter.add.f32 [tilespmem:s20], [sflag:$0x4], $0x40, s23, s17, $0xb8;
	[tilespmem:$0x1C000] =	vst v63  }
0x63: {  	_ =	swait.ge [sflag:s24], $0x4000  }
0x64: {  	[sflag:s24] =	ssyncset.done $0x0  }
0x65: {  	[sflag:s24] =	ssyncadd.s32 $0xFFFFC000  }
0x66: {  	_ =	swait.ge [sflag:s25], $0x4000  }
0x67: {  	s26 =	sadd.s32 $0x1, s26;
	[sflag:s25] =	ssyncset.done $0x0  }
0x68: {  	p0 =	sne.s32 s26, s11;
	[sflag:s25] =	ssyncadd.s32 $0xFFFFC000  }
.Ltmp1:
0x69: {  	[bflag:$0x0] =	sbarrier.arrive $0xFFFF;
	(pc) =	sbr.rel @p0 .LBB2_1-.Ltmp1, $4  }
0x6a: {  	[hbm:s10], [sflag:s6] =	dma.local [spmem:s14], $0x13C0  }
0x6b: {  	_ =	swait.ge [sflag:s15], $0x13C0  }
0x6c: {  	[sflag:s15] =	ssyncset.done $0x0  }
0x6d: {  	[sflag:s15] =	ssyncadd.s32 $0xFFFFEC40  }
0x6e: {  	_ =	sfence.sel $0x180000  }
0x6f: {  	[bflag:$0x0] =	sbarrier.arrive $0xFFFF  }
0x70: {  	p0 =	sne.s32 s0, $0x0;
	_ =	strace $0x9000004A  }
0x71: {  	s0 =	sadd.s32 @!p0 $0x100000, s1;
	[bflag:$0x2] =	sbarrier.arrive $0xFFFF  }
0x72: {  	[sflag:s0] =	ssyncadd.tile.s32 @!p0 $0x1;
	_ =	shalt  }
.Lfunc_end2:
_tile_overlayer_lowered:
.L_overlay_start_2:
0x73: {  	(tag) =	ssettag $0x2  }
0x74: {  	s0 =	rddreg [dreg:$0x0];
	s2 =	stileid.u32  }
0x75: {  	s1 =	rddreg [dreg:$0x1];
	p0 =	sne.s32 s2, $0x0  }
0x76: {  	s3 =	rddreg [dreg:$0x2];
	[bflag:$0x3] =	sbarrier.arrive $0xFFFF;
	s2 =	simm.s32 @!p0 $0x1C05  }
0x77: {  	[timem:s3], [sflag:s2] =	dma.local @!p0 [hbm:s0], s1  }
0x78: {  	s0 =	simm.s32 @!p0 $0x5  }
0x79: {  	_ =	swait.ge @!p0 [sflag:s0], s1  }
0x7a: {  	s1 =	ssub.s32 @!p0 $0x0, s1;
	[sflag:s0] =	ssyncset.done @!p0 $0x0  }
0x7b: {  	[sflag:s0] =	ssyncadd.s32 @!p0 s1  }
0x7c: {  	[bflag:$0x3] =	sbarrier.arrive $0xFFFF  }
0x7d: {  	_ =	shalt  }

// kernel: kernel.17.cloned.1.call-start
scs
__scs_entry_jumppad:
0x0: {  	(pc) =	sbr.rel $0x88, $3  }
0x1: {  	(tag) =	ssettag $0x0;
	lr =	simm.s32 $0x1  }
0x2: {  	[smem:$0x3F96] =	sst lr;
	_ =	strace $0xD0000000  }
0x3: {  	_ = 	snop  }
0x4: {  	_ = 	snop  }
0x5: {  	_ = 	snop  }
0x6: {  	_ = 	snop  }
0x7: {  	_ = 	snop  }
__scs_overlays_trampoline_lowered:
0x8: {  	[smem:$0x3FA5] =	sst s0  }
0x9: {  	[smem:$0x3FA6] =	sst s1  }
0xa: {  	[smem:$0x3FA7] =	sst s2  }
0xb: {  	[smem:$0x3FA8] =	sst s3  }
0xc: {  	[smem:$0x3FA9] =	sst s4  }
0xd: {  	[smem:$0x3FAA] =	sst s5  }
0xe: {  	[smem:$0x3FAB] =	sst s6  }
0xf: {  	[smem:$0x3FAC] =	sst s7  }
0x10: {  	[smem:$0x3FAD] =	sst s8  }
0x11: {  	[smem:$0x3FAE] =	sst s9;
	s0 =	simm.s32 @!p0 $0x0  }
0x12: {  	s1 =	sld [smem:$0x3F94];
	s0 =	simm.s32 @p0 $0x1  }
0x13: {  	[smem:$0x3FAF] =	sst s0;
	s0 =	simm.s32 @!p1 $0x0  }
0x14: {  	s2 =	sld [smem:$0x3F93];
	s0 =	simm.s32 @p1 $0x1  }
0x15: {  	[smem:$0x3FB0] =	sst s0;
	s0 =	simm.s32 @!p2 $0x0  }
0x16: {  	s3 =	sld [smem:$0x3FDB];
	s0 =	simm.s32 @p2 $0x1  }
0x17: {  	s4 =	simm.s32 $0x1BF5;
	[smem:$0x3FB2] =	sst s0  }
0x18: {  	s0 =	sld [smem:$0x3F95];
	_ =	swait.ge [sflag:s4], $0x0  }
0x19: {  	s7 =	sld [smem:$0x3F96]  }
0x1a: {  	s8 =	sadd.s32 $0xFFFFE003, lr  }
0x1b: {  	s9 =	sadd.s32 $0xFFFFFEF7, lr;
	s5 =	simm.s32 $0xFFFFFFFF;
	p2 =	slt.u32 s8, $0xFFFFF086  }
0x1c: {  	p1 =	slt.u32 s9, $0xF7A;
	s5 =	simm.s32 @!p2 $0x0  }
0x1d: {  	s5 =	simm.s32 @p1 $0x1;
	p0 =	seq.s32 s7, s2  }
0x1e: {  	s7 =	smul.u32 @!p0 $0xF7A, s2;
	p2 =	seq.s32 @!p0 s5, $0x0  }
0x1f: {  	s9 =	smul.u32 $0xF7A, s1;
	s8 =	simm.s32 @!p0 $0x1BF5;
	p2 =	por !p2, p0  }
0x20: {  	[sflag:s8] =	ssyncset.s32 @!p0 $0xFFFFF086;
	s6 =	sadd.s32 @!p0 s3, s7;
	s7 =	simm.s32 @!p0 $0x108  }
0x21: {  	s3 =	sadd.s32 s3, s9;
	s6 =	sadd.s32 @!p0 $0x88, s6;
	s7 =	simm.s32 @p2 $0x1082  }
0x22: {  	[simem:s7], [sflag:s8] =	dma.local @!p0 [hbm:s6], $0xF7A  }
0x23: {  	s9 =	sor.u32 $0xD0000000, s2;
	s6 =	simm.s32 $0x108;
	_ =	swait.ge @!p0 [sflag:s8], $0x0  }
0x24: {  	s3 =	sadd.s32 $0x88, s3;
	s6 =	simm.s32 @!p1 $0x1082;
	[sflag:s4] =	ssyncset.s32 $0xFFFFF086  }
0x25: {  	[simem:s6], [sflag:s4] =	dma.local [hbm:s3], $0xF7A  }
0x26: {  	[smem:$0x3F96] =	sst s1;
	(tag) =	ssettag s2;
	_ =	strace s9  }
0x27: {  	s1 =	sld [smem:$0x3FA6]  }
0x28: {  	s2 =	sld [smem:$0x3FA7]  }
0x29: {  	s4 =	sld [smem:$0x3FA9]  }
0x2a: {  	p0 =	seq.s32 s5, $0x0;
	s5 =	sld [smem:$0x3FAA]  }
0x2b: {  	s6 =	sld [smem:$0x3FAB]  }
0x2c: {  	s7 =	sld [smem:$0x3FAC]  }
0x2d: {  	s3 =	simm.s32 $0x108;
	s8 =	sld [smem:$0x3FAD]  }
0x2e: {  	s3 =	simm.s32 @!p0 $0x1082;
	s9 =	sld [smem:$0x3FAE]  }
0x2f: {  	lr =	sadd.s32 s0, s3;
	s0 =	sld [smem:$0x3FA5]  }
0x30: {  	s3 =	sld [smem:$0x3FA8]  }
0x31: {  	[smem:$0x3FB1] =	sst s10  }
0x32: {  	s10 =	sld [smem:$0x3FAF];
	_ =	sdelay $0x3  }
0x33: {  	p0 =	seq.s32 s10, $0x1;
	s10 =	sld [smem:$0x3FB1];
	_ =	sdelay $0x3  }
0x34: {  	[smem:$0x3FB1] =	sst s10  }
0x35: {  	s10 =	sld [smem:$0x3FB0];
	_ =	sdelay $0x3  }
0x36: {  	p1 =	seq.s32 s10, $0x1;
	s10 =	sld [smem:$0x3FB1];
	_ =	sdelay $0x3  }
0x37: {  	[smem:$0x3FB1] =	sst s10  }
0x38: {  	s10 =	sld [smem:$0x3FB2]  }
0x39: {  	_ = 	snop;
	(pc) =	sbr.ind lr, $3  }
0x3a: {  	_ = 	snop  }
0x3b: {  	_ = 	snop  }
0x3c: {  	p2 =	seq.s32 s10, $0x1;
	s10 =	sld [smem:$0x3FB1]  }
0x3d: {  	_ =	shalt  }
0x3e: {  	_ =	shalt  }
0x3f: {  	_ =	shalt  }
0x40: {  	_ =	shalt  }
0x41: {  	_ =	shalt  }
0x42: {  	_ =	shalt  }
0x43: {  	_ =	shalt  }
0x44: {  	_ =	shalt  }
0x45: {  	_ =	shalt  }
0x46: {  	_ =	shalt  }
0x47: {  	_ =	shalt  }
0x48: {  	_ =	shalt  }
0x49: {  	_ =	shalt  }
0x4a: {  	_ =	shalt  }
0x4b: {  	_ =	shalt  }
0x4c: {  	_ =	shalt  }
0x4d: {  	_ =	shalt  }
0x4e: {  	_ =	shalt  }
0x4f: {  	_ =	shalt  }
0x50: {  	_ =	shalt  }
0x51: {  	_ =	shalt  }
0x52: {  	_ =	shalt  }
0x53: {  	_ =	shalt  }
0x54: {  	_ =	shalt  }
0x55: {  	_ =	shalt  }
0x56: {  	_ =	shalt  }
0x57: {  	_ =	shalt  }
0x58: {  	_ =	shalt  }
0x59: {  	_ =	shalt  }
0x5a: {  	_ =	shalt  }
0x5b: {  	_ =	shalt  }
0x5c: {  	_ =	shalt  }
0x5d: {  	_ =	shalt  }
0x5e: {  	_ =	shalt  }
0x5f: {  	_ =	shalt  }
0x60: {  	_ =	shalt  }
0x61: {  	_ =	shalt  }
0x62: {  	_ =	shalt  }
0x63: {  	_ =	shalt  }
0x64: {  	_ =	shalt  }
0x65: {  	_ =	shalt  }
0x66: {  	_ =	shalt  }
0x67: {  	_ =	shalt  }
0x68: {  	_ =	shalt  }
0x69: {  	_ =	shalt  }
0x6a: {  	_ =	shalt  }
0x6b: {  	_ =	shalt  }
0x6c: {  	_ =	shalt  }
0x6d: {  	_ =	shalt  }
0x6e: {  	_ =	shalt  }
0x6f: {  	_ =	shalt  }
0x70: {  	_ =	shalt  }
0x71: {  	_ =	shalt  }
0x72: {  	_ =	shalt  }
0x73: {  	_ =	shalt  }
0x74: {  	_ =	shalt  }
0x75: {  	_ =	shalt  }
0x76: {  	_ =	shalt  }
0x77: {  	_ =	shalt  }
0x78: {  	_ =	shalt  }
0x79: {  	_ =	shalt  }
0x7a: {  	_ =	shalt  }
0x7b: {  	_ =	shalt  }
0x7c: {  	_ =	shalt  }
0x7d: {  	_ =	shalt  }
0x7e: {  	_ =	shalt  }
0x7f: {  	_ =	shalt  }
0x80: {  	_ =	shalt  }
0x81: {  	_ =	shalt  }
0x82: {  	_ =	shalt  }
0x83: {  	_ =	shalt  }
0x84: {  	_ =	shalt  }
0x85: {  	_ =	shalt  }
0x86: {  	_ =	shalt  }
0x87: {  	_ =	shalt  }
.Lfunc_end0:
.L_simem_size_0:
called_computation.2_lowered:
.L_overlay_start_0:
0x88: {  	s2 =	sld [smem:$0x3FD9]  }
0x89: {  	s3 =	sld [smem:$0x3FFE];
	_ =	sdelay $0x1  }
0x8a: {  	s1 =	srdreg.scid  }
0x8b: {  	s0 =	sand.u32 $0x1, s1  }
0x8c: {  	s16 =	sshll.u32 s0, $0xA;
	s2 =	sadd.s32 s3, s2  }
0x8d: {  	s2 =	sadd.s32 s2, s16  }
0x8e: {  	[smem:$0x3FBD] =	sst s2  }
0x8f: {  	_ = 	snop  }
0x90: {  	(tm) =	ssettm $0x1  }
0x91: {  	s17 =	sld [smem:$0x3FFB];
	_ =	sdelay $0x3  }
0x92: {  	_ =	strace s17  }
0x93: {  	s2 =	sld [smem:$0x3FFC];
	_ =	sdelay $0x3  }
0x94: {  	_ =	strace s2  }
0x95: {  	s2 =	sld [smem:$0x3FFD];
	_ =	sdelay $0x3  }
0x96: {  	_ =	strace s2  }
0x97: {  	_ =	strace $0x8FFFFFFF  }
0x98: {  	s18 =	sld [smem:$0x3FDB];
	_ =	sdelay $0x1  }
0x99: {  	s19 =	simm.s32 $_scs_section_size  }
0x9a: {  	s4 =	simm.s32 $_size__tile_overlayer_lowered;
	s5 =	simm.s32 $_tile_overlayer_lowered  }
0x9b: {  	s22 =	simm.s32 $0x1BFF;
	s21 =	sshll.u32 s5, $0x1;
	s2 =	sadd.s32 s19, s18  }
0x9c: {  	s6 =	simm.s32 $0x0;
	s20 =	sshll.u32 s4, $0x1;
	s4 =	sadd.s32 s21, s2  }
0x9d: {  	[timem:s6], [sflag:s22] =	dma.local [hbm:s4], s20  }
0x9e: {  	_ =	swait.ge [sflag:s22], s20  }
0x9f: {  	s3 =	ssub.s32 $0x0, s20;
	[sflag:s22] =	ssyncset.done $0x0  }
0xa0: {  	[sflag:s22] =	ssyncadd.s32 s3;
	_ =	sdelay $0x1  }
0xa1: {  	s23 =	simm.s32 $0x1B8B  }
0xa2: {  	_ =	swait.ge [sflag:s23], $0x1  }
0xa3: {  	[sflag:s23] =	ssyncset.done $0x0  }
0xa4: {  	s25 =	simm.s32 $0x1B8E;
	s24 =	sld [smem:$0x3FFE];
	[sflag:s23] =	ssyncadd.s32 $0xFFFFFFFF  }
0xa5: {  	s26 =	simm.s32 $execute0_lowered;
	[smem:$0x3FD2] =	sst s25  }
0xa6: {  	s4 =	sshll.u32 s26, $0x1;
	_ =	strace $0x8000004C;
	[dreg:$0x1] =	wrdreg $0xFFFFFFFF  }
0xa7: {  	s28 =	simm.s32 $_size_execute0_lowered;
	s2 =	sadd.s32 s2, s4;
	[dreg:$0x0] =	wrdreg $0x0  }
0xa8: {  	s4 =	sshll.u32 s28, $0x1;
	[dreg:$0x2] =	wrdreg s2  }
0xa9: {  	[dreg:$0x3] =	wrdreg s4  }
0xaa: {  	[dreg:$0x4] =	wrdreg $0xC0  }
0xab: {  	_ =	task [dreg:s6], $0x5FFFF  }
0xac: {  	[dreg:$0x1] =	wrdreg $0xFFFFFFFF  }
0xad: {  	[dreg:$0x0] =	wrdreg $0x60  }
0xae: {  	[dreg:$0x2] =	wrdreg s24  }
0xaf: {  	[dreg:$0x3] =	wrdreg $0x122000  }
0xb0: {  	[dreg:$0x4] =	wrdreg $0x84000  }
0xb1: {  	[dreg:$0x5] =	wrdreg $0x9  }
0xb2: {  	_ =	task.clear_ibuf [dreg:s6], $0x6FFFF;
	_ =	strace $0x9000004C  }
0xb3: {  	s29 =	simm.s32 $0x9;
	_ =	strace $0x8000004E  }
0xb4: {  	_ =	swait.ge [sflag:s29], $0x1  }
0xb5: {  	[sflag:s29] =	ssyncadd.s32 $0xFFFFFFFF  }
0xb6: {  	_ =	strace $0x9000004E  }
0xb7: {  	_ =	sfence  }
0xb8: {  	s30 =	sld [smem:$0x0];
	_ =	sdelay $0x2  }
0xb9: {  	s31 =	sshll.u32 s1, $0xD;
	s1 =	sshrl.u32 s1, $0x2  }
0xba: {  	s3 =	sand.u32 $0x4000, s31;
	s1 =	sadd.s32 s1, s30  }
0xbb: {  	s0 =	sor.u32 s3, s0;
	s1 =	sshll.u32 s1, $0x11  }
0xbc: {  	s0 =	sor.u32 s1, s0  }
0xbd: {  	s0 =	sadd.s32 $0x8F2B, s0  }
0xbe: {  	[sflag:s0] =	ssyncadd.remote.s32 $0x1  }
0xbf: {  	_ =	sfence.sel $0xFFFF  }
0xc0: {  	[dreg:$0x0] =	wrdreg $0xFFFFFFFF;
	(pc) =	sbr.abs _section_cstart, $3  }
0xc1: {  	[dreg:$0x1] =	wrdreg $0xFFFFFFFF  }
0xc2: {  	_ =	task.clear_ibuf [dreg:s6], $0x2FFFF;
	_ =	strace $0x9FFFFFFF  }
0xc3: {  	(tm) =	ssettm $0x7FFFFFFF  }
tec
execute0_lowered:
.L_overlay_start_1:
0x0: {  	(tag) =	ssettag $0x1  }
0x1: {  	s5 =	rddreg [dreg:$0x0]  }
0x2: {  	s2 =	rddreg [dreg:$0x1]  }
0x3: {  	s3 =	rddreg [dreg:$0x2];
	s0 =	stileid.u32  }
0x4: {  	s6 =	srdreg.scid;
	s1 =	rddreg [dreg:$0x3]  }
0x5: {  	s4 =	simm.s32 $0x0;
	s18 =	simm.s32 $0x400;
	s19 =	simm.s32 $0x200  }
0x6: {  	s20 =	simm.s32 $0x4400;
	s21 =	simm.s32 $0x1;
	s22 =	simm.s32 $0x2  }
0x7: {  	s23 =	simm.s32 $0x300;
	s7 =	smul.u32 $0x9E00, s0;
	s6 =	sand.u32 $0x1, s6  }
0x8: {  	[smem:$0x7FF] =	sst s4;
	s13 =	sadd.s32 $0x14200, s5;
	s28 =	smul.u32 $0x5000, s0  }
0x9: {  	s26 =	sshll.u32 s0, $0x6;
	s9 =	smul.u32 $0x9E000, s6;
	_ =	strace $0x8000004D  }
0xa: {  	s10 =	ssub.s32 $0x2, s6;
	s11 =	sshll.u32 s6, $0x4;
	s25 =	smul.u32 $0x50000, s6  }
0xb: {  	s6 =	sor.u32 $0x1C05, s26;
	s26 =	simm.s32 $0x0;
	s8 =	sshrl.u32 s7, $0x3  }
0xc: {  	s12 =	sshrl.u32 s10, $0x1;
	s11 =	sor.u32 s0, s11;
	s15 =	sadd.s32 s7, s2  }
0xd: {  	s16 =	sadd.s32 s7, s3;
	s8 =	sadd.s32 s8, s5;
	s9 =	sadd.s32 s7, s9  }
0xe: {  	s12 =	ssub.s32 s10, s12;
	s24 =	smul.u32 $0x5000, s11;
	s11 =	sadd.s32 s28, s25  }
0xf: {  	s16 =	sshrl.u32 s16, $0x3;
	s25 =	simm.s32 $0x4;
	s9 =	sshrl.u32 s9, $0x3  }
0x10: {  	s29 =	sor.u32 $0x600, s11;
	s17 =	sor.u32 $0x400, s11;
	s11 =	smax.u32 s12, $0x1  }
0x11: {  	s14 =	sadd.s32 s9, s5;
	s5 =	sadd.s32 $0x8AE00, s8;
	s9 =	sshrl.u32 s24, $0x3  }
0x12: {  	s8 =	sadd.s32 $0x77200, s8;
	s30 =	sshrl.u32 s29, $0x3;
	s31 =	sshrl.u32 s17, $0x3  }
0x13: {  	s17 =	simm.s32 $0x100;
	s24 =	simm.s32 $0x3;
	s7 =	sadd.s32 s13, s9  }
0x14: {  	s10 =	sadd.s32 $0x9EA00, s14;
	s12 =	sadd.s32 s30, s13;
	s13 =	sadd.s32 s31, s13  }
0x15: {  	s14 =	sshrl.u32 s15, $0x3;
	s15 =	simm.s32 $0x5;
	s9 =	sadd.s32 $0x40, s7  }
.LBB2_1:
0x16: {  	[spmem:s14], [sflag:s6] =	dma.local [hbm:s5], $0x13C0  }
0x17: {  	_ =	swait.ge [sflag:s15], $0x13C0  }
0x18: {  	[sflag:s15] =	ssyncset.done $0x0  }
0x19: {  	[sflag:s15] =	ssyncadd.s32 $0xFFFFEC40  }
0x1a: {  	[spmem:s16], [sflag:s6] =	dma.local [hbm:s8], $0x13C0  }
0x1b: {  	_ =	swait.ge [sflag:s15], $0x13C0  }
0x1c: {  	[sflag:s15] =	ssyncset.done $0x0  }
0x1d: {  	[sflag:s15] =	ssyncadd.s32 $0xFFFFEC40  }
0x1e: {  	[bflag:$0x0] =	sbarrier.arrive $0xFFFF  }
0x1f: {  	[tilespmem:s4], [sflag:$0x5] =	stream.linear.gather [hbm4b:s7+s4], $0x200, $0x38;
	[tilespmem:$0x1C000] =	vst v63  }
0x20: {  	_ =	swait.ge [sflag:s15], $0x200  }
0x21: {  	[sflag:s15] =	ssyncset.done $0x0  }
0x22: {  	[sflag:s15] =	ssyncadd.s32 $0xFFFFFE00  }
0x23: {  	[tilespmem:s18], [sflag:$0x1] =	stream.indirect.gather [spmem:s3], $0x40, s4, s17, $0xb8;
	[tilespmem:$0x1C000] =	vst v63  }
0x24: {  	_ = 	snop  }
0x25: {  	[tilespmem:s19], [sflag:$0x5] =	stream.linear.gather [hbm4b:s9+s4], $0x200, $0x38;
	[tilespmem:$0x1C000] =	vst v63  }
0x26: {  	_ =	swait.ge [sflag:s15], $0x200  }
0x27: {  	[sflag:s15] =	ssyncset.done $0x0  }
0x28: {  	[sflag:s15] =	ssyncadd.s32 $0xFFFFFE00  }
0x29: {  	[tilespmem:s20], [sflag:$0x2] =	stream.indirect.gather [spmem:s3], $0x40, s19, s17, $0xb8;
	[tilespmem:$0x1C000] =	vst v63  }
0x2a: {  	_ =	swait.ge [sflag:s21], $0x4000  }
0x2b: {  	[sflag:s21] =	ssyncset.done $0x0  }
0x2c: {  	[sflag:s21] =	ssyncadd.s32 $0xFFFFC000  }
0x2d: {  	[spmem:s2] =	stream.indirect.scatter.add.f32 [tilespmem:s18], [sflag:$0x3], $0x40, s17, s17, $0xb8;
	[tilespmem:$0x1C000] =	vst v63  }
0x2e: {  	_ =	swait.ge [sflag:s22], $0x4000  }
0x2f: {  	[sflag:s22] =	ssyncset.done $0x0  }
0x30: {  	[sflag:s22] =	ssyncadd.s32 $0xFFFFC000  }
0x31: {  	[spmem:s2] =	stream.indirect.scatter.add.f32 [tilespmem:s20], [sflag:$0x4], $0x40, s23, s17, $0xb8;
	[tilespmem:$0x1C000] =	vst v63  }
0x32: {  	_ =	swait.ge [sflag:s24], $0x4000  }
0x33: {  	[sflag:s24] =	ssyncset.done $0x0  }
0x34: {  	s28 =	sadd.s32 $0x0, s13;
	[sflag:s24] =	ssyncadd.s32 $0xFFFFC000  }
0x35: {  	[tilespmem:s4], [sflag:$0x5] =	stream.linear.gather [hbm4b:s28+s4], $0x200, $0x38;
	[tilespmem:$0x1C000] =	vst v63  }
0x36: {  	_ =	swait.ge [sflag:s15], $0x200  }
0x37: {  	[sflag:s15] =	ssyncset.done $0x0  }
0x38: {  	[sflag:s15] =	ssyncadd.s32 $0xFFFFFE00  }
0x39: {  	[tilespmem:s18], [sflag:$0x1] =	stream.indirect.gather [spmem:s3], $0x40, s4, s17, $0xb8;
	[tilespmem:$0x1C000] =	vst v63  }
0x3a: {  	_ =	swait.ge [sflag:s25], $0x4000  }
0x3b: {  	[sflag:s25] =	ssyncset.done $0x0  }
0x3c: {  	s28 =	sadd.s32 $0x0, s12;
	[sflag:s25] =	ssyncadd.s32 $0xFFFFC000  }
0x3d: {  	[tilespmem:s19], [sflag:$0x5] =	stream.linear.gather [hbm4b:s28+s4], $0x200, $0x38;
	[tilespmem:$0x1C000] =	vst v63  }
0x3e: {  	_ =	swait.ge [sflag:s15], $0x200  }
0x3f: {  	[sflag:s15] =	ssyncset.done $0x0  }
0x40: {  	[sflag:s15] =	ssyncadd.s32 $0xFFFFFE00  }
0x41: {  	[tilespmem:s20], [sflag:$0x2] =	stream.indirect.gather [spmem:s3], $0x40, s19, s17, $0xb8;
	[tilespmem:$0x1C000] =	vst v63  }
0x42: {  	_ =	swait.ge [sflag:s21], $0x4000  }
0x43: {  	[sflag:s21] =	ssyncset.done $0x0  }
0x44: {  	[sflag:s21] =	ssyncadd.s32 $0xFFFFC000  }
0x45: {  	[spmem:s2] =	stream.indirect.scatter.add.f32 [tilespmem:s18], [sflag:$0x3], $0x40, s17, s17, $0xb8;
	[tilespmem:$0x1C000] =	vst v63  }
0x46: {  	_ =	swait.ge [sflag:s22], $0x4000  }
0x47: {  	[sflag:s22] =	ssyncset.done $0x0  }
0x48: {  	s28 =	simm.s32 $0x80;
	[sflag:s22] =	ssyncadd.s32 $0xFFFFC000  }
.LBB2_2:
0x49: {  	[spmem:s2] =	stream.indirect.scatter.add.f32 [tilespmem:s20], [sflag:$0x4], $0x40, s23, s17, $0xb8;
	[tilespmem:$0x1C000] =	vst v63  }
0x4a: {  	s29 =	smov.u32 s28  }
0x4b: {  	p0 =	sne.s32 s28, $0x900;
	s28 =	sadd.s32 $0x80, s28;
	_ =	swait.ge [sflag:s24], $0x4000  }
0x4c: {  	[sflag:s24] =	ssyncset.done $0x0  }
0x4d: {  	s30 =	sadd.s32 s29, s13;
	[sflag:s24] =	ssyncadd.s32 $0xFFFFC000  }
0x4e: {  	[tilespmem:s4], [sflag:$0x5] =	stream.linear.gather [hbm4b:s30+s4], $0x200, $0x38;
	[tilespmem:$0x1C000] =	vst v63  }
0x4f: {  	_ =	swait.ge [sflag:s15], $0x200  }
0x50: {  	[sflag:s15] =	ssyncset.done $0x0  }
0x51: {  	[sflag:s15] =	ssyncadd.s32 $0xFFFFFE00  }
0x52: {  	[tilespmem:s18], [sflag:$0x1] =	stream.indirect.gather [spmem:s3], $0x40, s4, s17, $0xb8;
	[tilespmem:$0x1C000] =	vst v63  }
0x53: {  	_ =	swait.ge [sflag:s25], $0x4000  }
0x54: {  	[sflag:s25] =	ssyncset.done $0x0  }
0x55: {  	s29 =	sadd.s32 s29, s12;
	[sflag:s25] =	ssyncadd.s32 $0xFFFFC000  }
0x56: {  	[tilespmem:s19], [sflag:$0x5] =	stream.linear.gather [hbm4b:s29+s4], $0x200, $0x38;
	[tilespmem:$0x1C000] =	vst v63  }
0x57: {  	_ =	swait.ge [sflag:s15], $0x200  }
0x58: {  	[sflag:s15] =	ssyncset.done $0x0  }
0x59: {  	[sflag:s15] =	ssyncadd.s32 $0xFFFFFE00  }
0x5a: {  	[tilespmem:s20], [sflag:$0x2] =	stream.indirect.gather [spmem:s3], $0x40, s19, s17, $0xb8;
	[tilespmem:$0x1C000] =	vst v63  }
0x5b: {  	_ =	swait.ge [sflag:s21], $0x4000  }
0x5c: {  	[sflag:s21] =	ssyncset.done $0x0  }
.Ltmp0:
0x5d: {  	[sflag:s21] =	ssyncadd.s32 $0xFFFFC000;
	(pc) =	sbr.rel @p0 .LBB2_2-.Ltmp0, $4  }
0x5e: {  	[spmem:s2] =	stream.indirect.scatter.add.f32 [tilespmem:s18], [sflag:$0x3], $0x40, s17, s17, $0xb8;
	[tilespmem:$0x1C000] =	vst v63  }
0x5f: {  	_ =	swait.ge [sflag:s22], $0x4000  }
0x60: {  	[sflag:s22] =	ssyncset.done $0x0  }
0x61: {  	[sflag:s22] =	ssyncadd.s32 $0xFFFFC000  }
0x62: {  	[spmem:s2] =	stream.indirect.scatter.add.f32 [tilespmem:s20], [sflag:$0x4], $0x40, s23, s17, $0xb8;
	[tilespmem:$0x1C000] =	vst v63  }
0x63: {  	_ =	swait.ge [sflag:s24], $0x4000  }
0x64: {  	[sflag:s24] =	ssyncset.done $0x0  }
0x65: {  	[sflag:s24] =	ssyncadd.s32 $0xFFFFC000  }
0x66: {  	_ =	swait.ge [sflag:s25], $0x4000  }
0x67: {  	s26 =	sadd.s32 $0x1, s26;
	[sflag:s25] =	ssyncset.done $0x0  }
0x68: {  	p0 =	sne.s32 s26, s11;
	[sflag:s25] =	ssyncadd.s32 $0xFFFFC000  }
.Ltmp1:
0x69: {  	[bflag:$0x0] =	sbarrier.arrive $0xFFFF;
	(pc) =	sbr.rel @p0 .LBB2_1-.Ltmp1, $4  }
0x6a: {  	[hbm:s10], [sflag:s6] =	dma.local [spmem:s14], $0x13C0  }
0x6b: {  	_ =	swait.ge [sflag:s15], $0x13C0  }
0x6c: {  	[sflag:s15] =	ssyncset.done $0x0  }
0x6d: {  	[sflag:s15] =	ssyncadd.s32 $0xFFFFEC40  }
0x6e: {  	_ =	sfence.sel $0x180000  }
0x6f: {  	[bflag:$0x0] =	sbarrier.arrive $0xFFFF  }
0x70: {  	p0 =	sne.s32 s0, $0x0;
	_ =	strace $0x9000004D  }
0x71: {  	s0 =	sadd.s32 @!p0 $0x100000, s1;
	[bflag:$0x2] =	sbarrier.arrive $0xFFFF  }
0x72: {  	[sflag:s0] =	ssyncadd.tile.s32 @!p0 $0x1;
	_ =	shalt  }
.Lfunc_end2:
_tile_overlayer_lowered:
.L_overlay_start_2:
0x73: {  	(tag) =	ssettag $0x2  }
0x74: {  	s0 =	rddreg [dreg:$0x0];
	s2 =	stileid.u32  }
0x75: {  	s1 =	rddreg [dreg:$0x1];
	p0 =	sne.s32 s2, $0x0  }
0x76: {  	s3 =	rddreg [dreg:$0x2];
	[bflag:$0x3] =	sbarrier.arrive $0xFFFF;
	s2 =	simm.s32 @!p0 $0x1C05  }
0x77: {  	[timem:s3], [sflag:s2] =	dma.local @!p0 [hbm:s0], s1  }
0x78: {  	s0 =	simm.s32 @!p0 $0x5  }
0x79: {  	_ =	swait.ge @!p0 [sflag:s0], s1  }
0x7a: {  	s1 =	ssub.s32 @!p0 $0x0, s1;
	[sflag:s0] =	ssyncset.done @!p0 $0x0  }
0x7b: {  	[sflag:s0] =	ssyncadd.s32 @!p0 s1  }
0x7c: {  	[bflag:$0x3] =	sbarrier.arrive $0xFFFF  }
0x7d: {  	_ =	shalt  }

// kernel: kernel.20.cloned.1.call-start
scs
__scs_entry_jumppad:
0x0: {  	(pc) =	sbr.rel $0x88, $3  }
0x1: {  	(tag) =	ssettag $0x0;
	lr =	simm.s32 $0x1  }
0x2: {  	[smem:$0x3F96] =	sst lr;
	_ =	strace $0xD0000000  }
0x3: {  	_ = 	snop  }
0x4: {  	_ = 	snop  }
0x5: {  	_ = 	snop  }
0x6: {  	_ = 	snop  }
0x7: {  	_ = 	snop  }
__scs_overlays_trampoline_lowered:
0x8: {  	[smem:$0x3FA5] =	sst s0  }
0x9: {  	[smem:$0x3FA6] =	sst s1  }
0xa: {  	[smem:$0x3FA7] =	sst s2  }
0xb: {  	[smem:$0x3FA8] =	sst s3  }
0xc: {  	[smem:$0x3FA9] =	sst s4  }
0xd: {  	[smem:$0x3FAA] =	sst s5  }
0xe: {  	[smem:$0x3FAB] =	sst s6  }
0xf: {  	[smem:$0x3FAC] =	sst s7  }
0x10: {  	[smem:$0x3FAD] =	sst s8  }
0x11: {  	[smem:$0x3FAE] =	sst s9;
	s0 =	simm.s32 @!p0 $0x0  }
0x12: {  	s1 =	sld [smem:$0x3F94];
	s0 =	simm.s32 @p0 $0x1  }
0x13: {  	[smem:$0x3FAF] =	sst s0;
	s0 =	simm.s32 @!p1 $0x0  }
0x14: {  	s2 =	sld [smem:$0x3F93];
	s0 =	simm.s32 @p1 $0x1  }
0x15: {  	[smem:$0x3FB0] =	sst s0;
	s0 =	simm.s32 @!p2 $0x0  }
0x16: {  	s3 =	sld [smem:$0x3FDB];
	s0 =	simm.s32 @p2 $0x1  }
0x17: {  	s4 =	simm.s32 $0x1BF5;
	[smem:$0x3FB2] =	sst s0  }
0x18: {  	s0 =	sld [smem:$0x3F95];
	_ =	swait.ge [sflag:s4], $0x0  }
0x19: {  	s7 =	sld [smem:$0x3F96]  }
0x1a: {  	s8 =	sadd.s32 $0xFFFFE003, lr  }
0x1b: {  	s9 =	sadd.s32 $0xFFFFFEF7, lr;
	s5 =	simm.s32 $0xFFFFFFFF;
	p2 =	slt.u32 s8, $0xFFFFF086  }
0x1c: {  	p1 =	slt.u32 s9, $0xF7A;
	s5 =	simm.s32 @!p2 $0x0  }
0x1d: {  	s5 =	simm.s32 @p1 $0x1;
	p0 =	seq.s32 s7, s2  }
0x1e: {  	s7 =	smul.u32 @!p0 $0xF7A, s2;
	p2 =	seq.s32 @!p0 s5, $0x0  }
0x1f: {  	s9 =	smul.u32 $0xF7A, s1;
	s8 =	simm.s32 @!p0 $0x1BF5;
	p2 =	por !p2, p0  }
0x20: {  	[sflag:s8] =	ssyncset.s32 @!p0 $0xFFFFF086;
	s6 =	sadd.s32 @!p0 s3, s7;
	s7 =	simm.s32 @!p0 $0x108  }
0x21: {  	s3 =	sadd.s32 s3, s9;
	s6 =	sadd.s32 @!p0 $0x88, s6;
	s7 =	simm.s32 @p2 $0x1082  }
0x22: {  	[simem:s7], [sflag:s8] =	dma.local @!p0 [hbm:s6], $0xF7A  }
0x23: {  	s9 =	sor.u32 $0xD0000000, s2;
	s6 =	simm.s32 $0x108;
	_ =	swait.ge @!p0 [sflag:s8], $0x0  }
0x24: {  	s3 =	sadd.s32 $0x88, s3;
	s6 =	simm.s32 @!p1 $0x1082;
	[sflag:s4] =	ssyncset.s32 $0xFFFFF086  }
0x25: {  	[simem:s6], [sflag:s4] =	dma.local [hbm:s3], $0xF7A  }
0x26: {  	[smem:$0x3F96] =	sst s1;
	(tag) =	ssettag s2;
	_ =	strace s9  }
0x27: {  	s1 =	sld [smem:$0x3FA6]  }
0x28: {  	s2 =	sld [smem:$0x3FA7]  }
0x29: {  	s4 =	sld [smem:$0x3FA9]  }
0x2a: {  	p0 =	seq.s32 s5, $0x0;
	s5 =	sld [smem:$0x3FAA]  }
0x2b: {  	s6 =	sld [smem:$0x3FAB]  }
0x2c: {  	s7 =	sld [smem:$0x3FAC]  }
0x2d: {  	s3 =	simm.s32 $0x108;
	s8 =	sld [smem:$0x3FAD]  }
0x2e: {  	s3 =	simm.s32 @!p0 $0x1082;
	s9 =	sld [smem:$0x3FAE]  }
0x2f: {  	lr =	sadd.s32 s0, s3;
	s0 =	sld [smem:$0x3FA5]  }
0x30: {  	s3 =	sld [smem:$0x3FA8]  }
0x31: {  	[smem:$0x3FB1] =	sst s10  }
0x32: {  	s10 =	sld [smem:$0x3FAF];
	_ =	sdelay $0x3  }
0x33: {  	p0 =	seq.s32 s10, $0x1;
	s10 =	sld [smem:$0x3FB1];
	_ =	sdelay $0x3  }
0x34: {  	[smem:$0x3FB1] =	sst s10  }
0x35: {  	s10 =	sld [smem:$0x3FB0];
	_ =	sdelay $0x3  }
0x36: {  	p1 =	seq.s32 s10, $0x1;
	s10 =	sld [smem:$0x3FB1];
	_ =	sdelay $0x3  }
0x37: {  	[smem:$0x3FB1] =	sst s10  }
0x38: {  	s10 =	sld [smem:$0x3FB2]  }
0x39: {  	_ = 	snop;
	(pc) =	sbr.ind lr, $3  }
0x3a: {  	_ = 	snop  }
0x3b: {  	_ = 	snop  }
0x3c: {  	p2 =	seq.s32 s10, $0x1;
	s10 =	sld [smem:$0x3FB1]  }
0x3d: {  	_ =	shalt  }
0x3e: {  	_ =	shalt  }
0x3f: {  	_ =	shalt  }
0x40: {  	_ =	shalt  }
0x41: {  	_ =	shalt  }
0x42: {  	_ =	shalt  }
0x43: {  	_ =	shalt  }
0x44: {  	_ =	shalt  }
0x45: {  	_ =	shalt  }
0x46: {  	_ =	shalt  }
0x47: {  	_ =	shalt  }
0x48: {  	_ =	shalt  }
0x49: {  	_ =	shalt  }
0x4a: {  	_ =	shalt  }
0x4b: {  	_ =	shalt  }
0x4c: {  	_ =	shalt  }
0x4d: {  	_ =	shalt  }
0x4e: {  	_ =	shalt  }
0x4f: {  	_ =	shalt  }
0x50: {  	_ =	shalt  }
0x51: {  	_ =	shalt  }
0x52: {  	_ =	shalt  }
0x53: {  	_ =	shalt  }
0x54: {  	_ =	shalt  }
0x55: {  	_ =	shalt  }
0x56: {  	_ =	shalt  }
0x57: {  	_ =	shalt  }
0x58: {  	_ =	shalt  }
0x59: {  	_ =	shalt  }
0x5a: {  	_ =	shalt  }
0x5b: {  	_ =	shalt  }
0x5c: {  	_ =	shalt  }
0x5d: {  	_ =	shalt  }
0x5e: {  	_ =	shalt  }
0x5f: {  	_ =	shalt  }
0x60: {  	_ =	shalt  }
0x61: {  	_ =	shalt  }
0x62: {  	_ =	shalt  }
0x63: {  	_ =	shalt  }
0x64: {  	_ =	shalt  }
0x65: {  	_ =	shalt  }
0x66: {  	_ =	shalt  }
0x67: {  	_ =	shalt  }
0x68: {  	_ =	shalt  }
0x69: {  	_ =	shalt  }
0x6a: {  	_ =	shalt  }
0x6b: {  	_ =	shalt  }
0x6c: {  	_ =	shalt  }
0x6d: {  	_ =	shalt  }
0x6e: {  	_ =	shalt  }
0x6f: {  	_ =	shalt  }
0x70: {  	_ =	shalt  }
0x71: {  	_ =	shalt  }
0x72: {  	_ =	shalt  }
0x73: {  	_ =	shalt  }
0x74: {  	_ =	shalt  }
0x75: {  	_ =	shalt  }
0x76: {  	_ =	shalt  }
0x77: {  	_ =	shalt  }
0x78: {  	_ =	shalt  }
0x79: {  	_ =	shalt  }
0x7a: {  	_ =	shalt  }
0x7b: {  	_ =	shalt  }
0x7c: {  	_ =	shalt  }
0x7d: {  	_ =	shalt  }
0x7e: {  	_ =	shalt  }
0x7f: {  	_ =	shalt  }
0x80: {  	_ =	shalt  }
0x81: {  	_ =	shalt  }
0x82: {  	_ =	shalt  }
0x83: {  	_ =	shalt  }
0x84: {  	_ =	shalt  }
0x85: {  	_ =	shalt  }
0x86: {  	_ =	shalt  }
0x87: {  	_ =	shalt  }
.Lfunc_end0:
.L_simem_size_0:
called_computation.3_lowered:
.L_overlay_start_0:
0x88: {  	s2 =	sld [smem:$0x3FD9]  }
0x89: {  	s3 =	sld [smem:$0x3FFE];
	_ =	sdelay $0x1  }
0x8a: {  	s1 =	srdreg.scid  }
0x8b: {  	s0 =	sand.u32 $0x1, s1  }
0x8c: {  	s16 =	sshll.u32 s0, $0xA;
	s2 =	sadd.s32 s3, s2  }
0x8d: {  	s2 =	sadd.s32 s2, s16  }
0x8e: {  	[smem:$0x3FBD] =	sst s2  }
0x8f: {  	_ = 	snop  }
0x90: {  	(tm) =	ssettm $0x1  }
0x91: {  	s17 =	sld [smem:$0x3FFB];
	_ =	sdelay $0x3  }
0x92: {  	_ =	strace s17  }
0x93: {  	s2 =	sld [smem:$0x3FFC];
	_ =	sdelay $0x3  }
0x94: {  	_ =	strace s2  }
0x95: {  	s2 =	sld [smem:$0x3FFD];
	_ =	sdelay $0x3  }
0x96: {  	_ =	strace s2  }
0x97: {  	_ =	strace $0x8FFFFFFF  }
0x98: {  	s18 =	sld [smem:$0x3FDB];
	_ =	sdelay $0x1  }
0x99: {  	s19 =	simm.s32 $_scs_section_size  }
0x9a: {  	s4 =	simm.s32 $_size__tile_overlayer_lowered;
	s5 =	simm.s32 $_tile_overlayer_lowered  }
0x9b: {  	s22 =	simm.s32 $0x1BFF;
	s21 =	sshll.u32 s5, $0x1;
	s2 =	sadd.s32 s19, s18  }
0x9c: {  	s6 =	simm.s32 $0x0;
	s20 =	sshll.u32 s4, $0x1;
	s4 =	sadd.s32 s21, s2  }
0x9d: {  	[timem:s6], [sflag:s22] =	dma.local [hbm:s4], s20  }
0x9e: {  	_ =	swait.ge [sflag:s22], s20  }
0x9f: {  	s3 =	ssub.s32 $0x0, s20;
	[sflag:s22] =	ssyncset.done $0x0  }
0xa0: {  	[sflag:s22] =	ssyncadd.s32 s3;
	_ =	sdelay $0x1  }
0xa1: {  	s23 =	simm.s32 $0x1B8B  }
0xa2: {  	_ =	swait.ge [sflag:s23], $0x1  }
0xa3: {  	[sflag:s23] =	ssyncset.done $0x0  }
0xa4: {  	s25 =	simm.s32 $0x1B8E;
	s24 =	sld [smem:$0x3FFE];
	[sflag:s23] =	ssyncadd.s32 $0xFFFFFFFF  }
0xa5: {  	s26 =	simm.s32 $execute0_lowered;
	[smem:$0x3FD2] =	sst s25  }
0xa6: {  	s4 =	sshll.u32 s26, $0x1;
	_ =	strace $0x8000004F;
	[dreg:$0x1] =	wrdreg $0xFFFFFFFF  }
0xa7: {  	s28 =	simm.s32 $_size_execute0_lowered;
	s2 =	sadd.s32 s2, s4;
	[dreg:$0x0] =	wrdreg $0x0  }
0xa8: {  	s4 =	sshll.u32 s28, $0x1;
	[dreg:$0x2] =	wrdreg s2  }
0xa9: {  	[dreg:$0x3] =	wrdreg s4  }
0xaa: {  	[dreg:$0x4] =	wrdreg $0xC0  }
0xab: {  	_ =	task [dreg:s6], $0x5FFFF  }
0xac: {  	[dreg:$0x1] =	wrdreg $0xFFFFFFFF  }
0xad: {  	[dreg:$0x0] =	wrdreg $0x60  }
0xae: {  	[dreg:$0x2] =	wrdreg s24  }
0xaf: {  	[dreg:$0x3] =	wrdreg $0x122000  }
0xb0: {  	[dreg:$0x4] =	wrdreg $0x84000  }
0xb1: {  	[dreg:$0x5] =	wrdreg $0x9  }
0xb2: {  	_ =	task.clear_ibuf [dreg:s6], $0x6FFFF;
	_ =	strace $0x9000004F  }
0xb3: {  	s29 =	simm.s32 $0x9;
	_ =	strace $0x80000051  }
0xb4: {  	_ =	swait.ge [sflag:s29], $0x1  }
0xb5: {  	[sflag:s29] =	ssyncadd.s32 $0xFFFFFFFF  }
0xb6: {  	_ =	strace $0x90000051  }
0xb7: {  	_ =	sfence  }
0xb8: {  	s30 =	sld [smem:$0x0];
	_ =	sdelay $0x2  }
0xb9: {  	s31 =	sshll.u32 s1, $0xD;
	s1 =	sshrl.u32 s1, $0x2  }
0xba: {  	s3 =	sand.u32 $0x4000, s31;
	s1 =	sadd.s32 s1, s30  }
0xbb: {  	s0 =	sor.u32 s3, s0;
	s1 =	sshll.u32 s1, $0x11  }
0xbc: {  	s0 =	sor.u32 s1, s0  }
0xbd: {  	s0 =	sadd.s32 $0x8F2B, s0  }
0xbe: {  	[sflag:s0] =	ssyncadd.remote.s32 $0x1  }
0xbf: {  	_ =	sfence.sel $0xFFFF  }
0xc0: {  	[dreg:$0x0] =	wrdreg $0xFFFFFFFF;
	(pc) =	sbr.abs _section_cstart, $3  }
0xc1: {  	[dreg:$0x1] =	wrdreg $0xFFFFFFFF  }
0xc2: {  	_ =	task.clear_ibuf [dreg:s6], $0x2FFFF;
	_ =	strace $0x9FFFFFFF  }
0xc3: {  	(tm) =	ssettm $0x7FFFFFFF  }
tec
execute0_lowered:
.L_overlay_start_1:
0x0: {  	(tag) =	ssettag $0x1  }
0x1: {  	s5 =	rddreg [dreg:$0x0]  }
0x2: {  	s2 =	rddreg [dreg:$0x1]  }
0x3: {  	s3 =	rddreg [dreg:$0x2];
	s0 =	stileid.u32  }
0x4: {  	s6 =	srdreg.scid;
	s1 =	rddreg [dreg:$0x3]  }
0x5: {  	s4 =	simm.s32 $0x0;
	s18 =	simm.s32 $0x400;
	s19 =	simm.s32 $0x200  }
0x6: {  	s20 =	simm.s32 $0x4400;
	s21 =	simm.s32 $0x1;
	s22 =	simm.s32 $0x2  }
0x7: {  	s23 =	simm.s32 $0x300;
	s7 =	smul.u32 $0x9E00, s0;
	s6 =	sand.u32 $0x1, s6  }
0x8: {  	[smem:$0x7FF] =	sst s4;
	s13 =	sadd.s32 $0x14200, s5;
	s28 =	smul.u32 $0x5000, s0  }
0x9: {  	s26 =	sshll.u32 s0, $0x6;
	s9 =	smul.u32 $0x9E000, s6;
	_ =	strace $0x80000050  }
0xa: {  	s10 =	ssub.s32 $0x2, s6;
	s11 =	sshll.u32 s6, $0x4;
	s25 =	smul.u32 $0x50000, s6  }
0xb: {  	s6 =	sor.u32 $0x1C05, s26;
	s26 =	simm.s32 $0x0;
	s8 =	sshrl.u32 s7, $0x3  }
0xc: {  	s12 =	sshrl.u32 s10, $0x1;
	s11 =	sor.u32 s0, s11;
	s15 =	sadd.s32 s7, s2  }
0xd: {  	s16 =	sadd.s32 s7, s3;
	s8 =	sadd.s32 s8, s5;
	s9 =	sadd.s32 s7, s9  }
0xe: {  	s12 =	ssub.s32 s10, s12;
	s24 =	smul.u32 $0x5000, s11;
	s11 =	sadd.s32 s28, s25  }
0xf: {  	s16 =	sshrl.u32 s16, $0x3;
	s25 =	simm.s32 $0x4;
	s9 =	sshrl.u32 s9, $0x3  }
0x10: {  	s29 =	sor.u32 $0x600, s11;
	s17 =	sor.u32 $0x400, s11;
	s11 =	smax.u32 s12, $0x1  }
0x11: {  	s14 =	sadd.s32 s9, s5;
	s5 =	sadd.s32 $0x8AE00, s8;
	s9 =	sshrl.u32 s24, $0x3  }
0x12: {  	s8 =	sadd.s32 $0x77200, s8;
	s30 =	sshrl.u32 s29, $0x3;
	s31 =	sshrl.u32 s17, $0x3  }
0x13: {  	s17 =	simm.s32 $0x100;
	s24 =	simm.s32 $0x3;
	s7 =	sadd.s32 s13, s9  }
0x14: {  	s10 =	sadd.s32 $0x9EA00, s14;
	s12 =	sadd.s32 s30, s13;
	s13 =	sadd.s32 s31, s13  }
0x15: {  	s14 =	sshrl.u32 s15, $0x3;
	s15 =	simm.s32 $0x5;
	s9 =	sadd.s32 $0x40, s7  }
.LBB2_1:
0x16: {  	[spmem:s14], [sflag:s6] =	dma.local [hbm:s5], $0x13C0  }
0x17: {  	_ =	swait.ge [sflag:s15], $0x13C0  }
0x18: {  	[sflag:s15] =	ssyncset.done $0x0  }
0x19: {  	[sflag:s15] =	ssyncadd.s32 $0xFFFFEC40  }
0x1a: {  	[spmem:s16], [sflag:s6] =	dma.local [hbm:s8], $0x13C0  }
0x1b: {  	_ =	swait.ge [sflag:s15], $0x13C0  }
0x1c: {  	[sflag:s15] =	ssyncset.done $0x0  }
0x1d: {  	[sflag:s15] =	ssyncadd.s32 $0xFFFFEC40  }
0x1e: {  	[bflag:$0x0] =	sbarrier.arrive $0xFFFF  }
0x1f: {  	[tilespmem:s4], [sflag:$0x5] =	stream.linear.gather [hbm4b:s7+s4], $0x200, $0x38;
	[tilespmem:$0x1C000] =	vst v63  }
0x20: {  	_ =	swait.ge [sflag:s15], $0x200  }
0x21: {  	[sflag:s15] =	ssyncset.done $0x0  }
0x22: {  	[sflag:s15] =	ssyncadd.s32 $0xFFFFFE00  }
0x23: {  	[tilespmem:s18], [sflag:$0x1] =	stream.indirect.gather [spmem:s3], $0x40, s4, s17, $0xb8;
	[tilespmem:$0x1C000] =	vst v63  }
0x24: {  	_ = 	snop  }
0x25: {  	[tilespmem:s19], [sflag:$0x5] =	stream.linear.gather [hbm4b:s9+s4], $0x200, $0x38;
	[tilespmem:$0x1C000] =	vst v63  }
0x26: {  	_ =	swait.ge [sflag:s15], $0x200  }
0x27: {  	[sflag:s15] =	ssyncset.done $0x0  }
0x28: {  	[sflag:s15] =	ssyncadd.s32 $0xFFFFFE00  }
0x29: {  	[tilespmem:s20], [sflag:$0x2] =	stream.indirect.gather [spmem:s3], $0x40, s19, s17, $0xb8;
	[tilespmem:$0x1C000] =	vst v63  }
0x2a: {  	_ =	swait.ge [sflag:s21], $0x4000  }
0x2b: {  	[sflag:s21] =	ssyncset.done $0x0  }
0x2c: {  	[sflag:s21] =	ssyncadd.s32 $0xFFFFC000  }
0x2d: {  	[spmem:s2] =	stream.indirect.scatter.add.f32 [tilespmem:s18], [sflag:$0x3], $0x40, s17, s17, $0xb8;
	[tilespmem:$0x1C000] =	vst v63  }
0x2e: {  	_ =	swait.ge [sflag:s22], $0x4000  }
0x2f: {  	[sflag:s22] =	ssyncset.done $0x0  }
0x30: {  	[sflag:s22] =	ssyncadd.s32 $0xFFFFC000  }
0x31: {  	[spmem:s2] =	stream.indirect.scatter.add.f32 [tilespmem:s20], [sflag:$0x4], $0x40, s23, s17, $0xb8;
	[tilespmem:$0x1C000] =	vst v63  }
0x32: {  	_ =	swait.ge [sflag:s24], $0x4000  }
0x33: {  	[sflag:s24] =	ssyncset.done $0x0  }
0x34: {  	s28 =	sadd.s32 $0x0, s13;
	[sflag:s24] =	ssyncadd.s32 $0xFFFFC000  }
0x35: {  	[tilespmem:s4], [sflag:$0x5] =	stream.linear.gather [hbm4b:s28+s4], $0x200, $0x38;
	[tilespmem:$0x1C000] =	vst v63  }
0x36: {  	_ =	swait.ge [sflag:s15], $0x200  }
0x37: {  	[sflag:s15] =	ssyncset.done $0x0  }
0x38: {  	[sflag:s15] =	ssyncadd.s32 $0xFFFFFE00  }
0x39: {  	[tilespmem:s18], [sflag:$0x1] =	stream.indirect.gather [spmem:s3], $0x40, s4, s17, $0xb8;
	[tilespmem:$0x1C000] =	vst v63  }
0x3a: {  	_ =	swait.ge [sflag:s25], $0x4000  }
0x3b: {  	[sflag:s25] =	ssyncset.done $0x0  }
0x3c: {  	s28 =	sadd.s32 $0x0, s12;
	[sflag:s25] =	ssyncadd.s32 $0xFFFFC000  }
0x3d: {  	[tilespmem:s19], [sflag:$0x5] =	stream.linear.gather [hbm4b:s28+s4], $0x200, $0x38;
	[tilespmem:$0x1C000] =	vst v63  }
0x3e: {  	_ =	swait.ge [sflag:s15], $0x200  }
0x3f: {  	[sflag:s15] =	ssyncset.done $0x0  }
0x40: {  	[sflag:s15] =	ssyncadd.s32 $0xFFFFFE00  }
0x41: {  	[tilespmem:s20], [sflag:$0x2] =	stream.indirect.gather [spmem:s3], $0x40, s19, s17, $0xb8;
	[tilespmem:$0x1C000] =	vst v63  }
0x42: {  	_ =	swait.ge [sflag:s21], $0x4000  }
0x43: {  	[sflag:s21] =	ssyncset.done $0x0  }
0x44: {  	[sflag:s21] =	ssyncadd.s32 $0xFFFFC000  }
0x45: {  	[spmem:s2] =	stream.indirect.scatter.add.f32 [tilespmem:s18], [sflag:$0x3], $0x40, s17, s17, $0xb8;
	[tilespmem:$0x1C000] =	vst v63  }
0x46: {  	_ =	swait.ge [sflag:s22], $0x4000  }
0x47: {  	[sflag:s22] =	ssyncset.done $0x0  }
0x48: {  	s28 =	simm.s32 $0x80;
	[sflag:s22] =	ssyncadd.s32 $0xFFFFC000  }
.LBB2_2:
0x49: {  	[spmem:s2] =	stream.indirect.scatter.add.f32 [tilespmem:s20], [sflag:$0x4], $0x40, s23, s17, $0xb8;
	[tilespmem:$0x1C000] =	vst v63  }
0x4a: {  	s29 =	smov.u32 s28  }
0x4b: {  	p0 =	sne.s32 s28, $0x900;
	s28 =	sadd.s32 $0x80, s28;
	_ =	swait.ge [sflag:s24], $0x4000  }
0x4c: {  	[sflag:s24] =	ssyncset.done $0x0  }
0x4d: {  	s30 =	sadd.s32 s29, s13;
	[sflag:s24] =	ssyncadd.s32 $0xFFFFC000  }
0x4e: {  	[tilespmem:s4], [sflag:$0x5] =	stream.linear.gather [hbm4b:s30+s4], $0x200, $0x38;
	[tilespmem:$0x1C000] =	vst v63  }
0x4f: {  	_ =	swait.ge [sflag:s15], $0x200  }
0x50: {  	[sflag:s15] =	ssyncset.done $0x0  }
0x51: {  	[sflag:s15] =	ssyncadd.s32 $0xFFFFFE00  }
0x52: {  	[tilespmem:s18], [sflag:$0x1] =	stream.indirect.gather [spmem:s3], $0x40, s4, s17, $0xb8;
	[tilespmem:$0x1C000] =	vst v63  }
0x53: {  	_ =	swait.ge [sflag:s25], $0x4000  }
0x54: {  	[sflag:s25] =	ssyncset.done $0x0  }
0x55: {  	s29 =	sadd.s32 s29, s12;
	[sflag:s25] =	ssyncadd.s32 $0xFFFFC000  }
0x56: {  	[tilespmem:s19], [sflag:$0x5] =	stream.linear.gather [hbm4b:s29+s4], $0x200, $0x38;
	[tilespmem:$0x1C000] =	vst v63  }
0x57: {  	_ =	swait.ge [sflag:s15], $0x200  }
0x58: {  	[sflag:s15] =	ssyncset.done $0x0  }
0x59: {  	[sflag:s15] =	ssyncadd.s32 $0xFFFFFE00  }
0x5a: {  	[tilespmem:s20], [sflag:$0x2] =	stream.indirect.gather [spmem:s3], $0x40, s19, s17, $0xb8;
	[tilespmem:$0x1C000] =	vst v63  }
0x5b: {  	_ =	swait.ge [sflag:s21], $0x4000  }
0x5c: {  	[sflag:s21] =	ssyncset.done $0x0  }
.Ltmp0:
0x5d: {  	[sflag:s21] =	ssyncadd.s32 $0xFFFFC000;
	(pc) =	sbr.rel @p0 .LBB2_2-.Ltmp0, $4  }
0x5e: {  	[spmem:s2] =	stream.indirect.scatter.add.f32 [tilespmem:s18], [sflag:$0x3], $0x40, s17, s17, $0xb8;
	[tilespmem:$0x1C000] =	vst v63  }
0x5f: {  	_ =	swait.ge [sflag:s22], $0x4000  }
0x60: {  	[sflag:s22] =	ssyncset.done $0x0  }
0x61: {  	[sflag:s22] =	ssyncadd.s32 $0xFFFFC000  }
0x62: {  	[spmem:s2] =	stream.indirect.scatter.add.f32 [tilespmem:s20], [sflag:$0x4], $0x40, s23, s17, $0xb8;
	[tilespmem:$0x1C000] =	vst v63  }
0x63: {  	_ =	swait.ge [sflag:s24], $0x4000  }
0x64: {  	[sflag:s24] =	ssyncset.done $0x0  }
0x65: {  	[sflag:s24] =	ssyncadd.s32 $0xFFFFC000  }
0x66: {  	_ =	swait.ge [sflag:s25], $0x4000  }
0x67: {  	s26 =	sadd.s32 $0x1, s26;
	[sflag:s25] =	ssyncset.done $0x0  }
0x68: {  	p0 =	sne.s32 s26, s11;
	[sflag:s25] =	ssyncadd.s32 $0xFFFFC000  }
.Ltmp1:
0x69: {  	[bflag:$0x0] =	sbarrier.arrive $0xFFFF;
	(pc) =	sbr.rel @p0 .LBB2_1-.Ltmp1, $4  }
0x6a: {  	[hbm:s10], [sflag:s6] =	dma.local [spmem:s14], $0x13C0  }
0x6b: {  	_ =	swait.ge [sflag:s15], $0x13C0  }
0x6c: {  	[sflag:s15] =	ssyncset.done $0x0  }
0x6d: {  	[sflag:s15] =	ssyncadd.s32 $0xFFFFEC40  }
0x6e: {  	_ =	sfence.sel $0x180000  }
0x6f: {  	[bflag:$0x0] =	sbarrier.arrive $0xFFFF  }
0x70: {  	p0 =	sne.s32 s0, $0x0;
	_ =	strace $0x90000050  }
0x71: {  	s0 =	sadd.s32 @!p0 $0x100000, s1;
	[bflag:$0x2] =	sbarrier.arrive $0xFFFF  }
0x72: {  	[sflag:s0] =	ssyncadd.tile.s32 @!p0 $0x1;
	_ =	shalt  }
.Lfunc_end2:
_tile_overlayer_lowered:
.L_overlay_start_2:
0x73: {  	(tag) =	ssettag $0x2  }
0x74: {  	s0 =	rddreg [dreg:$0x0];
	s2 =	stileid.u32  }
0x75: {  	s1 =	rddreg [dreg:$0x1];
	p0 =	sne.s32 s2, $0x0  }
0x76: {  	s3 =	rddreg [dreg:$0x2];
	[bflag:$0x3] =	sbarrier.arrive $0xFFFF;
	s2 =	simm.s32 @!p0 $0x1C05  }
0x77: {  	[timem:s3], [sflag:s2] =	dma.local @!p0 [hbm:s0], s1  }
0x78: {  	s0 =	simm.s32 @!p0 $0x5  }
0x79: {  	_ =	swait.ge @!p0 [sflag:s0], s1  }
0x7a: {  	s1 =	ssub.s32 @!p0 $0x0, s1;
	[sflag:s0] =	ssyncset.done @!p0 $0x0  }
0x7b: {  	[sflag:s0] =	ssyncadd.s32 @!p0 s1  }
0x7c: {  	[bflag:$0x3] =	sbarrier.arrive $0xFFFF  }
0x7d: {  	_ =	shalt  }

</sc_bundles>
